<compile_context>
chip_gen: v7x
topology: tpu7x:2x2x1
jax: 0.10.2.dev20260603
libtpu: 0.0.44.dev20260713+nightly
codegen_flags: <defaults>
</compile_context>

<pallas_src>
import jax
import jax.numpy as jnp
from jax import lax
from jax.experimental import pallas as pl
from jax.experimental.pallas import tpu as pltpu
from jax.experimental.pallas import tpu_sc as plsc

BATCH = 16384
LATENT = 64
NC = 2
NS = 16
NW = NC * NS
BPW = BATCH // NW
CHUNK = 128
NCHUNK = BPW // CHUNK


def _body(inv_idx, pos_idx, neg_idx, inv_tab, stk_tab,
          out_pos, out_neg,
          idx_inv, idx_pos, idx_neg,
          inv_rows, pos_rows, neg_rows,
          outp_v, outn_v, sem):
    wid = lax.axis_index("s") * NC + lax.axis_index("c")
    base = wid * BPW

    pltpu.sync_copy(inv_idx.at[wid], idx_inv)
    pltpu.sync_copy(pos_idx.at[wid], idx_pos)
    pltpu.sync_copy(neg_idx.at[wid], idx_neg)

    copies = []
    for j in range(NCHUNK):
        dst = pl.ds(j * CHUNK, CHUNK)
        copies.append(pltpu.async_copy(inv_tab.at[idx_inv.at[j]], inv_rows.at[dst], sem))
        copies.append(pltpu.async_copy(stk_tab.at[idx_pos.at[j]], pos_rows.at[dst], sem))
        copies.append(pltpu.async_copy(stk_tab.at[idx_neg.at[j]], neg_rows.at[dst], sem))
    for c in copies:
        c.wait()

    lanes = lax.broadcasted_iota(jnp.int32, (16,), 0)

    @plsc.parallel_loop(0, BPW // 16)
    def group(g):
        rows16 = g * 16 + lanes
        acc = [jnp.zeros((16,), jnp.float32) for _ in range(8)]
        for d in range(LATENT):
            dcol = jnp.full((16,), d, jnp.int32)
            a = plsc.load_gather(inv_rows, [rows16, dcol])
            p = plsc.load_gather(pos_rows, [rows16, dcol])
            n = plsc.load_gather(neg_rows, [rows16, dcol])
            k = d % 4
            acc[k] = acc[k] + a * p
            acc[4 + k] = acc[4 + k] + a * n
        outp_v[pl.ds(g * 16, 16)] = (acc[0] + acc[1]) + (acc[2] + acc[3])
        outn_v[pl.ds(g * 16, 16)] = (acc[4] + acc[5]) + (acc[6] + acc[7])

    pltpu.sync_copy(outp_v, out_pos.at[pl.ds(base, BPW)])
    pltpu.sync_copy(outn_v, out_neg.at[pl.ds(base, BPW)])


_mf_bpr = pl.kernel(
    _body,
    out_type=[
        jax.ShapeDtypeStruct((BATCH,), jnp.float32),
        jax.ShapeDtypeStruct((BATCH,), jnp.float32),
    ],
    mesh=plsc.VectorSubcoreMesh(core_axis_name="c", subcore_axis_name="s"),
    compiler_params=pltpu.CompilerParams(
        needs_layout_passes=False, use_tc_tiling_on_sc=False
    ),
    scratch_types=[
        pltpu.VMEM((NCHUNK, CHUNK), jnp.int32),
        pltpu.VMEM((NCHUNK, CHUNK), jnp.int32),
        pltpu.VMEM((NCHUNK, CHUNK), jnp.int32),
        pltpu.VMEM((BPW, LATENT), jnp.float32),
        pltpu.VMEM((BPW, LATENT), jnp.float32),
        pltpu.VMEM((BPW, LATENT), jnp.float32),
        pltpu.VMEM((BPW,), jnp.float32),
        pltpu.VMEM((BPW,), jnp.float32),
        pltpu.SemaphoreType.DMA,
    ],
)


@jax.jit
def kernel(investor, stock_positive, stock_negative, embed_investor, embed_stock):
    inv_idx = investor.astype(jnp.int32).reshape(NW, NCHUNK, CHUNK)
    pos_idx = stock_positive.astype(jnp.int32).reshape(NW, NCHUNK, CHUNK)
    neg_idx = stock_negative.astype(jnp.int32).reshape(NW, NCHUNK, CHUNK)
    out_p, out_n = _mf_bpr(inv_idx, pos_idx, neg_idx, embed_investor, embed_stock)
    return (out_p, out_n)

# --- scband reference (transcript-rebuilt; emitter-appended) ---
"""Pipeline reference for scband-mf-bpr-23716809408641 (READ-ONLY COPY).

The authoritative reference and input builder live on the scoring server;
editing this copy changes nothing except your own understanding.
"""

import jax, jax.numpy as jnp
import numpy as np

INVESTOR_NUM = 1000000
STOCK_NUM = 100000
LATENT = 64
BATCH = 16384

def setup_inputs(seed: int = 0) -> dict:
    key = jax.random.key(seed)
    k1, k2, k3, k4, k5 = jax.random.split(key, 5)
    investor = jax.random.randint(k1, (BATCH,), 0, INVESTOR_NUM, dtype=jnp.int64) if jax.config.jax_enable_x64 else jax.random.randint(k1, (BATCH,), 0, INVESTOR_NUM, dtype=jnp.int32)
    stock_positive = jax.random.randint(k2, (BATCH,), 0, STOCK_NUM, dtype=jnp.int32)
    stock_negative = jax.random.randint(k3, (BATCH,), 0, STOCK_NUM, dtype=jnp.int32)
    embed_investor = jax.random.normal(k4, (INVESTOR_NUM, LATENT), dtype=jnp.float32) * 0.01
    embed_stock = jax.random.normal(k5, (STOCK_NUM, LATENT), dtype=jnp.float32) * 0.01
    return {
        "investor": investor,
        "stock_positive": stock_positive,
        "stock_negative": stock_negative,
        "embed_investor": embed_investor,
        "embed_stock": embed_stock,
    }

def reference(investor, stock_positive, stock_negative, embed_investor, embed_stock):
    # embedding lookups (gather)
    inv_vec = jnp.take(embed_investor, investor, axis=0)
    pos_vec = jnp.take(embed_stock, stock_positive, axis=0)
    neg_vec = jnp.take(embed_stock, stock_negative, axis=0)
    prediction_positive = (inv_vec * pos_vec).sum(axis=-1)
    prediction_negative = (inv_vec * neg_vec).sum(axis=-1)
    return (prediction_positive, prediction_negative)

if __name__ == "__main__":
    import jax
    _d = setup_inputs()
    print(jax.jit(kernel)(*tuple(_d.values())))

</pallas_src>

<mosaic_0001>
#map = affine_map<(d0, d1) -> (0, 0, 0)>
#map1 = affine_map<(d0, d1) -> (0, 0)>
#map2 = affine_map<(d0, d1) -> (0)>
module attributes {stable_mosaic.version = 14 : i64} {
  func.func @_body(%arg0: i32, %arg1: i32, %arg2: memref<32x4x128xi32, #tpu.memory_space<hbm>>, %arg3: memref<32x4x128xi32, #tpu.memory_space<hbm>>, %arg4: memref<32x4x128xi32, #tpu.memory_space<hbm>>, %arg5: memref<1000000x64xf32, #tpu.memory_space<hbm>>, %arg6: memref<100000x64xf32, #tpu.memory_space<hbm>>, %arg7: memref<16384xf32, #tpu.memory_space<hbm>>, %arg8: memref<16384xf32, #tpu.memory_space<hbm>>, %arg9: memref<4x128xi32, #tpu.memory_space<vmem>>, %arg10: memref<4x128xi32, #tpu.memory_space<vmem>>, %arg11: memref<4x128xi32, #tpu.memory_space<vmem>>, %arg12: memref<512x64xf32, #tpu.memory_space<vmem>>, %arg13: memref<512x64xf32, #tpu.memory_space<vmem>>, %arg14: memref<512x64xf32, #tpu.memory_space<vmem>>, %arg15: memref<512xf32, #tpu.memory_space<vmem>>, %arg16: memref<512xf32, #tpu.memory_space<vmem>>, %arg17: memref<!tpu.dma_semaphore, #tpu.memory_space<semaphore_mem>>) attributes {dimension_semantics = [#tpu.dimension_semantics<core_parallel>, #tpu.dimension_semantics<subcore_parallel>], iteration_bounds = array<i64: 2, 16>, scalar_prefetch = 0 : i64, scratch_operands = 9 : i64, tpu.core_type = #tpu.core_type<sc_vector_subcore>, window_params = [{transform_indices = #map}, {transform_indices = #map}, {transform_indices = #map}, {transform_indices = #map1}, {transform_indices = #map1}, {transform_indices = #map2}, {transform_indices = #map2}]} {
    %mul3A = arith.constant 2 : i32
    %mul3A_0 = arith.muli %arg1, %mul3A : i32
    %add3A = arith.addi %mul3A_0, %arg0 : i32
    %mul3A_1 = arith.constant 512 : i32
    %mul3A_2 = arith.muli %add3A, %mul3A_1 : i32
    "tpu.region"() ({
      %run_scoped3A = tpu.sem_alloc : memref<!tpu.dma_semaphore, #tpu.memory_space<semaphore_mem>>
      %dma_start3A_243 = arith.constant 0 : i32
      %dma_start3A_244 = arith.constant 0 : i32
      %dma_start3A_245 = tpu.memref_slice %arg2[%add3A, %dma_start3A_243, %dma_start3A_244] : memref<32x4x128xi32, #tpu.memory_space<hbm>> -> memref<1x4x128xi32, #tpu.memory_space<hbm>>
      %dma_start3A_246 = tpu.memref_squeeze %dma_start3A_245 : memref<1x4x128xi32, #tpu.memory_space<hbm>> -> memref<4x128xi32, #tpu.memory_space<hbm>>
      %dma_start3A_247 = arith.constant 0 : i32
      %dma_start3A_248 = arith.constant 0 : i32
      %dma_start3A_249 = tpu.memref_slice %arg2[%add3A, %dma_start3A_247, %dma_start3A_248] : memref<32x4x128xi32, #tpu.memory_space<hbm>> -> memref<1x4x128xi32, #tpu.memory_space<hbm>>
      %dma_start3A_250 = tpu.memref_squeeze %dma_start3A_249 : memref<1x4x128xi32, #tpu.memory_space<hbm>> -> memref<4x128xi32, #tpu.memory_space<hbm>>
      tpu.enqueue_dma source(%dma_start3A_250 : memref<4x128xi32, #tpu.memory_space<hbm>>) target(%arg9 : memref<4x128xi32, #tpu.memory_space<vmem>>) target_semaphore(%run_scoped3A : memref<!tpu.dma_semaphore, #tpu.memory_space<semaphore_mem>>)
      %dma_wait3A_251 = arith.constant 0 : i32
      %dma_wait3A_252 = arith.constant 0 : i32
      %dma_wait3A_253 = tpu.memref_slice %arg2[%add3A, %dma_wait3A_251, %dma_wait3A_252] : memref<32x4x128xi32, #tpu.memory_space<hbm>> -> memref<1x4x128xi32, #tpu.memory_space<hbm>>
      %dma_wait3A_254 = tpu.memref_squeeze %dma_wait3A_253 : memref<1x4x128xi32, #tpu.memory_space<hbm>> -> memref<4x128xi32, #tpu.memory_space<hbm>>
      %dma_wait3A_255 = arith.constant 0 : i32
      %dma_wait3A_256 = arith.constant 0 : i32
      %dma_wait3A_257 = tpu.memref_slice %arg2[%add3A, %dma_wait3A_255, %dma_wait3A_256] : memref<32x4x128xi32, #tpu.memory_space<hbm>> -> memref<1x4x128xi32, #tpu.memory_space<hbm>>
      %dma_wait3A_258 = tpu.memref_squeeze %dma_wait3A_257 : memref<1x4x128xi32, #tpu.memory_space<hbm>> -> memref<4x128xi32, #tpu.memory_space<hbm>>
      tpu.wait_dma2 semaphore(%run_scoped3A : memref<!tpu.dma_semaphore, #tpu.memory_space<semaphore_mem>>) src(%dma_wait3A_258 : memref<4x128xi32, #tpu.memory_space<hbm>>) dst(%arg9 : memref<4x128xi32, #tpu.memory_space<vmem>>)
      tpu.yield
    }) : () -> ()
    "tpu.region"() ({
      %run_scoped3A = tpu.sem_alloc : memref<!tpu.dma_semaphore, #tpu.memory_space<semaphore_mem>>
      %dma_start3A_243 = arith.constant 0 : i32
      %dma_start3A_244 = arith.constant 0 : i32
      %dma_start3A_245 = tpu.memref_slice %arg3[%add3A, %dma_start3A_243, %dma_start3A_244] : memref<32x4x128xi32, #tpu.memory_space<hbm>> -> memref<1x4x128xi32, #tpu.memory_space<hbm>>
      %dma_start3A_246 = tpu.memref_squeeze %dma_start3A_245 : memref<1x4x128xi32, #tpu.memory_space<hbm>> -> memref<4x128xi32, #tpu.memory_space<hbm>>
      %dma_start3A_247 = arith.constant 0 : i32
      %dma_start3A_248 = arith.constant 0 : i32
      %dma_start3A_249 = tpu.memref_slice %arg3[%add3A, %dma_start3A_247, %dma_start3A_248] : memref<32x4x128xi32, #tpu.memory_space<hbm>> -> memref<1x4x128xi32, #tpu.memory_space<hbm>>
      %dma_start3A_250 = tpu.memref_squeeze %dma_start3A_249 : memref<1x4x128xi32, #tpu.memory_space<hbm>> -> memref<4x128xi32, #tpu.memory_space<hbm>>
      tpu.enqueue_dma source(%dma_start3A_250 : memref<4x128xi32, #tpu.memory_space<hbm>>) target(%arg10 : memref<4x128xi32, #tpu.memory_space<vmem>>) target_semaphore(%run_scoped3A : memref<!tpu.dma_semaphore, #tpu.memory_space<semaphore_mem>>)
      %dma_wait3A_251 = arith.constant 0 : i32
      %dma_wait3A_252 = arith.constant 0 : i32
      %dma_wait3A_253 = tpu.memref_slice %arg3[%add3A, %dma_wait3A_251, %dma_wait3A_252] : memref<32x4x128xi32, #tpu.memory_space<hbm>> -> memref<1x4x128xi32, #tpu.memory_space<hbm>>
      %dma_wait3A_254 = tpu.memref_squeeze %dma_wait3A_253 : memref<1x4x128xi32, #tpu.memory_space<hbm>> -> memref<4x128xi32, #tpu.memory_space<hbm>>
      %dma_wait3A_255 = arith.constant 0 : i32
      %dma_wait3A_256 = arith.constant 0 : i32
      %dma_wait3A_257 = tpu.memref_slice %arg3[%add3A, %dma_wait3A_255, %dma_wait3A_256] : memref<32x4x128xi32, #tpu.memory_space<hbm>> -> memref<1x4x128xi32, #tpu.memory_space<hbm>>
      %dma_wait3A_258 = tpu.memref_squeeze %dma_wait3A_257 : memref<1x4x128xi32, #tpu.memory_space<hbm>> -> memref<4x128xi32, #tpu.memory_space<hbm>>
      tpu.wait_dma2 semaphore(%run_scoped3A : memref<!tpu.dma_semaphore, #tpu.memory_space<semaphore_mem>>) src(%dma_wait3A_258 : memref<4x128xi32, #tpu.memory_space<hbm>>) dst(%arg10 : memref<4x128xi32, #tpu.memory_space<vmem>>)
      tpu.yield
    }) : () -> ()
    "tpu.region"() ({
      %run_scoped3A = tpu.sem_alloc : memref<!tpu.dma_semaphore, #tpu.memory_space<semaphore_mem>>
      %dma_start3A_243 = arith.constant 0 : i32
      %dma_start3A_244 = arith.constant 0 : i32
      %dma_start3A_245 = tpu.memref_slice %arg4[%add3A, %dma_start3A_243, %dma_start3A_244] : memref<32x4x128xi32, #tpu.memory_space<hbm>> -> memref<1x4x128xi32, #tpu.memory_space<hbm>>
      %dma_start3A_246 = tpu.memref_squeeze %dma_start3A_245 : memref<1x4x128xi32, #tpu.memory_space<hbm>> -> memref<4x128xi32, #tpu.memory_space<hbm>>
      %dma_start3A_247 = arith.constant 0 : i32
      %dma_start3A_248 = arith.constant 0 : i32
      %dma_start3A_249 = tpu.memref_slice %arg4[%add3A, %dma_start3A_247, %dma_start3A_248] : memref<32x4x128xi32, #tpu.memory_space<hbm>> -> memref<1x4x128xi32, #tpu.memory_space<hbm>>
      %dma_start3A_250 = tpu.memref_squeeze %dma_start3A_249 : memref<1x4x128xi32, #tpu.memory_space<hbm>> -> memref<4x128xi32, #tpu.memory_space<hbm>>
      tpu.enqueue_dma source(%dma_start3A_250 : memref<4x128xi32, #tpu.memory_space<hbm>>) target(%arg11 : memref<4x128xi32, #tpu.memory_space<vmem>>) target_semaphore(%run_scoped3A : memref<!tpu.dma_semaphore, #tpu.memory_space<semaphore_mem>>)
      %dma_wait3A_251 = arith.constant 0 : i32
      %dma_wait3A_252 = arith.constant 0 : i32
      %dma_wait3A_253 = tpu.memref_slice %arg4[%add3A, %dma_wait3A_251, %dma_wait3A_252] : memref<32x4x128xi32, #tpu.memory_space<hbm>> -> memref<1x4x128xi32, #tpu.memory_space<hbm>>
      %dma_wait3A_254 = tpu.memref_squeeze %dma_wait3A_253 : memref<1x4x128xi32, #tpu.memory_space<hbm>> -> memref<4x128xi32, #tpu.memory_space<hbm>>
      %dma_wait3A_255 = arith.constant 0 : i32
      %dma_wait3A_256 = arith.constant 0 : i32
      %dma_wait3A_257 = tpu.memref_slice %arg4[%add3A, %dma_wait3A_255, %dma_wait3A_256] : memref<32x4x128xi32, #tpu.memory_space<hbm>> -> memref<1x4x128xi32, #tpu.memory_space<hbm>>
      %dma_wait3A_258 = tpu.memref_squeeze %dma_wait3A_257 : memref<1x4x128xi32, #tpu.memory_space<hbm>> -> memref<4x128xi32, #tpu.memory_space<hbm>>
      tpu.wait_dma2 semaphore(%run_scoped3A : memref<!tpu.dma_semaphore, #tpu.memory_space<semaphore_mem>>) src(%dma_wait3A_258 : memref<4x128xi32, #tpu.memory_space<hbm>>) dst(%arg11 : memref<4x128xi32, #tpu.memory_space<vmem>>)
      tpu.yield
    }) : () -> ()
    %dma_start3A = arith.constant 0 : i32
    %dma_start3A_3 = arith.constant 0 : i32
    %dma_start3A_4 = arith.constant 0 : i32
    %dma_start3A_5 = tpu.memref_slice %arg12[%dma_start3A_3, %dma_start3A_4] : memref<512x64xf32, #tpu.memory_space<vmem>> -> memref<128x64xf32, #tpu.memory_space<vmem>>
    %dma_start3A_6 = arith.constant 0 : i32
    %dma_start3A_7 = tpu.memref_slice %arg9[%dma_start3A, %dma_start3A_6] : memref<4x128xi32, #tpu.memory_space<vmem>> -> memref<1x128xi32, #tpu.memory_space<vmem>>
    %dma_start3A_8 = tpu.memref_squeeze %dma_start3A_7 : memref<1x128xi32, #tpu.memory_space<vmem>> -> memref<128xi32, #tpu.memory_space<vmem>>
    %dma_start3A_9 = arith.constant 0 : i32
    %dma_start3A_10 = arith.constant 0 : i32
    %dma_start3A_11 = tpu.memref_slice %arg5[%dma_start3A_9, %dma_start3A_10] : memref<1000000x64xf32, #tpu.memory_space<hbm>> -> memref<1000000x64xf32, #tpu.memory_space<hbm>>
    tpu.enqueue_indirect_dma source(%dma_start3A_11 : memref<1000000x64xf32, #tpu.memory_space<hbm>>) target(%dma_start3A_5 : memref<128x64xf32, #tpu.memory_space<vmem>>) offsets(%dma_start3A_8 : memref<128xi32, #tpu.memory_space<vmem>>) semaphore(%arg17 : memref<!tpu.dma_semaphore, #tpu.memory_space<semaphore_mem>>)
    %dma_start3A_12 = arith.constant 0 : i32
    %dma_start3A_13 = arith.constant 0 : i32
    %dma_start3A_14 = arith.constant 0 : i32
    %dma_start3A_15 = tpu.memref_slice %arg13[%dma_start3A_13, %dma_start3A_14] : memref<512x64xf32, #tpu.memory_space<vmem>> -> memref<128x64xf32, #tpu.memory_space<vmem>>
    %dma_start3A_16 = arith.constant 0 : i32
    %dma_start3A_17 = tpu.memref_slice %arg10[%dma_start3A_12, %dma_start3A_16] : memref<4x128xi32, #tpu.memory_space<vmem>> -> memref<1x128xi32, #tpu.memory_space<vmem>>
    %dma_start3A_18 = tpu.memref_squeeze %dma_start3A_17 : memref<1x128xi32, #tpu.memory_space<vmem>> -> memref<128xi32, #tpu.memory_space<vmem>>
    %dma_start3A_19 = arith.constant 0 : i32
    %dma_start3A_20 = arith.constant 0 : i32
    %dma_start3A_21 = tpu.memref_slice %arg6[%dma_start3A_19, %dma_start3A_20] : memref<100000x64xf32, #tpu.memory_space<hbm>> -> memref<100000x64xf32, #tpu.memory_space<hbm>>
    tpu.enqueue_indirect_dma source(%dma_start3A_21 : memref<100000x64xf32, #tpu.memory_space<hbm>>) target(%dma_start3A_15 : memref<128x64xf32, #tpu.memory_space<vmem>>) offsets(%dma_start3A_18 : memref<128xi32, #tpu.memory_space<vmem>>) semaphore(%arg17 : memref<!tpu.dma_semaphore, #tpu.memory_space<semaphore_mem>>)
    %dma_start3A_22 = arith.constant 0 : i32
    %dma_start3A_23 = arith.constant 0 : i32
    %dma_start3A_24 = arith.constant 0 : i32
    %dma_start3A_25 = tpu.memref_slice %arg14[%dma_start3A_23, %dma_start3A_24] : memref<512x64xf32, #tpu.memory_space<vmem>> -> memref<128x64xf32, #tpu.memory_space<vmem>>
    %dma_start3A_26 = arith.constant 0 : i32
    %dma_start3A_27 = tpu.memref_slice %arg11[%dma_start3A_22, %dma_start3A_26] : memref<4x128xi32, #tpu.memory_space<vmem>> -> memref<1x128xi32, #tpu.memory_space<vmem>>
    %dma_start3A_28 = tpu.memref_squeeze %dma_start3A_27 : memref<1x128xi32, #tpu.memory_space<vmem>> -> memref<128xi32, #tpu.memory_space<vmem>>
    %dma_start3A_29 = arith.constant 0 : i32
    %dma_start3A_30 = arith.constant 0 : i32
    %dma_start3A_31 = tpu.memref_slice %arg6[%dma_start3A_29, %dma_start3A_30] : memref<100000x64xf32, #tpu.memory_space<hbm>> -> memref<100000x64xf32, #tpu.memory_space<hbm>>
    tpu.enqueue_indirect_dma source(%dma_start3A_31 : memref<100000x64xf32, #tpu.memory_space<hbm>>) target(%dma_start3A_25 : memref<128x64xf32, #tpu.memory_space<vmem>>) offsets(%dma_start3A_28 : memref<128xi32, #tpu.memory_space<vmem>>) semaphore(%arg17 : memref<!tpu.dma_semaphore, #tpu.memory_space<semaphore_mem>>)
    %dma_start3A_32 = arith.constant 1 : i32
    %dma_start3A_33 = arith.constant 128 : i32
    %dma_start3A_34 = arith.constant 0 : i32
    %dma_start3A_35 = tpu.memref_slice %arg12[%dma_start3A_33, %dma_start3A_34] : memref<512x64xf32, #tpu.memory_space<vmem>> -> memref<128x64xf32, #tpu.memory_space<vmem>>
    %dma_start3A_36 = arith.constant 0 : i32
    %dma_start3A_37 = tpu.memref_slice %arg9[%dma_start3A_32, %dma_start3A_36] : memref<4x128xi32, #tpu.memory_space<vmem>> -> memref<1x128xi32, #tpu.memory_space<vmem>>
    %dma_start3A_38 = tpu.memref_squeeze %dma_start3A_37 : memref<1x128xi32, #tpu.memory_space<vmem>> -> memref<128xi32, #tpu.memory_space<vmem>>
    %dma_start3A_39 = arith.constant 0 : i32
    %dma_start3A_40 = arith.constant 0 : i32
    %dma_start3A_41 = tpu.memref_slice %arg5[%dma_start3A_39, %dma_start3A_40] : memref<1000000x64xf32, #tpu.memory_space<hbm>> -> memref<1000000x64xf32, #tpu.memory_space<hbm>>
    tpu.enqueue_indirect_dma source(%dma_start3A_41 : memref<1000000x64xf32, #tpu.memory_space<hbm>>) target(%dma_start3A_35 : memref<128x64xf32, #tpu.memory_space<vmem>>) offsets(%dma_start3A_38 : memref<128xi32, #tpu.memory_space<vmem>>) semaphore(%arg17 : memref<!tpu.dma_semaphore, #tpu.memory_space<semaphore_mem>>)
    %dma_start3A_42 = arith.constant 1 : i32
    %dma_start3A_43 = arith.constant 128 : i32
    %dma_start3A_44 = arith.constant 0 : i32
    %dma_start3A_45 = tpu.memref_slice %arg13[%dma_start3A_43, %dma_start3A_44] : memref<512x64xf32, #tpu.memory_space<vmem>> -> memref<128x64xf32, #tpu.memory_space<vmem>>
    %dma_start3A_46 = arith.constant 0 : i32
    %dma_start3A_47 = tpu.memref_slice %arg10[%dma_start3A_42, %dma_start3A_46] : memref<4x128xi32, #tpu.memory_space<vmem>> -> memref<1x128xi32, #tpu.memory_space<vmem>>
    %dma_start3A_48 = tpu.memref_squeeze %dma_start3A_47 : memref<1x128xi32, #tpu.memory_space<vmem>> -> memref<128xi32, #tpu.memory_space<vmem>>
    %dma_start3A_49 = arith.constant 0 : i32
    %dma_start3A_50 = arith.constant 0 : i32
    %dma_start3A_51 = tpu.memref_slice %arg6[%dma_start3A_49, %dma_start3A_50] : memref<100000x64xf32, #tpu.memory_space<hbm>> -> memref<100000x64xf32, #tpu.memory_space<hbm>>
    tpu.enqueue_indirect_dma source(%dma_start3A_51 : memref<100000x64xf32, #tpu.memory_space<hbm>>) target(%dma_start3A_45 : memref<128x64xf32, #tpu.memory_space<vmem>>) offsets(%dma_start3A_48 : memref<128xi32, #tpu.memory_space<vmem>>) semaphore(%arg17 : memref<!tpu.dma_semaphore, #tpu.memory_space<semaphore_mem>>)
    %dma_start3A_52 = arith.constant 1 : i32
    %dma_start3A_53 = arith.constant 128 : i32
    %dma_start3A_54 = arith.constant 0 : i32
    %dma_start3A_55 = tpu.memref_slice %arg14[%dma_start3A_53, %dma_start3A_54] : memref<512x64xf32, #tpu.memory_space<vmem>> -> memref<128x64xf32, #tpu.memory_space<vmem>>
    %dma_start3A_56 = arith.constant 0 : i32
    %dma_start3A_57 = tpu.memref_slice %arg11[%dma_start3A_52, %dma_start3A_56] : memref<4x128xi32, #tpu.memory_space<vmem>> -> memref<1x128xi32, #tpu.memory_space<vmem>>
    %dma_start3A_58 = tpu.memref_squeeze %dma_start3A_57 : memref<1x128xi32, #tpu.memory_space<vmem>> -> memref<128xi32, #tpu.memory_space<vmem>>
    %dma_start3A_59 = arith.constant 0 : i32
    %dma_start3A_60 = arith.constant 0 : i32
    %dma_start3A_61 = tpu.memref_slice %arg6[%dma_start3A_59, %dma_start3A_60] : memref<100000x64xf32, #tpu.memory_space<hbm>> -> memref<100000x64xf32, #tpu.memory_space<hbm>>
    tpu.enqueue_indirect_dma source(%dma_start3A_61 : memref<100000x64xf32, #tpu.memory_space<hbm>>) target(%dma_start3A_55 : memref<128x64xf32, #tpu.memory_space<vmem>>) offsets(%dma_start3A_58 : memref<128xi32, #tpu.memory_space<vmem>>) semaphore(%arg17 : memref<!tpu.dma_semaphore, #tpu.memory_space<semaphore_mem>>)
    %dma_start3A_62 = arith.constant 2 : i32
    %dma_start3A_63 = arith.constant 256 : i32
    %dma_start3A_64 = arith.constant 0 : i32
    %dma_start3A_65 = tpu.memref_slice %arg12[%dma_start3A_63, %dma_start3A_64] : memref<512x64xf32, #tpu.memory_space<vmem>> -> memref<128x64xf32, #tpu.memory_space<vmem>>
    %dma_start3A_66 = arith.constant 0 : i32
    %dma_start3A_67 = tpu.memref_slice %arg9[%dma_start3A_62, %dma_start3A_66] : memref<4x128xi32, #tpu.memory_space<vmem>> -> memref<1x128xi32, #tpu.memory_space<vmem>>
    %dma_start3A_68 = tpu.memref_squeeze %dma_start3A_67 : memref<1x128xi32, #tpu.memory_space<vmem>> -> memref<128xi32, #tpu.memory_space<vmem>>
    %dma_start3A_69 = arith.constant 0 : i32
    %dma_start3A_70 = arith.constant 0 : i32
    %dma_start3A_71 = tpu.memref_slice %arg5[%dma_start3A_69, %dma_start3A_70] : memref<1000000x64xf32, #tpu.memory_space<hbm>> -> memref<1000000x64xf32, #tpu.memory_space<hbm>>
    tpu.enqueue_indirect_dma source(%dma_start3A_71 : memref<1000000x64xf32, #tpu.memory_space<hbm>>) target(%dma_start3A_65 : memref<128x64xf32, #tpu.memory_space<vmem>>) offsets(%dma_start3A_68 : memref<128xi32, #tpu.memory_space<vmem>>) semaphore(%arg17 : memref<!tpu.dma_semaphore, #tpu.memory_space<semaphore_mem>>)
    %dma_start3A_72 = arith.constant 2 : i32
    %dma_start3A_73 = arith.constant 256 : i32
    %dma_start3A_74 = arith.constant 0 : i32
    %dma_start3A_75 = tpu.memref_slice %arg13[%dma_start3A_73, %dma_start3A_74] : memref<512x64xf32, #tpu.memory_space<vmem>> -> memref<128x64xf32, #tpu.memory_space<vmem>>
    %dma_start3A_76 = arith.constant 0 : i32
    %dma_start3A_77 = tpu.memref_slice %arg10[%dma_start3A_72, %dma_start3A_76] : memref<4x128xi32, #tpu.memory_space<vmem>> -> memref<1x128xi32, #tpu.memory_space<vmem>>
    %dma_start3A_78 = tpu.memref_squeeze %dma_start3A_77 : memref<1x128xi32, #tpu.memory_space<vmem>> -> memref<128xi32, #tpu.memory_space<vmem>>
    %dma_start3A_79 = arith.constant 0 : i32
    %dma_start3A_80 = arith.constant 0 : i32
    %dma_start3A_81 = tpu.memref_slice %arg6[%dma_start3A_79, %dma_start3A_80] : memref<100000x64xf32, #tpu.memory_space<hbm>> -> memref<100000x64xf32, #tpu.memory_space<hbm>>
    tpu.enqueue_indirect_dma source(%dma_start3A_81 : memref<100000x64xf32, #tpu.memory_space<hbm>>) target(%dma_start3A_75 : memref<128x64xf32, #tpu.memory_space<vmem>>) offsets(%dma_start3A_78 : memref<128xi32, #tpu.memory_space<vmem>>) semaphore(%arg17 : memref<!tpu.dma_semaphore, #tpu.memory_space<semaphore_mem>>)
    %dma_start3A_82 = arith.constant 2 : i32
    %dma_start3A_83 = arith.constant 256 : i32
    %dma_start3A_84 = arith.constant 0 : i32
    %dma_start3A_85 = tpu.memref_slice %arg14[%dma_start3A_83, %dma_start3A_84] : memref<512x64xf32, #tpu.memory_space<vmem>> -> memref<128x64xf32, #tpu.memory_space<vmem>>
    %dma_start3A_86 = arith.constant 0 : i32
    %dma_start3A_87 = tpu.memref_slice %arg11[%dma_start3A_82, %dma_start3A_86] : memref<4x128xi32, #tpu.memory_space<vmem>> -> memref<1x128xi32, #tpu.memory_space<vmem>>
    %dma_start3A_88 = tpu.memref_squeeze %dma_start3A_87 : memref<1x128xi32, #tpu.memory_space<vmem>> -> memref<128xi32, #tpu.memory_space<vmem>>
    %dma_start3A_89 = arith.constant 0 : i32
    %dma_start3A_90 = arith.constant 0 : i32
    %dma_start3A_91 = tpu.memref_slice %arg6[%dma_start3A_89, %dma_start3A_90] : memref<100000x64xf32, #tpu.memory_space<hbm>> -> memref<100000x64xf32, #tpu.memory_space<hbm>>
    tpu.enqueue_indirect_dma source(%dma_start3A_91 : memref<100000x64xf32, #tpu.memory_space<hbm>>) target(%dma_start3A_85 : memref<128x64xf32, #tpu.memory_space<vmem>>) offsets(%dma_start3A_88 : memref<128xi32, #tpu.memory_space<vmem>>) semaphore(%arg17 : memref<!tpu.dma_semaphore, #tpu.memory_space<semaphore_mem>>)
    %dma_start3A_92 = arith.constant 3 : i32
    %dma_start3A_93 = arith.constant 384 : i32
    %dma_start3A_94 = arith.constant 0 : i32
    %dma_start3A_95 = tpu.memref_slice %arg12[%dma_start3A_93, %dma_start3A_94] : memref<512x64xf32, #tpu.memory_space<vmem>> -> memref<128x64xf32, #tpu.memory_space<vmem>>
    %dma_start3A_96 = arith.constant 0 : i32
    %dma_start3A_97 = tpu.memref_slice %arg9[%dma_start3A_92, %dma_start3A_96] : memref<4x128xi32, #tpu.memory_space<vmem>> -> memref<1x128xi32, #tpu.memory_space<vmem>>
    %dma_start3A_98 = tpu.memref_squeeze %dma_start3A_97 : memref<1x128xi32, #tpu.memory_space<vmem>> -> memref<128xi32, #tpu.memory_space<vmem>>
    %dma_start3A_99 = arith.constant 0 : i32
    %dma_start3A_100 = arith.constant 0 : i32
    %dma_start3A_101 = tpu.memref_slice %arg5[%dma_start3A_99, %dma_start3A_100] : memref<1000000x64xf32, #tpu.memory_space<hbm>> -> memref<1000000x64xf32, #tpu.memory_space<hbm>>
    tpu.enqueue_indirect_dma source(%dma_start3A_101 : memref<1000000x64xf32, #tpu.memory_space<hbm>>) target(%dma_start3A_95 : memref<128x64xf32, #tpu.memory_space<vmem>>) offsets(%dma_start3A_98 : memref<128xi32, #tpu.memory_space<vmem>>) semaphore(%arg17 : memref<!tpu.dma_semaphore, #tpu.memory_space<semaphore_mem>>)
    %dma_start3A_102 = arith.constant 3 : i32
    %dma_start3A_103 = arith.constant 384 : i32
    %dma_start3A_104 = arith.constant 0 : i32
    %dma_start3A_105 = tpu.memref_slice %arg13[%dma_start3A_103, %dma_start3A_104] : memref<512x64xf32, #tpu.memory_space<vmem>> -> memref<128x64xf32, #tpu.memory_space<vmem>>
    %dma_start3A_106 = arith.constant 0 : i32
    %dma_start3A_107 = tpu.memref_slice %arg10[%dma_start3A_102, %dma_start3A_106] : memref<4x128xi32, #tpu.memory_space<vmem>> -> memref<1x128xi32, #tpu.memory_space<vmem>>
    %dma_start3A_108 = tpu.memref_squeeze %dma_start3A_107 : memref<1x128xi32, #tpu.memory_space<vmem>> -> memref<128xi32, #tpu.memory_space<vmem>>
    %dma_start3A_109 = arith.constant 0 : i32
    %dma_start3A_110 = arith.constant 0 : i32
    %dma_start3A_111 = tpu.memref_slice %arg6[%dma_start3A_109, %dma_start3A_110] : memref<100000x64xf32, #tpu.memory_space<hbm>> -> memref<100000x64xf32, #tpu.memory_space<hbm>>
    tpu.enqueue_indirect_dma source(%dma_start3A_111 : memref<100000x64xf32, #tpu.memory_space<hbm>>) target(%dma_start3A_105 : memref<128x64xf32, #tpu.memory_space<vmem>>) offsets(%dma_start3A_108 : memref<128xi32, #tpu.memory_space<vmem>>) semaphore(%arg17 : memref<!tpu.dma_semaphore, #tpu.memory_space<semaphore_mem>>)
    %dma_start3A_112 = arith.constant 3 : i32
    %dma_start3A_113 = arith.constant 384 : i32
    %dma_start3A_114 = arith.constant 0 : i32
    %dma_start3A_115 = tpu.memref_slice %arg14[%dma_start3A_113, %dma_start3A_114] : memref<512x64xf32, #tpu.memory_space<vmem>> -> memref<128x64xf32, #tpu.memory_space<vmem>>
    %dma_start3A_116 = arith.constant 0 : i32
    %dma_start3A_117 = tpu.memref_slice %arg11[%dma_start3A_112, %dma_start3A_116] : memref<4x128xi32, #tpu.memory_space<vmem>> -> memref<1x128xi32, #tpu.memory_space<vmem>>
    %dma_start3A_118 = tpu.memref_squeeze %dma_start3A_117 : memref<1x128xi32, #tpu.memory_space<vmem>> -> memref<128xi32, #tpu.memory_space<vmem>>
    %dma_start3A_119 = arith.constant 0 : i32
    %dma_start3A_120 = arith.constant 0 : i32
    %dma_start3A_121 = tpu.memref_slice %arg6[%dma_start3A_119, %dma_start3A_120] : memref<100000x64xf32, #tpu.memory_space<hbm>> -> memref<100000x64xf32, #tpu.memory_space<hbm>>
    tpu.enqueue_indirect_dma source(%dma_start3A_121 : memref<100000x64xf32, #tpu.memory_space<hbm>>) target(%dma_start3A_115 : memref<128x64xf32, #tpu.memory_space<vmem>>) offsets(%dma_start3A_118 : memref<128xi32, #tpu.memory_space<vmem>>) semaphore(%arg17 : memref<!tpu.dma_semaphore, #tpu.memory_space<semaphore_mem>>)
    %dma_wait3A = arith.constant 0 : i32
    %dma_wait3A_122 = arith.constant 0 : i32
    %dma_wait3A_123 = arith.constant 0 : i32
    %dma_wait3A_124 = tpu.memref_slice %arg12[%dma_wait3A_122, %dma_wait3A_123] : memref<512x64xf32, #tpu.memory_space<vmem>> -> memref<128x64xf32, #tpu.memory_space<vmem>>
    %dma_wait3A_125 = arith.constant 0 : i32
    %dma_wait3A_126 = tpu.memref_slice %arg9[%dma_wait3A, %dma_wait3A_125] : memref<4x128xi32, #tpu.memory_space<vmem>> -> memref<1x128xi32, #tpu.memory_space<vmem>>
    %dma_wait3A_127 = tpu.memref_squeeze %dma_wait3A_126 : memref<1x128xi32, #tpu.memory_space<vmem>> -> memref<128xi32, #tpu.memory_space<vmem>>
    %dma_wait3A_128 = arith.constant 0 : i32
    %dma_wait3A_129 = arith.constant 0 : i32
    %dma_wait3A_130 = tpu.memref_slice %arg5[%dma_wait3A_128, %dma_wait3A_129] : memref<1000000x64xf32, #tpu.memory_space<hbm>> -> memref<1000000x64xf32, #tpu.memory_space<hbm>>
    tpu.wait_indirect_dma semaphore(%arg17 : memref<!tpu.dma_semaphore, #tpu.memory_space<semaphore_mem>>) src(%dma_wait3A_130 : memref<1000000x64xf32, #tpu.memory_space<hbm>>) dst(%dma_wait3A_124 : memref<128x64xf32, #tpu.memory_space<vmem>>)
    %dma_wait3A_131 = arith.constant 0 : i32
    %dma_wait3A_132 = arith.constant 0 : i32
    %dma_wait3A_133 = arith.constant 0 : i32
    %dma_wait3A_134 = tpu.memref_slice %arg13[%dma_wait3A_132, %dma_wait3A_133] : memref<512x64xf32, #tpu.memory_space<vmem>> -> memref<128x64xf32, #tpu.memory_space<vmem>>
    %dma_wait3A_135 = arith.constant 0 : i32
    %dma_wait3A_136 = tpu.memref_slice %arg10[%dma_wait3A_131, %dma_wait3A_135] : memref<4x128xi32, #tpu.memory_space<vmem>> -> memref<1x128xi32, #tpu.memory_space<vmem>>
    %dma_wait3A_137 = tpu.memref_squeeze %dma_wait3A_136 : memref<1x128xi32, #tpu.memory_space<vmem>> -> memref<128xi32, #tpu.memory_space<vmem>>
    %dma_wait3A_138 = arith.constant 0 : i32
    %dma_wait3A_139 = arith.constant 0 : i32
    %dma_wait3A_140 = tpu.memref_slice %arg6[%dma_wait3A_138, %dma_wait3A_139] : memref<100000x64xf32, #tpu.memory_space<hbm>> -> memref<100000x64xf32, #tpu.memory_space<hbm>>
    tpu.wait_indirect_dma semaphore(%arg17 : memref<!tpu.dma_semaphore, #tpu.memory_space<semaphore_mem>>) src(%dma_wait3A_140 : memref<100000x64xf32, #tpu.memory_space<hbm>>) dst(%dma_wait3A_134 : memref<128x64xf32, #tpu.memory_space<vmem>>)
    %dma_wait3A_141 = arith.constant 0 : i32
    %dma_wait3A_142 = arith.constant 0 : i32
    %dma_wait3A_143 = arith.constant 0 : i32
    %dma_wait3A_144 = tpu.memref_slice %arg14[%dma_wait3A_142, %dma_wait3A_143] : memref<512x64xf32, #tpu.memory_space<vmem>> -> memref<128x64xf32, #tpu.memory_space<vmem>>
    %dma_wait3A_145 = arith.constant 0 : i32
    %dma_wait3A_146 = tpu.memref_slice %arg11[%dma_wait3A_141, %dma_wait3A_145] : memref<4x128xi32, #tpu.memory_space<vmem>> -> memref<1x128xi32, #tpu.memory_space<vmem>>
    %dma_wait3A_147 = tpu.memref_squeeze %dma_wait3A_146 : memref<1x128xi32, #tpu.memory_space<vmem>> -> memref<128xi32, #tpu.memory_space<vmem>>
    %dma_wait3A_148 = arith.constant 0 : i32
    %dma_wait3A_149 = arith.constant 0 : i32
    %dma_wait3A_150 = tpu.memref_slice %arg6[%dma_wait3A_148, %dma_wait3A_149] : memref<100000x64xf32, #tpu.memory_space<hbm>> -> memref<100000x64xf32, #tpu.memory_space<hbm>>
    tpu.wait_indirect_dma semaphore(%arg17 : memref<!tpu.dma_semaphore, #tpu.memory_space<semaphore_mem>>) src(%dma_wait3A_150 : memref<100000x64xf32, #tpu.memory_space<hbm>>) dst(%dma_wait3A_144 : memref<128x64xf32, #tpu.memory_space<vmem>>)
    %dma_wait3A_151 = arith.constant 1 : i32
    %dma_wait3A_152 = arith.constant 128 : i32
    %dma_wait3A_153 = arith.constant 0 : i32
    %dma_wait3A_154 = tpu.memref_slice %arg12[%dma_wait3A_152, %dma_wait3A_153] : memref<512x64xf32, #tpu.memory_space<vmem>> -> memref<128x64xf32, #tpu.memory_space<vmem>>
    %dma_wait3A_155 = arith.constant 0 : i32
    %dma_wait3A_156 = tpu.memref_slice %arg9[%dma_wait3A_151, %dma_wait3A_155] : memref<4x128xi32, #tpu.memory_space<vmem>> -> memref<1x128xi32, #tpu.memory_space<vmem>>
    %dma_wait3A_157 = tpu.memref_squeeze %dma_wait3A_156 : memref<1x128xi32, #tpu.memory_space<vmem>> -> memref<128xi32, #tpu.memory_space<vmem>>
    %dma_wait3A_158 = arith.constant 0 : i32
    %dma_wait3A_159 = arith.constant 0 : i32
    %dma_wait3A_160 = tpu.memref_slice %arg5[%dma_wait3A_158, %dma_wait3A_159] : memref<1000000x64xf32, #tpu.memory_space<hbm>> -> memref<1000000x64xf32, #tpu.memory_space<hbm>>
    tpu.wait_indirect_dma semaphore(%arg17 : memref<!tpu.dma_semaphore, #tpu.memory_space<semaphore_mem>>) src(%dma_wait3A_160 : memref<1000000x64xf32, #tpu.memory_space<hbm>>) dst(%dma_wait3A_154 : memref<128x64xf32, #tpu.memory_space<vmem>>)
    %dma_wait3A_161 = arith.constant 1 : i32
    %dma_wait3A_162 = arith.constant 128 : i32
    %dma_wait3A_163 = arith.constant 0 : i32
    %dma_wait3A_164 = tpu.memref_slice %arg13[%dma_wait3A_162, %dma_wait3A_163] : memref<512x64xf32, #tpu.memory_space<vmem>> -> memref<128x64xf32, #tpu.memory_space<vmem>>
    %dma_wait3A_165 = arith.constant 0 : i32
    %dma_wait3A_166 = tpu.memref_slice %arg10[%dma_wait3A_161, %dma_wait3A_165] : memref<4x128xi32, #tpu.memory_space<vmem>> -> memref<1x128xi32, #tpu.memory_space<vmem>>
    %dma_wait3A_167 = tpu.memref_squeeze %dma_wait3A_166 : memref<1x128xi32, #tpu.memory_space<vmem>> -> memref<128xi32, #tpu.memory_space<vmem>>
    %dma_wait3A_168 = arith.constant 0 : i32
    %dma_wait3A_169 = arith.constant 0 : i32
    %dma_wait3A_170 = tpu.memref_slice %arg6[%dma_wait3A_168, %dma_wait3A_169] : memref<100000x64xf32, #tpu.memory_space<hbm>> -> memref<100000x64xf32, #tpu.memory_space<hbm>>
    tpu.wait_indirect_dma semaphore(%arg17 : memref<!tpu.dma_semaphore, #tpu.memory_space<semaphore_mem>>) src(%dma_wait3A_170 : memref<100000x64xf32, #tpu.memory_space<hbm>>) dst(%dma_wait3A_164 : memref<128x64xf32, #tpu.memory_space<vmem>>)
    %dma_wait3A_171 = arith.constant 1 : i32
    %dma_wait3A_172 = arith.constant 128 : i32
    %dma_wait3A_173 = arith.constant 0 : i32
    %dma_wait3A_174 = tpu.memref_slice %arg14[%dma_wait3A_172, %dma_wait3A_173] : memref<512x64xf32, #tpu.memory_space<vmem>> -> memref<128x64xf32, #tpu.memory_space<vmem>>
    %dma_wait3A_175 = arith.constant 0 : i32
    %dma_wait3A_176 = tpu.memref_slice %arg11[%dma_wait3A_171, %dma_wait3A_175] : memref<4x128xi32, #tpu.memory_space<vmem>> -> memref<1x128xi32, #tpu.memory_space<vmem>>
    %dma_wait3A_177 = tpu.memref_squeeze %dma_wait3A_176 : memref<1x128xi32, #tpu.memory_space<vmem>> -> memref<128xi32, #tpu.memory_space<vmem>>
    %dma_wait3A_178 = arith.constant 0 : i32
    %dma_wait3A_179 = arith.constant 0 : i32
    %dma_wait3A_180 = tpu.memref_slice %arg6[%dma_wait3A_178, %dma_wait3A_179] : memref<100000x64xf32, #tpu.memory_space<hbm>> -> memref<100000x64xf32, #tpu.memory_space<hbm>>
    tpu.wait_indirect_dma semaphore(%arg17 : memref<!tpu.dma_semaphore, #tpu.memory_space<semaphore_mem>>) src(%dma_wait3A_180 : memref<100000x64xf32, #tpu.memory_space<hbm>>) dst(%dma_wait3A_174 : memref<128x64xf32, #tpu.memory_space<vmem>>)
    %dma_wait3A_181 = arith.constant 2 : i32
    %dma_wait3A_182 = arith.constant 256 : i32
    %dma_wait3A_183 = arith.constant 0 : i32
    %dma_wait3A_184 = tpu.memref_slice %arg12[%dma_wait3A_182, %dma_wait3A_183] : memref<512x64xf32, #tpu.memory_space<vmem>> -> memref<128x64xf32, #tpu.memory_space<vmem>>
    %dma_wait3A_185 = arith.constant 0 : i32
    %dma_wait3A_186 = tpu.memref_slice %arg9[%dma_wait3A_181, %dma_wait3A_185] : memref<4x128xi32, #tpu.memory_space<vmem>> -> memref<1x128xi32, #tpu.memory_space<vmem>>
    %dma_wait3A_187 = tpu.memref_squeeze %dma_wait3A_186 : memref<1x128xi32, #tpu.memory_space<vmem>> -> memref<128xi32, #tpu.memory_space<vmem>>
    %dma_wait3A_188 = arith.constant 0 : i32
    %dma_wait3A_189 = arith.constant 0 : i32
    %dma_wait3A_190 = tpu.memref_slice %arg5[%dma_wait3A_188, %dma_wait3A_189] : memref<1000000x64xf32, #tpu.memory_space<hbm>> -> memref<1000000x64xf32, #tpu.memory_space<hbm>>
    tpu.wait_indirect_dma semaphore(%arg17 : memref<!tpu.dma_semaphore, #tpu.memory_space<semaphore_mem>>) src(%dma_wait3A_190 : memref<1000000x64xf32, #tpu.memory_space<hbm>>) dst(%dma_wait3A_184 : memref<128x64xf32, #tpu.memory_space<vmem>>)
    %dma_wait3A_191 = arith.constant 2 : i32
    %dma_wait3A_192 = arith.constant 256 : i32
    %dma_wait3A_193 = arith.constant 0 : i32
    %dma_wait3A_194 = tpu.memref_slice %arg13[%dma_wait3A_192, %dma_wait3A_193] : memref<512x64xf32, #tpu.memory_space<vmem>> -> memref<128x64xf32, #tpu.memory_space<vmem>>
    %dma_wait3A_195 = arith.constant 0 : i32
    %dma_wait3A_196 = tpu.memref_slice %arg10[%dma_wait3A_191, %dma_wait3A_195] : memref<4x128xi32, #tpu.memory_space<vmem>> -> memref<1x128xi32, #tpu.memory_space<vmem>>
    %dma_wait3A_197 = tpu.memref_squeeze %dma_wait3A_196 : memref<1x128xi32, #tpu.memory_space<vmem>> -> memref<128xi32, #tpu.memory_space<vmem>>
    %dma_wait3A_198 = arith.constant 0 : i32
    %dma_wait3A_199 = arith.constant 0 : i32
    %dma_wait3A_200 = tpu.memref_slice %arg6[%dma_wait3A_198, %dma_wait3A_199] : memref<100000x64xf32, #tpu.memory_space<hbm>> -> memref<100000x64xf32, #tpu.memory_space<hbm>>
    tpu.wait_indirect_dma semaphore(%arg17 : memref<!tpu.dma_semaphore, #tpu.memory_space<semaphore_mem>>) src(%dma_wait3A_200 : memref<100000x64xf32, #tpu.memory_space<hbm>>) dst(%dma_wait3A_194 : memref<128x64xf32, #tpu.memory_space<vmem>>)
    %dma_wait3A_201 = arith.constant 2 : i32
    %dma_wait3A_202 = arith.constant 256 : i32
    %dma_wait3A_203 = arith.constant 0 : i32
    %dma_wait3A_204 = tpu.memref_slice %arg14[%dma_wait3A_202, %dma_wait3A_203] : memref<512x64xf32, #tpu.memory_space<vmem>> -> memref<128x64xf32, #tpu.memory_space<vmem>>
    %dma_wait3A_205 = arith.constant 0 : i32
    %dma_wait3A_206 = tpu.memref_slice %arg11[%dma_wait3A_201, %dma_wait3A_205] : memref<4x128xi32, #tpu.memory_space<vmem>> -> memref<1x128xi32, #tpu.memory_space<vmem>>
    %dma_wait3A_207 = tpu.memref_squeeze %dma_wait3A_206 : memref<1x128xi32, #tpu.memory_space<vmem>> -> memref<128xi32, #tpu.memory_space<vmem>>
    %dma_wait3A_208 = arith.constant 0 : i32
    %dma_wait3A_209 = arith.constant 0 : i32
    %dma_wait3A_210 = tpu.memref_slice %arg6[%dma_wait3A_208, %dma_wait3A_209] : memref<100000x64xf32, #tpu.memory_space<hbm>> -> memref<100000x64xf32, #tpu.memory_space<hbm>>
    tpu.wait_indirect_dma semaphore(%arg17 : memref<!tpu.dma_semaphore, #tpu.memory_space<semaphore_mem>>) src(%dma_wait3A_210 : memref<100000x64xf32, #tpu.memory_space<hbm>>) dst(%dma_wait3A_204 : memref<128x64xf32, #tpu.memory_space<vmem>>)
    %dma_wait3A_211 = arith.constant 3 : i32
    %dma_wait3A_212 = arith.constant 384 : i32
    %dma_wait3A_213 = arith.constant 0 : i32
    %dma_wait3A_214 = tpu.memref_slice %arg12[%dma_wait3A_212, %dma_wait3A_213] : memref<512x64xf32, #tpu.memory_space<vmem>> -> memref<128x64xf32, #tpu.memory_space<vmem>>
    %dma_wait3A_215 = arith.constant 0 : i32
    %dma_wait3A_216 = tpu.memref_slice %arg9[%dma_wait3A_211, %dma_wait3A_215] : memref<4x128xi32, #tpu.memory_space<vmem>> -> memref<1x128xi32, #tpu.memory_space<vmem>>
    %dma_wait3A_217 = tpu.memref_squeeze %dma_wait3A_216 : memref<1x128xi32, #tpu.memory_space<vmem>> -> memref<128xi32, #tpu.memory_space<vmem>>
    %dma_wait3A_218 = arith.constant 0 : i32
    %dma_wait3A_219 = arith.constant 0 : i32
    %dma_wait3A_220 = tpu.memref_slice %arg5[%dma_wait3A_218, %dma_wait3A_219] : memref<1000000x64xf32, #tpu.memory_space<hbm>> -> memref<1000000x64xf32, #tpu.memory_space<hbm>>
    tpu.wait_indirect_dma semaphore(%arg17 : memref<!tpu.dma_semaphore, #tpu.memory_space<semaphore_mem>>) src(%dma_wait3A_220 : memref<1000000x64xf32, #tpu.memory_space<hbm>>) dst(%dma_wait3A_214 : memref<128x64xf32, #tpu.memory_space<vmem>>)
    %dma_wait3A_221 = arith.constant 3 : i32
    %dma_wait3A_222 = arith.constant 384 : i32
    %dma_wait3A_223 = arith.constant 0 : i32
    %dma_wait3A_224 = tpu.memref_slice %arg13[%dma_wait3A_222, %dma_wait3A_223] : memref<512x64xf32, #tpu.memory_space<vmem>> -> memref<128x64xf32, #tpu.memory_space<vmem>>
    %dma_wait3A_225 = arith.constant 0 : i32
    %dma_wait3A_226 = tpu.memref_slice %arg10[%dma_wait3A_221, %dma_wait3A_225] : memref<4x128xi32, #tpu.memory_space<vmem>> -> memref<1x128xi32, #tpu.memory_space<vmem>>
    %dma_wait3A_227 = tpu.memref_squeeze %dma_wait3A_226 : memref<1x128xi32, #tpu.memory_space<vmem>> -> memref<128xi32, #tpu.memory_space<vmem>>
    %dma_wait3A_228 = arith.constant 0 : i32
    %dma_wait3A_229 = arith.constant 0 : i32
    %dma_wait3A_230 = tpu.memref_slice %arg6[%dma_wait3A_228, %dma_wait3A_229] : memref<100000x64xf32, #tpu.memory_space<hbm>> -> memref<100000x64xf32, #tpu.memory_space<hbm>>
    tpu.wait_indirect_dma semaphore(%arg17 : memref<!tpu.dma_semaphore, #tpu.memory_space<semaphore_mem>>) src(%dma_wait3A_230 : memref<100000x64xf32, #tpu.memory_space<hbm>>) dst(%dma_wait3A_224 : memref<128x64xf32, #tpu.memory_space<vmem>>)
    %dma_wait3A_231 = arith.constant 3 : i32
    %dma_wait3A_232 = arith.constant 384 : i32
    %dma_wait3A_233 = arith.constant 0 : i32
    %dma_wait3A_234 = tpu.memref_slice %arg14[%dma_wait3A_232, %dma_wait3A_233] : memref<512x64xf32, #tpu.memory_space<vmem>> -> memref<128x64xf32, #tpu.memory_space<vmem>>
    %dma_wait3A_235 = arith.constant 0 : i32
    %dma_wait3A_236 = tpu.memref_slice %arg11[%dma_wait3A_231, %dma_wait3A_235] : memref<4x128xi32, #tpu.memory_space<vmem>> -> memref<1x128xi32, #tpu.memory_space<vmem>>
    %dma_wait3A_237 = tpu.memref_squeeze %dma_wait3A_236 : memref<1x128xi32, #tpu.memory_space<vmem>> -> memref<128xi32, #tpu.memory_space<vmem>>
    %dma_wait3A_238 = arith.constant 0 : i32
    %dma_wait3A_239 = arith.constant 0 : i32
    %dma_wait3A_240 = tpu.memref_slice %arg6[%dma_wait3A_238, %dma_wait3A_239] : memref<100000x64xf32, #tpu.memory_space<hbm>> -> memref<100000x64xf32, #tpu.memory_space<hbm>>
    tpu.wait_indirect_dma semaphore(%arg17 : memref<!tpu.dma_semaphore, #tpu.memory_space<semaphore_mem>>) src(%dma_wait3A_240 : memref<100000x64xf32, #tpu.memory_space<hbm>>) dst(%dma_wait3A_234 : memref<128x64xf32, #tpu.memory_space<vmem>>)
    %iota3A = tpu.iota {dimensions = array<i32: 0>} : vector<16xi32>
    %parallel_loop3A = arith.constant 0 : i32
    %parallel_loop3A_241 = arith.constant 32 : i32
    %parallel_loop3A_242 = arith.constant 1 : i32
    scf.for %parallel_loop3A_243 = %parallel_loop3A to %parallel_loop3A_241 step %parallel_loop3A_242  : i32 {
      %parallel_loop3A_244 = arith.constant 16 : i32
      %parallel_loop3A_245 = arith.muli %parallel_loop3A_243, %parallel_loop3A_244 : i32
      %parallel_loop3A_246 = vector.broadcast %parallel_loop3A_245 : i32 to vector<16xi32>
      %parallel_loop3A_247 = arith.addi %parallel_loop3A_246, %iota3A : vector<16xi32>
      %parallel_loop3A_248 = arith.constant 0.000000e+00 : f32
      %parallel_loop3A_249 = vector.broadcast %parallel_loop3A_248 : f32 to vector<16xf32>
      %parallel_loop3A_250 = arith.constant 0.000000e+00 : f32
      %parallel_loop3A_251 = vector.broadcast %parallel_loop3A_250 : f32 to vector<16xf32>
      %parallel_loop3A_252 = arith.constant 0.000000e+00 : f32
      %parallel_loop3A_253 = vector.broadcast %parallel_loop3A_252 : f32 to vector<16xf32>
      %parallel_loop3A_254 = arith.constant 0.000000e+00 : f32
      %parallel_loop3A_255 = vector.broadcast %parallel_loop3A_254 : f32 to vector<16xf32>
      %parallel_loop3A_256 = arith.constant 0.000000e+00 : f32
      %parallel_loop3A_257 = vector.broadcast %parallel_loop3A_256 : f32 to vector<16xf32>
      %parallel_loop3A_258 = arith.constant 0.000000e+00 : f32
      %parallel_loop3A_259 = vector.broadcast %parallel_loop3A_258 : f32 to vector<16xf32>
      %parallel_loop3A_260 = arith.constant 0.000000e+00 : f32
      %parallel_loop3A_261 = vector.broadcast %parallel_loop3A_260 : f32 to vector<16xf32>
      %parallel_loop3A_262 = arith.constant 0.000000e+00 : f32
      %parallel_loop3A_263 = vector.broadcast %parallel_loop3A_262 : f32 to vector<16xf32>
      %parallel_loop3A_264 = arith.constant 0 : i32
      %parallel_loop3A_265 = vector.broadcast %parallel_loop3A_264 : i32 to vector<16xi32>
      %parallel_loop3A_266 = tpu.vector_load_idx %arg12[%parallel_loop3A_247, %parallel_loop3A_265] : memref<512x64xf32, #tpu.memory_space<vmem>>[vector<16xi32>, vector<16xi32>], vector<16xf32>,
      %parallel_loop3A_267 = tpu.vector_load_idx %arg13[%parallel_loop3A_247, %parallel_loop3A_265] : memref<512x64xf32, #tpu.memory_space<vmem>>[vector<16xi32>, vector<16xi32>], vector<16xf32>,
      %parallel_loop3A_268 = tpu.vector_load_idx %arg14[%parallel_loop3A_247, %parallel_loop3A_265] : memref<512x64xf32, #tpu.memory_space<vmem>>[vector<16xi32>, vector<16xi32>], vector<16xf32>,
      %parallel_loop3A_269 = arith.mulf %parallel_loop3A_266, %parallel_loop3A_267 : vector<16xf32>
      %parallel_loop3A_270 = arith.addf %parallel_loop3A_249, %parallel_loop3A_269 : vector<16xf32>
      %parallel_loop3A_271 = arith.mulf %parallel_loop3A_266, %parallel_loop3A_268 : vector<16xf32>
      %parallel_loop3A_272 = arith.addf %parallel_loop3A_257, %parallel_loop3A_271 : vector<16xf32>
      %parallel_loop3A_273 = arith.constant 1 : i32
      %parallel_loop3A_274 = vector.broadcast %parallel_loop3A_273 : i32 to vector<16xi32>
      %parallel_loop3A_275 = tpu.vector_load_idx %arg12[%parallel_loop3A_247, %parallel_loop3A_274] : memref<512x64xf32, #tpu.memory_space<vmem>>[vector<16xi32>, vector<16xi32>], vector<16xf32>,
      %parallel_loop3A_276 = tpu.vector_load_idx %arg13[%parallel_loop3A_247, %parallel_loop3A_274] : memref<512x64xf32, #tpu.memory_space<vmem>>[vector<16xi32>, vector<16xi32>], vector<16xf32>,
      %parallel_loop3A_277 = tpu.vector_load_idx %arg14[%parallel_loop3A_247, %parallel_loop3A_274] : memref<512x64xf32, #tpu.memory_space<vmem>>[vector<16xi32>, vector<16xi32>], vector<16xf32>,
      %parallel_loop3A_278 = arith.mulf %parallel_loop3A_275, %parallel_loop3A_276 : vector<16xf32>
      %parallel_loop3A_279 = arith.addf %parallel_loop3A_251, %parallel_loop3A_278 : vector<16xf32>
      %parallel_loop3A_280 = arith.mulf %parallel_loop3A_275, %parallel_loop3A_277 : vector<16xf32>
      %parallel_loop3A_281 = arith.addf %parallel_loop3A_259, %parallel_loop3A_280 : vector<16xf32>
      %parallel_loop3A_282 = arith.constant 2 : i32
      %parallel_loop3A_283 = vector.broadcast %parallel_loop3A_282 : i32 to vector<16xi32>
      %parallel_loop3A_284 = tpu.vector_load_idx %arg12[%parallel_loop3A_247, %parallel_loop3A_283] : memref<512x64xf32, #tpu.memory_space<vmem>>[vector<16xi32>, vector<16xi32>], vector<16xf32>,
      %parallel_loop3A_285 = tpu.vector_load_idx %arg13[%parallel_loop3A_247, %parallel_loop3A_283] : memref<512x64xf32, #tpu.memory_space<vmem>>[vector<16xi32>, vector<16xi32>], vector<16xf32>,
      %parallel_loop3A_286 = tpu.vector_load_idx %arg14[%parallel_loop3A_247, %parallel_loop3A_283] : memref<512x64xf32, #tpu.memory_space<vmem>>[vector<16xi32>, vector<16xi32>], vector<16xf32>,
      %parallel_loop3A_287 = arith.mulf %parallel_loop3A_284, %parallel_loop3A_285 : vector<16xf32>
      %parallel_loop3A_288 = arith.addf %parallel_loop3A_253, %parallel_loop3A_287 : vector<16xf32>
      %parallel_loop3A_289 = arith.mulf %parallel_loop3A_284, %parallel_loop3A_286 : vector<16xf32>
      %parallel_loop3A_290 = arith.addf %parallel_loop3A_261, %parallel_loop3A_289 : vector<16xf32>
      %parallel_loop3A_291 = arith.constant 3 : i32
      %parallel_loop3A_292 = vector.broadcast %parallel_loop3A_291 : i32 to vector<16xi32>
      %parallel_loop3A_293 = tpu.vector_load_idx %arg12[%parallel_loop3A_247, %parallel_loop3A_292] : memref<512x64xf32, #tpu.memory_space<vmem>>[vector<16xi32>, vector<16xi32>], vector<16xf32>,
      %parallel_loop3A_294 = tpu.vector_load_idx %arg13[%parallel_loop3A_247, %parallel_loop3A_292] : memref<512x64xf32, #tpu.memory_space<vmem>>[vector<16xi32>, vector<16xi32>], vector<16xf32>,
      %parallel_loop3A_295 = tpu.vector_load_idx %arg14[%parallel_loop3A_247, %parallel_loop3A_292] : memref<512x64xf32, #tpu.memory_space<vmem>>[vector<16xi32>, vector<16xi32>], vector<16xf32>,
      %parallel_loop3A_296 = arith.mulf %parallel_loop3A_293, %parallel_loop3A_294 : vector<16xf32>
      %parallel_loop3A_297 = arith.addf %parallel_loop3A_255, %parallel_loop3A_296 : vector<16xf32>
      %parallel_loop3A_298 = arith.mulf %parallel_loop3A_293, %parallel_loop3A_295 : vector<16xf32>
      %parallel_loop3A_299 = arith.addf %parallel_loop3A_263, %parallel_loop3A_298 : vector<16xf32>
      %parallel_loop3A_300 = arith.constant 4 : i32
      %parallel_loop3A_301 = vector.broadcast %parallel_loop3A_300 : i32 to vector<16xi32>
      %parallel_loop3A_302 = tpu.vector_load_idx %arg12[%parallel_loop3A_247, %parallel_loop3A_301] : memref<512x64xf32, #tpu.memory_space<vmem>>[vector<16xi32>, vector<16xi32>], vector<16xf32>,
      %parallel_loop3A_303 = tpu.vector_load_idx %arg13[%parallel_loop3A_247, %parallel_loop3A_301] : memref<512x64xf32, #tpu.memory_space<vmem>>[vector<16xi32>, vector<16xi32>], vector<16xf32>,
      %parallel_loop3A_304 = tpu.vector_load_idx %arg14[%parallel_loop3A_247, %parallel_loop3A_301] : memref<512x64xf32, #tpu.memory_space<vmem>>[vector<16xi32>, vector<16xi32>], vector<16xf32>,
      %parallel_loop3A_305 = arith.mulf %parallel_loop3A_302, %parallel_loop3A_303 : vector<16xf32>
      %parallel_loop3A_306 = arith.addf %parallel_loop3A_270, %parallel_loop3A_305 : vector<16xf32>
      %parallel_loop3A_307 = arith.mulf %parallel_loop3A_302, %parallel_loop3A_304 : vector<16xf32>
      %parallel_loop3A_308 = arith.addf %parallel_loop3A_272, %parallel_loop3A_307 : vector<16xf32>
      %parallel_loop3A_309 = arith.constant 5 : i32
      %parallel_loop3A_310 = vector.broadcast %parallel_loop3A_309 : i32 to vector<16xi32>
      %parallel_loop3A_311 = tpu.vector_load_idx %arg12[%parallel_loop3A_247, %parallel_loop3A_310] : memref<512x64xf32, #tpu.memory_space<vmem>>[vector<16xi32>, vector<16xi32>], vector<16xf32>,
      %parallel_loop3A_312 = tpu.vector_load_idx %arg13[%parallel_loop3A_247, %parallel_loop3A_310] : memref<512x64xf32, #tpu.memory_space<vmem>>[vector<16xi32>, vector<16xi32>], vector<16xf32>,
      %parallel_loop3A_313 = tpu.vector_load_idx %arg14[%parallel_loop3A_247, %parallel_loop3A_310] : memref<512x64xf32, #tpu.memory_space<vmem>>[vector<16xi32>, vector<16xi32>], vector<16xf32>,
      %parallel_loop3A_314 = arith.mulf %parallel_loop3A_311, %parallel_loop3A_312 : vector<16xf32>
      %parallel_loop3A_315 = arith.addf %parallel_loop3A_279, %parallel_loop3A_314 : vector<16xf32>
      %parallel_loop3A_316 = arith.mulf %parallel_loop3A_311, %parallel_loop3A_313 : vector<16xf32>
      %parallel_loop3A_317 = arith.addf %parallel_loop3A_281, %parallel_loop3A_316 : vector<16xf32>
      %parallel_loop3A_318 = arith.constant 6 : i32
      %parallel_loop3A_319 = vector.broadcast %parallel_loop3A_318 : i32 to vector<16xi32>
      %parallel_loop3A_320 = tpu.vector_load_idx %arg12[%parallel_loop3A_247, %parallel_loop3A_319] : memref<512x64xf32, #tpu.memory_space<vmem>>[vector<16xi32>, vector<16xi32>], vector<16xf32>,
      %parallel_loop3A_321 = tpu.vector_load_idx %arg13[%parallel_loop3A_247, %parallel_loop3A_319] : memref<512x64xf32, #tpu.memory_space<vmem>>[vector<16xi32>, vector<16xi32>], vector<16xf32>,
      %parallel_loop3A_322 = tpu.vector_load_idx %arg14[%parallel_loop3A_247, %parallel_loop3A_319] : memref<512x64xf32, #tpu.memory_space<vmem>>[vector<16xi32>, vector<16xi32>], vector<16xf32>,
      %parallel_loop3A_323 = arith.mulf %parallel_loop3A_320, %parallel_loop3A_321 : vector<16xf32>
      %parallel_loop3A_324 = arith.addf %parallel_loop3A_288, %parallel_loop3A_323 : vector<16xf32>
      %parallel_loop3A_325 = arith.mulf %parallel_loop3A_320, %parallel_loop3A_322 : vector<16xf32>
      %parallel_loop3A_326 = arith.addf %parallel_loop3A_290, %parallel_loop3A_325 : vector<16xf32>
      %parallel_loop3A_327 = arith.constant 7 : i32
      %parallel_loop3A_328 = vector.broadcast %parallel_loop3A_327 : i32 to vector<16xi32>
      %parallel_loop3A_329 = tpu.vector_load_idx %arg12[%parallel_loop3A_247, %parallel_loop3A_328] : memref<512x64xf32, #tpu.memory_space<vmem>>[vector<16xi32>, vector<16xi32>], vector<16xf32>,
      %parallel_loop3A_330 = tpu.vector_load_idx %arg13[%parallel_loop3A_247, %parallel_loop3A_328] : memref<512x64xf32, #tpu.memory_space<vmem>>[vector<16xi32>, vector<16xi32>], vector<16xf32>,
      %parallel_loop3A_331 = tpu.vector_load_idx %arg14[%parallel_loop3A_247, %parallel_loop3A_328] : memref<512x64xf32, #tpu.memory_space<vmem>>[vector<16xi32>, vector<16xi32>], vector<16xf32>,
      %parallel_loop3A_332 = arith.mulf %parallel_loop3A_329, %parallel_loop3A_330 : vector<16xf32>
      %parallel_loop3A_333 = arith.addf %parallel_loop3A_297, %parallel_loop3A_332 : vector<16xf32>
      %parallel_loop3A_334 = arith.mulf %parallel_loop3A_329, %parallel_loop3A_331 : vector<16xf32>
      %parallel_loop3A_335 = arith.addf %parallel_loop3A_299, %parallel_loop3A_334 : vector<16xf32>
      %parallel_loop3A_336 = arith.constant 8 : i32
      %parallel_loop3A_337 = vector.broadcast %parallel_loop3A_336 : i32 to vector<16xi32>
      %parallel_loop3A_338 = tpu.vector_load_idx %arg12[%parallel_loop3A_247, %parallel_loop3A_337] : memref<512x64xf32, #tpu.memory_space<vmem>>[vector<16xi32>, vector<16xi32>], vector<16xf32>,
      %parallel_loop3A_339 = tpu.vector_load_idx %arg13[%parallel_loop3A_247, %parallel_loop3A_337] : memref<512x64xf32, #tpu.memory_space<vmem>>[vector<16xi32>, vector<16xi32>], vector<16xf32>,
      %parallel_loop3A_340 = tpu.vector_load_idx %arg14[%parallel_loop3A_247, %parallel_loop3A_337] : memref<512x64xf32, #tpu.memory_space<vmem>>[vector<16xi32>, vector<16xi32>], vector<16xf32>,
      %parallel_loop3A_341 = arith.mulf %parallel_loop3A_338, %parallel_loop3A_339 : vector<16xf32>
      %parallel_loop3A_342 = arith.addf %parallel_loop3A_306, %parallel_loop3A_341 : vector<16xf32>
      %parallel_loop3A_343 = arith.mulf %parallel_loop3A_338, %parallel_loop3A_340 : vector<16xf32>
      %parallel_loop3A_344 = arith.addf %parallel_loop3A_308, %parallel_loop3A_343 : vector<16xf32>
      %parallel_loop3A_345 = arith.constant 9 : i32
      %parallel_loop3A_346 = vector.broadcast %parallel_loop3A_345 : i32 to vector<16xi32>
      %parallel_loop3A_347 = tpu.vector_load_idx %arg12[%parallel_loop3A_247, %parallel_loop3A_346] : memref<512x64xf32, #tpu.memory_space<vmem>>[vector<16xi32>, vector<16xi32>], vector<16xf32>,
      %parallel_loop3A_348 = tpu.vector_load_idx %arg13[%parallel_loop3A_247, %parallel_loop3A_346] : memref<512x64xf32, #tpu.memory_space<vmem>>[vector<16xi32>, vector<16xi32>], vector<16xf32>,
      %parallel_loop3A_349 = tpu.vector_load_idx %arg14[%parallel_loop3A_247, %parallel_loop3A_346] : memref<512x64xf32, #tpu.memory_space<vmem>>[vector<16xi32>, vector<16xi32>], vector<16xf32>,
      %parallel_loop3A_350 = arith.mulf %parallel_loop3A_347, %parallel_loop3A_348 : vector<16xf32>
      %parallel_loop3A_351 = arith.addf %parallel_loop3A_315, %parallel_loop3A_350 : vector<16xf32>
      %parallel_loop3A_352 = arith.mulf %parallel_loop3A_347, %parallel_loop3A_349 : vector<16xf32>
      %parallel_loop3A_353 = arith.addf %parallel_loop3A_317, %parallel_loop3A_352 : vector<16xf32>
      %parallel_loop3A_354 = arith.constant 10 : i32
      %parallel_loop3A_355 = vector.broadcast %parallel_loop3A_354 : i32 to vector<16xi32>
      %parallel_loop3A_356 = tpu.vector_load_idx %arg12[%parallel_loop3A_247, %parallel_loop3A_355] : memref<512x64xf32, #tpu.memory_space<vmem>>[vector<16xi32>, vector<16xi32>], vector<16xf32>,
      %parallel_loop3A_357 = tpu.vector_load_idx %arg13[%parallel_loop3A_247, %parallel_loop3A_355] : memref<512x64xf32, #tpu.memory_space<vmem>>[vector<16xi32>, vector<16xi32>], vector<16xf32>,
      %parallel_loop3A_358 = tpu.vector_load_idx %arg14[%parallel_loop3A_247, %parallel_loop3A_355] : memref<512x64xf32, #tpu.memory_space<vmem>>[vector<16xi32>, vector<16xi32>], vector<16xf32>,
      %parallel_loop3A_359 = arith.mulf %parallel_loop3A_356, %parallel_loop3A_357 : vector<16xf32>
      %parallel_loop3A_360 = arith.addf %parallel_loop3A_324, %parallel_loop3A_359 : vector<16xf32>
      %parallel_loop3A_361 = arith.mulf %parallel_loop3A_356, %parallel_loop3A_358 : vector<16xf32>
      %parallel_loop3A_362 = arith.addf %parallel_loop3A_326, %parallel_loop3A_361 : vector<16xf32>
      %parallel_loop3A_363 = arith.constant 11 : i32
      %parallel_loop3A_364 = vector.broadcast %parallel_loop3A_363 : i32 to vector<16xi32>
      %parallel_loop3A_365 = tpu.vector_load_idx %arg12[%parallel_loop3A_247, %parallel_loop3A_364] : memref<512x64xf32, #tpu.memory_space<vmem>>[vector<16xi32>, vector<16xi32>], vector<16xf32>,
      %parallel_loop3A_366 = tpu.vector_load_idx %arg13[%parallel_loop3A_247, %parallel_loop3A_364] : memref<512x64xf32, #tpu.memory_space<vmem>>[vector<16xi32>, vector<16xi32>], vector<16xf32>,
      %parallel_loop3A_367 = tpu.vector_load_idx %arg14[%parallel_loop3A_247, %parallel_loop3A_364] : memref<512x64xf32, #tpu.memory_space<vmem>>[vector<16xi32>, vector<16xi32>], vector<16xf32>,
      %parallel_loop3A_368 = arith.mulf %parallel_loop3A_365, %parallel_loop3A_366 : vector<16xf32>
      %parallel_loop3A_369 = arith.addf %parallel_loop3A_333, %parallel_loop3A_368 : vector<16xf32>
      %parallel_loop3A_370 = arith.mulf %parallel_loop3A_365, %parallel_loop3A_367 : vector<16xf32>
      %parallel_loop3A_371 = arith.addf %parallel_loop3A_335, %parallel_loop3A_370 : vector<16xf32>
      %parallel_loop3A_372 = arith.constant 12 : i32
      %parallel_loop3A_373 = vector.broadcast %parallel_loop3A_372 : i32 to vector<16xi32>
      %parallel_loop3A_374 = tpu.vector_load_idx %arg12[%parallel_loop3A_247, %parallel_loop3A_373] : memref<512x64xf32, #tpu.memory_space<vmem>>[vector<16xi32>, vector<16xi32>], vector<16xf32>,
      %parallel_loop3A_375 = tpu.vector_load_idx %arg13[%parallel_loop3A_247, %parallel_loop3A_373] : memref<512x64xf32, #tpu.memory_space<vmem>>[vector<16xi32>, vector<16xi32>], vector<16xf32>,
      %parallel_loop3A_376 = tpu.vector_load_idx %arg14[%parallel_loop3A_247, %parallel_loop3A_373] : memref<512x64xf32, #tpu.memory_space<vmem>>[vector<16xi32>, vector<16xi32>], vector<16xf32>,
      %parallel_loop3A_377 = arith.mulf %parallel_loop3A_374, %parallel_loop3A_375 : vector<16xf32>
      %parallel_loop3A_378 = arith.addf %parallel_loop3A_342, %parallel_loop3A_377 : vector<16xf32>
      %parallel_loop3A_379 = arith.mulf %parallel_loop3A_374, %parallel_loop3A_376 : vector<16xf32>
      %parallel_loop3A_380 = arith.addf %parallel_loop3A_344, %parallel_loop3A_379 : vector<16xf32>
      %parallel_loop3A_381 = arith.constant 13 : i32
      %parallel_loop3A_382 = vector.broadcast %parallel_loop3A_381 : i32 to vector<16xi32>
      %parallel_loop3A_383 = tpu.vector_load_idx %arg12[%parallel_loop3A_247, %parallel_loop3A_382] : memref<512x64xf32, #tpu.memory_space<vmem>>[vector<16xi32>, vector<16xi32>], vector<16xf32>,
      %parallel_loop3A_384 = tpu.vector_load_idx %arg13[%parallel_loop3A_247, %parallel_loop3A_382] : memref<512x64xf32, #tpu.memory_space<vmem>>[vector<16xi32>, vector<16xi32>], vector<16xf32>,
      %parallel_loop3A_385 = tpu.vector_load_idx %arg14[%parallel_loop3A_247, %parallel_loop3A_382] : memref<512x64xf32, #tpu.memory_space<vmem>>[vector<16xi32>, vector<16xi32>], vector<16xf32>,
      %parallel_loop3A_386 = arith.mulf %parallel_loop3A_383, %parallel_loop3A_384 : vector<16xf32>
      %parallel_loop3A_387 = arith.addf %parallel_loop3A_351, %parallel_loop3A_386 : vector<16xf32>
      %parallel_loop3A_388 = arith.mulf %parallel_loop3A_383, %parallel_loop3A_385 : vector<16xf32>
      %parallel_loop3A_389 = arith.addf %parallel_loop3A_353, %parallel_loop3A_388 : vector<16xf32>
      %parallel_loop3A_390 = arith.constant 14 : i32
      %parallel_loop3A_391 = vector.broadcast %parallel_loop3A_390 : i32 to vector<16xi32>
      %parallel_loop3A_392 = tpu.vector_load_idx %arg12[%parallel_loop3A_247, %parallel_loop3A_391] : memref<512x64xf32, #tpu.memory_space<vmem>>[vector<16xi32>, vector<16xi32>], vector<16xf32>,
      %parallel_loop3A_393 = tpu.vector_load_idx %arg13[%parallel_loop3A_247, %parallel_loop3A_391] : memref<512x64xf32, #tpu.memory_space<vmem>>[vector<16xi32>, vector<16xi32>], vector<16xf32>,
      %parallel_loop3A_394 = tpu.vector_load_idx %arg14[%parallel_loop3A_247, %parallel_loop3A_391] : memref<512x64xf32, #tpu.memory_space<vmem>>[vector<16xi32>, vector<16xi32>], vector<16xf32>,
      %parallel_loop3A_395 = arith.mulf %parallel_loop3A_392, %parallel_loop3A_393 : vector<16xf32>
      %parallel_loop3A_396 = arith.addf %parallel_loop3A_360, %parallel_loop3A_395 : vector<16xf32>
      %parallel_loop3A_397 = arith.mulf %parallel_loop3A_392, %parallel_loop3A_394 : vector<16xf32>
      %parallel_loop3A_398 = arith.addf %parallel_loop3A_362, %parallel_loop3A_397 : vector<16xf32>
      %parallel_loop3A_399 = arith.constant 15 : i32
      %parallel_loop3A_400 = vector.broadcast %parallel_loop3A_399 : i32 to vector<16xi32>
      %parallel_loop3A_401 = tpu.vector_load_idx %arg12[%parallel_loop3A_247, %parallel_loop3A_400] : memref<512x64xf32, #tpu.memory_space<vmem>>[vector<16xi32>, vector<16xi32>], vector<16xf32>,
      %parallel_loop3A_402 = tpu.vector_load_idx %arg13[%parallel_loop3A_247, %parallel_loop3A_400] : memref<512x64xf32, #tpu.memory_space<vmem>>[vector<16xi32>, vector<16xi32>], vector<16xf32>,
      %parallel_loop3A_403 = tpu.vector_load_idx %arg14[%parallel_loop3A_247, %parallel_loop3A_400] : memref<512x64xf32, #tpu.memory_space<vmem>>[vector<16xi32>, vector<16xi32>], vector<16xf32>,
      %parallel_loop3A_404 = arith.mulf %parallel_loop3A_401, %parallel_loop3A_402 : vector<16xf32>
      %parallel_loop3A_405 = arith.addf %parallel_loop3A_369, %parallel_loop3A_404 : vector<16xf32>
      %parallel_loop3A_406 = arith.mulf %parallel_loop3A_401, %parallel_loop3A_403 : vector<16xf32>
      %parallel_loop3A_407 = arith.addf %parallel_loop3A_371, %parallel_loop3A_406 : vector<16xf32>
      %parallel_loop3A_408 = arith.constant 16 : i32
      %parallel_loop3A_409 = vector.broadcast %parallel_loop3A_408 : i32 to vector<16xi32>
      %parallel_loop3A_410 = tpu.vector_load_idx %arg12[%parallel_loop3A_247, %parallel_loop3A_409] : memref<512x64xf32, #tpu.memory_space<vmem>>[vector<16xi32>, vector<16xi32>], vector<16xf32>,
      %parallel_loop3A_411 = tpu.vector_load_idx %arg13[%parallel_loop3A_247, %parallel_loop3A_409] : memref<512x64xf32, #tpu.memory_space<vmem>>[vector<16xi32>, vector<16xi32>], vector<16xf32>,
      %parallel_loop3A_412 = tpu.vector_load_idx %arg14[%parallel_loop3A_247, %parallel_loop3A_409] : memref<512x64xf32, #tpu.memory_space<vmem>>[vector<16xi32>, vector<16xi32>], vector<16xf32>,
      %parallel_loop3A_413 = arith.mulf %parallel_loop3A_410, %parallel_loop3A_411 : vector<16xf32>
      %parallel_loop3A_414 = arith.addf %parallel_loop3A_378, %parallel_loop3A_413 : vector<16xf32>
      %parallel_loop3A_415 = arith.mulf %parallel_loop3A_410, %parallel_loop3A_412 : vector<16xf32>
      %parallel_loop3A_416 = arith.addf %parallel_loop3A_380, %parallel_loop3A_415 : vector<16xf32>
      %parallel_loop3A_417 = arith.constant 17 : i32
      %parallel_loop3A_418 = vector.broadcast %parallel_loop3A_417 : i32 to vector<16xi32>
      %parallel_loop3A_419 = tpu.vector_load_idx %arg12[%parallel_loop3A_247, %parallel_loop3A_418] : memref<512x64xf32, #tpu.memory_space<vmem>>[vector<16xi32>, vector<16xi32>], vector<16xf32>,
      %parallel_loop3A_420 = tpu.vector_load_idx %arg13[%parallel_loop3A_247, %parallel_loop3A_418] : memref<512x64xf32, #tpu.memory_space<vmem>>[vector<16xi32>, vector<16xi32>], vector<16xf32>,
      %parallel_loop3A_421 = tpu.vector_load_idx %arg14[%parallel_loop3A_247, %parallel_loop3A_418] : memref<512x64xf32, #tpu.memory_space<vmem>>[vector<16xi32>, vector<16xi32>], vector<16xf32>,
      %parallel_loop3A_422 = arith.mulf %parallel_loop3A_419, %parallel_loop3A_420 : vector<16xf32>
      %parallel_loop3A_423 = arith.addf %parallel_loop3A_387, %parallel_loop3A_422 : vector<16xf32>
      %parallel_loop3A_424 = arith.mulf %parallel_loop3A_419, %parallel_loop3A_421 : vector<16xf32>
      %parallel_loop3A_425 = arith.addf %parallel_loop3A_389, %parallel_loop3A_424 : vector<16xf32>
      %parallel_loop3A_426 = arith.constant 18 : i32
      %parallel_loop3A_427 = vector.broadcast %parallel_loop3A_426 : i32 to vector<16xi32>
      %parallel_loop3A_428 = tpu.vector_load_idx %arg12[%parallel_loop3A_247, %parallel_loop3A_427] : memref<512x64xf32, #tpu.memory_space<vmem>>[vector<16xi32>, vector<16xi32>], vector<16xf32>,
      %parallel_loop3A_429 = tpu.vector_load_idx %arg13[%parallel_loop3A_247, %parallel_loop3A_427] : memref<512x64xf32, #tpu.memory_space<vmem>>[vector<16xi32>, vector<16xi32>], vector<16xf32>,
      %parallel_loop3A_430 = tpu.vector_load_idx %arg14[%parallel_loop3A_247, %parallel_loop3A_427] : memref<512x64xf32, #tpu.memory_space<vmem>>[vector<16xi32>, vector<16xi32>], vector<16xf32>,
      %parallel_loop3A_431 = arith.mulf %parallel_loop3A_428, %parallel_loop3A_429 : vector<16xf32>
      %parallel_loop3A_432 = arith.addf %parallel_loop3A_396, %parallel_loop3A_431 : vector<16xf32>
      %parallel_loop3A_433 = arith.mulf %parallel_loop3A_428, %parallel_loop3A_430 : vector<16xf32>
      %parallel_loop3A_434 = arith.addf %parallel_loop3A_398, %parallel_loop3A_433 : vector<16xf32>
      %parallel_loop3A_435 = arith.constant 19 : i32
      %parallel_loop3A_436 = vector.broadcast %parallel_loop3A_435 : i32 to vector<16xi32>
      %parallel_loop3A_437 = tpu.vector_load_idx %arg12[%parallel_loop3A_247, %parallel_loop3A_436] : memref<512x64xf32, #tpu.memory_space<vmem>>[vector<16xi32>, vector<16xi32>], vector<16xf32>,
      %parallel_loop3A_438 = tpu.vector_load_idx %arg13[%parallel_loop3A_247, %parallel_loop3A_436] : memref<512x64xf32, #tpu.memory_space<vmem>>[vector<16xi32>, vector<16xi32>], vector<16xf32>,
      %parallel_loop3A_439 = tpu.vector_load_idx %arg14[%parallel_loop3A_247, %parallel_loop3A_436] : memref<512x64xf32, #tpu.memory_space<vmem>>[vector<16xi32>, vector<16xi32>], vector<16xf32>,
      %parallel_loop3A_440 = arith.mulf %parallel_loop3A_437, %parallel_loop3A_438 : vector<16xf32>
      %parallel_loop3A_441 = arith.addf %parallel_loop3A_405, %parallel_loop3A_440 : vector<16xf32>
      %parallel_loop3A_442 = arith.mulf %parallel_loop3A_437, %parallel_loop3A_439 : vector<16xf32>
      %parallel_loop3A_443 = arith.addf %parallel_loop3A_407, %parallel_loop3A_442 : vector<16xf32>
      %parallel_loop3A_444 = arith.constant 20 : i32
      %parallel_loop3A_445 = vector.broadcast %parallel_loop3A_444 : i32 to vector<16xi32>
      %parallel_loop3A_446 = tpu.vector_load_idx %arg12[%parallel_loop3A_247, %parallel_loop3A_445] : memref<512x64xf32, #tpu.memory_space<vmem>>[vector<16xi32>, vector<16xi32>], vector<16xf32>,
      %parallel_loop3A_447 = tpu.vector_load_idx %arg13[%parallel_loop3A_247, %parallel_loop3A_445] : memref<512x64xf32, #tpu.memory_space<vmem>>[vector<16xi32>, vector<16xi32>], vector<16xf32>,
      %parallel_loop3A_448 = tpu.vector_load_idx %arg14[%parallel_loop3A_247, %parallel_loop3A_445] : memref<512x64xf32, #tpu.memory_space<vmem>>[vector<16xi32>, vector<16xi32>], vector<16xf32>,
      %parallel_loop3A_449 = arith.mulf %parallel_loop3A_446, %parallel_loop3A_447 : vector<16xf32>
      %parallel_loop3A_450 = arith.addf %parallel_loop3A_414, %parallel_loop3A_449 : vector<16xf32>
      %parallel_loop3A_451 = arith.mulf %parallel_loop3A_446, %parallel_loop3A_448 : vector<16xf32>
      %parallel_loop3A_452 = arith.addf %parallel_loop3A_416, %parallel_loop3A_451 : vector<16xf32>
      %parallel_loop3A_453 = arith.constant 21 : i32
      %parallel_loop3A_454 = vector.broadcast %parallel_loop3A_453 : i32 to vector<16xi32>
      %parallel_loop3A_455 = tpu.vector_load_idx %arg12[%parallel_loop3A_247, %parallel_loop3A_454] : memref<512x64xf32, #tpu.memory_space<vmem>>[vector<16xi32>, vector<16xi32>], vector<16xf32>,
      %parallel_loop3A_456 = tpu.vector_load_idx %arg13[%parallel_loop3A_247, %parallel_loop3A_454] : memref<512x64xf32, #tpu.memory_space<vmem>>[vector<16xi32>, vector<16xi32>], vector<16xf32>,
      %parallel_loop3A_457 = tpu.vector_load_idx %arg14[%parallel_loop3A_247, %parallel_loop3A_454] : memref<512x64xf32, #tpu.memory_space<vmem>>[vector<16xi32>, vector<16xi32>], vector<16xf32>,
      %parallel_loop3A_458 = arith.mulf %parallel_loop3A_455, %parallel_loop3A_456 : vector<16xf32>
      %parallel_loop3A_459 = arith.addf %parallel_loop3A_423, %parallel_loop3A_458 : vector<16xf32>
      %parallel_loop3A_460 = arith.mulf %parallel_loop3A_455, %parallel_loop3A_457 : vector<16xf32>
      %parallel_loop3A_461 = arith.addf %parallel_loop3A_425, %parallel_loop3A_460 : vector<16xf32>
      %parallel_loop3A_462 = arith.constant 22 : i32
      %parallel_loop3A_463 = vector.broadcast %parallel_loop3A_462 : i32 to vector<16xi32>
      %parallel_loop3A_464 = tpu.vector_load_idx %arg12[%parallel_loop3A_247, %parallel_loop3A_463] : memref<512x64xf32, #tpu.memory_space<vmem>>[vector<16xi32>, vector<16xi32>], vector<16xf32>,
      %parallel_loop3A_465 = tpu.vector_load_idx %arg13[%parallel_loop3A_247, %parallel_loop3A_463] : memref<512x64xf32, #tpu.memory_space<vmem>>[vector<16xi32>, vector<16xi32>], vector<16xf32>,
      %parallel_loop3A_466 = tpu.vector_load_idx %arg14[%parallel_loop3A_247, %parallel_loop3A_463] : memref<512x64xf32, #tpu.memory_space<vmem>>[vector<16xi32>, vector<16xi32>], vector<16xf32>,
      %parallel_loop3A_467 = arith.mulf %parallel_loop3A_464, %parallel_loop3A_465 : vector<16xf32>
      %parallel_loop3A_468 = arith.addf %parallel_loop3A_432, %parallel_loop3A_467 : vector<16xf32>
      %parallel_loop3A_469 = arith.mulf %parallel_loop3A_464, %parallel_loop3A_466 : vector<16xf32>
      %parallel_loop3A_470 = arith.addf %parallel_loop3A_434, %parallel_loop3A_469 : vector<16xf32>
      %parallel_loop3A_471 = arith.constant 23 : i32
      %parallel_loop3A_472 = vector.broadcast %parallel_loop3A_471 : i32 to vector<16xi32>
      %parallel_loop3A_473 = tpu.vector_load_idx %arg12[%parallel_loop3A_247, %parallel_loop3A_472] : memref<512x64xf32, #tpu.memory_space<vmem>>[vector<16xi32>, vector<16xi32>], vector<16xf32>,
      %parallel_loop3A_474 = tpu.vector_load_idx %arg13[%parallel_loop3A_247, %parallel_loop3A_472] : memref<512x64xf32, #tpu.memory_space<vmem>>[vector<16xi32>, vector<16xi32>], vector<16xf32>,
      %parallel_loop3A_475 = tpu.vector_load_idx %arg14[%parallel_loop3A_247, %parallel_loop3A_472] : memref<512x64xf32, #tpu.memory_space<vmem>>[vector<16xi32>, vector<16xi32>], vector<16xf32>,
      %parallel_loop3A_476 = arith.mulf %parallel_loop3A_473, %parallel_loop3A_474 : vector<16xf32>
      %parallel_loop3A_477 = arith.addf %parallel_loop3A_441, %parallel_loop3A_476 : vector<16xf32>
      %parallel_loop3A_478 = arith.mulf %parallel_loop3A_473, %parallel_loop3A_475 : vector<16xf32>
      %parallel_loop3A_479 = arith.addf %parallel_loop3A_443, %parallel_loop3A_478 : vector<16xf32>
      %parallel_loop3A_480 = arith.constant 24 : i32
      %parallel_loop3A_481 = vector.broadcast %parallel_loop3A_480 : i32 to vector<16xi32>
      %parallel_loop3A_482 = tpu.vector_load_idx %arg12[%parallel_loop3A_247, %parallel_loop3A_481] : memref<512x64xf32, #tpu.memory_space<vmem>>[vector<16xi32>, vector<16xi32>], vector<16xf32>,
      %parallel_loop3A_483 = tpu.vector_load_idx %arg13[%parallel_loop3A_247, %parallel_loop3A_481] : memref<512x64xf32, #tpu.memory_space<vmem>>[vector<16xi32>, vector<16xi32>], vector<16xf32>,
      %parallel_loop3A_484 = tpu.vector_load_idx %arg14[%parallel_loop3A_247, %parallel_loop3A_481] : memref<512x64xf32, #tpu.memory_space<vmem>>[vector<16xi32>, vector<16xi32>], vector<16xf32>,
      %parallel_loop3A_485 = arith.mulf %parallel_loop3A_482, %parallel_loop3A_483 : vector<16xf32>
      %parallel_loop3A_486 = arith.addf %parallel_loop3A_450, %parallel_loop3A_485 : vector<16xf32>
      %parallel_loop3A_487 = arith.mulf %parallel_loop3A_482, %parallel_loop3A_484 : vector<16xf32>
      %parallel_loop3A_488 = arith.addf %parallel_loop3A_452, %parallel_loop3A_487 : vector<16xf32>
      %parallel_loop3A_489 = arith.constant 25 : i32
      %parallel_loop3A_490 = vector.broadcast %parallel_loop3A_489 : i32 to vector<16xi32>
      %parallel_loop3A_491 = tpu.vector_load_idx %arg12[%parallel_loop3A_247, %parallel_loop3A_490] : memref<512x64xf32, #tpu.memory_space<vmem>>[vector<16xi32>, vector<16xi32>], vector<16xf32>,
      %parallel_loop3A_492 = tpu.vector_load_idx %arg13[%parallel_loop3A_247, %parallel_loop3A_490] : memref<512x64xf32, #tpu.memory_space<vmem>>[vector<16xi32>, vector<16xi32>], vector<16xf32>,
      %parallel_loop3A_493 = tpu.vector_load_idx %arg14[%parallel_loop3A_247, %parallel_loop3A_490] : memref<512x64xf32, #tpu.memory_space<vmem>>[vector<16xi32>, vector<16xi32>], vector<16xf32>,
      %parallel_loop3A_494 = arith.mulf %parallel_loop3A_491, %parallel_loop3A_492 : vector<16xf32>
      %parallel_loop3A_495 = arith.addf %parallel_loop3A_459, %parallel_loop3A_494 : vector<16xf32>
      %parallel_loop3A_496 = arith.mulf %parallel_loop3A_491, %parallel_loop3A_493 : vector<16xf32>
      %parallel_loop3A_497 = arith.addf %parallel_loop3A_461, %parallel_loop3A_496 : vector<16xf32>
      %parallel_loop3A_498 = arith.constant 26 : i32
      %parallel_loop3A_499 = vector.broadcast %parallel_loop3A_498 : i32 to vector<16xi32>
      %parallel_loop3A_500 = tpu.vector_load_idx %arg12[%parallel_loop3A_247, %parallel_loop3A_499] : memref<512x64xf32, #tpu.memory_space<vmem>>[vector<16xi32>, vector<16xi32>], vector<16xf32>,
      %parallel_loop3A_501 = tpu.vector_load_idx %arg13[%parallel_loop3A_247, %parallel_loop3A_499] : memref<512x64xf32, #tpu.memory_space<vmem>>[vector<16xi32>, vector<16xi32>], vector<16xf32>,
      %parallel_loop3A_502 = tpu.vector_load_idx %arg14[%parallel_loop3A_247, %parallel_loop3A_499] : memref<512x64xf32, #tpu.memory_space<vmem>>[vector<16xi32>, vector<16xi32>], vector<16xf32>,
      %parallel_loop3A_503 = arith.mulf %parallel_loop3A_500, %parallel_loop3A_501 : vector<16xf32>
      %parallel_loop3A_504 = arith.addf %parallel_loop3A_468, %parallel_loop3A_503 : vector<16xf32>
      %parallel_loop3A_505 = arith.mulf %parallel_loop3A_500, %parallel_loop3A_502 : vector<16xf32>
      %parallel_loop3A_506 = arith.addf %parallel_loop3A_470, %parallel_loop3A_505 : vector<16xf32>
      %parallel_loop3A_507 = arith.constant 27 : i32
      %parallel_loop3A_508 = vector.broadcast %parallel_loop3A_507 : i32 to vector<16xi32>
      %parallel_loop3A_509 = tpu.vector_load_idx %arg12[%parallel_loop3A_247, %parallel_loop3A_508] : memref<512x64xf32, #tpu.memory_space<vmem>>[vector<16xi32>, vector<16xi32>], vector<16xf32>,
      %parallel_loop3A_510 = tpu.vector_load_idx %arg13[%parallel_loop3A_247, %parallel_loop3A_508] : memref<512x64xf32, #tpu.memory_space<vmem>>[vector<16xi32>, vector<16xi32>], vector<16xf32>,
      %parallel_loop3A_511 = tpu.vector_load_idx %arg14[%parallel_loop3A_247, %parallel_loop3A_508] : memref<512x64xf32, #tpu.memory_space<vmem>>[vector<16xi32>, vector<16xi32>], vector<16xf32>,
      %parallel_loop3A_512 = arith.mulf %parallel_loop3A_509, %parallel_loop3A_510 : vector<16xf32>
      %parallel_loop3A_513 = arith.addf %parallel_loop3A_477, %parallel_loop3A_512 : vector<16xf32>
      %parallel_loop3A_514 = arith.mulf %parallel_loop3A_509, %parallel_loop3A_511 : vector<16xf32>
      %parallel_loop3A_515 = arith.addf %parallel_loop3A_479, %parallel_loop3A_514 : vector<16xf32>
      %parallel_loop3A_516 = arith.constant 28 : i32
      %parallel_loop3A_517 = vector.broadcast %parallel_loop3A_516 : i32 to vector<16xi32>
      %parallel_loop3A_518 = tpu.vector_load_idx %arg12[%parallel_loop3A_247, %parallel_loop3A_517] : memref<512x64xf32, #tpu.memory_space<vmem>>[vector<16xi32>, vector<16xi32>], vector<16xf32>,
      %parallel_loop3A_519 = tpu.vector_load_idx %arg13[%parallel_loop3A_247, %parallel_loop3A_517] : memref<512x64xf32, #tpu.memory_space<vmem>>[vector<16xi32>, vector<16xi32>], vector<16xf32>,
      %parallel_loop3A_520 = tpu.vector_load_idx %arg14[%parallel_loop3A_247, %parallel_loop3A_517] : memref<512x64xf32, #tpu.memory_space<vmem>>[vector<16xi32>, vector<16xi32>], vector<16xf32>,
      %parallel_loop3A_521 = arith.mulf %parallel_loop3A_518, %parallel_loop3A_519 : vector<16xf32>
      %parallel_loop3A_522 = arith.addf %parallel_loop3A_486, %parallel_loop3A_521 : vector<16xf32>
      %parallel_loop3A_523 = arith.mulf %parallel_loop3A_518, %parallel_loop3A_520 : vector<16xf32>
      %parallel_loop3A_524 = arith.addf %parallel_loop3A_488, %parallel_loop3A_523 : vector<16xf32>
      %parallel_loop3A_525 = arith.constant 29 : i32
      %parallel_loop3A_526 = vector.broadcast %parallel_loop3A_525 : i32 to vector<16xi32>
      %parallel_loop3A_527 = tpu.vector_load_idx %arg12[%parallel_loop3A_247, %parallel_loop3A_526] : memref<512x64xf32, #tpu.memory_space<vmem>>[vector<16xi32>, vector<16xi32>], vector<16xf32>,
      %parallel_loop3A_528 = tpu.vector_load_idx %arg13[%parallel_loop3A_247, %parallel_loop3A_526] : memref<512x64xf32, #tpu.memory_space<vmem>>[vector<16xi32>, vector<16xi32>], vector<16xf32>,
      %parallel_loop3A_529 = tpu.vector_load_idx %arg14[%parallel_loop3A_247, %parallel_loop3A_526] : memref<512x64xf32, #tpu.memory_space<vmem>>[vector<16xi32>, vector<16xi32>], vector<16xf32>,
      %parallel_loop3A_530 = arith.mulf %parallel_loop3A_527, %parallel_loop3A_528 : vector<16xf32>
      %parallel_loop3A_531 = arith.addf %parallel_loop3A_495, %parallel_loop3A_530 : vector<16xf32>
      %parallel_loop3A_532 = arith.mulf %parallel_loop3A_527, %parallel_loop3A_529 : vector<16xf32>
      %parallel_loop3A_533 = arith.addf %parallel_loop3A_497, %parallel_loop3A_532 : vector<16xf32>
      %parallel_loop3A_534 = arith.constant 30 : i32
      %parallel_loop3A_535 = vector.broadcast %parallel_loop3A_534 : i32 to vector<16xi32>
      %parallel_loop3A_536 = tpu.vector_load_idx %arg12[%parallel_loop3A_247, %parallel_loop3A_535] : memref<512x64xf32, #tpu.memory_space<vmem>>[vector<16xi32>, vector<16xi32>], vector<16xf32>,
      %parallel_loop3A_537 = tpu.vector_load_idx %arg13[%parallel_loop3A_247, %parallel_loop3A_535] : memref<512x64xf32, #tpu.memory_space<vmem>>[vector<16xi32>, vector<16xi32>], vector<16xf32>,
      %parallel_loop3A_538 = tpu.vector_load_idx %arg14[%parallel_loop3A_247, %parallel_loop3A_535] : memref<512x64xf32, #tpu.memory_space<vmem>>[vector<16xi32>, vector<16xi32>], vector<16xf32>,
      %parallel_loop3A_539 = arith.mulf %parallel_loop3A_536, %parallel_loop3A_537 : vector<16xf32>
      %parallel_loop3A_540 = arith.addf %parallel_loop3A_504, %parallel_loop3A_539 : vector<16xf32>
      %parallel_loop3A_541 = arith.mulf %parallel_loop3A_536, %parallel_loop3A_538 : vector<16xf32>
      %parallel_loop3A_542 = arith.addf %parallel_loop3A_506, %parallel_loop3A_541 : vector<16xf32>
      %parallel_loop3A_543 = arith.constant 31 : i32
      %parallel_loop3A_544 = vector.broadcast %parallel_loop3A_543 : i32 to vector<16xi32>
      %parallel_loop3A_545 = tpu.vector_load_idx %arg12[%parallel_loop3A_247, %parallel_loop3A_544] : memref<512x64xf32, #tpu.memory_space<vmem>>[vector<16xi32>, vector<16xi32>], vector<16xf32>,
      %parallel_loop3A_546 = tpu.vector_load_idx %arg13[%parallel_loop3A_247, %parallel_loop3A_544] : memref<512x64xf32, #tpu.memory_space<vmem>>[vector<16xi32>, vector<16xi32>], vector<16xf32>,
      %parallel_loop3A_547 = tpu.vector_load_idx %arg14[%parallel_loop3A_247, %parallel_loop3A_544] : memref<512x64xf32, #tpu.memory_space<vmem>>[vector<16xi32>, vector<16xi32>], vector<16xf32>,
      %parallel_loop3A_548 = arith.mulf %parallel_loop3A_545, %parallel_loop3A_546 : vector<16xf32>
      %parallel_loop3A_549 = arith.addf %parallel_loop3A_513, %parallel_loop3A_548 : vector<16xf32>
      %parallel_loop3A_550 = arith.mulf %parallel_loop3A_545, %parallel_loop3A_547 : vector<16xf32>
      %parallel_loop3A_551 = arith.addf %parallel_loop3A_515, %parallel_loop3A_550 : vector<16xf32>
      %parallel_loop3A_552 = arith.constant 32 : i32
      %parallel_loop3A_553 = vector.broadcast %parallel_loop3A_552 : i32 to vector<16xi32>
      %parallel_loop3A_554 = tpu.vector_load_idx %arg12[%parallel_loop3A_247, %parallel_loop3A_553] : memref<512x64xf32, #tpu.memory_space<vmem>>[vector<16xi32>, vector<16xi32>], vector<16xf32>,
      %parallel_loop3A_555 = tpu.vector_load_idx %arg13[%parallel_loop3A_247, %parallel_loop3A_553] : memref<512x64xf32, #tpu.memory_space<vmem>>[vector<16xi32>, vector<16xi32>], vector<16xf32>,
      %parallel_loop3A_556 = tpu.vector_load_idx %arg14[%parallel_loop3A_247, %parallel_loop3A_553] : memref<512x64xf32, #tpu.memory_space<vmem>>[vector<16xi32>, vector<16xi32>], vector<16xf32>,
      %parallel_loop3A_557 = arith.mulf %parallel_loop3A_554, %parallel_loop3A_555 : vector<16xf32>
      %parallel_loop3A_558 = arith.addf %parallel_loop3A_522, %parallel_loop3A_557 : vector<16xf32>
      %parallel_loop3A_559 = arith.mulf %parallel_loop3A_554, %parallel_loop3A_556 : vector<16xf32>
      %parallel_loop3A_560 = arith.addf %parallel_loop3A_524, %parallel_loop3A_559 : vector<16xf32>
      %parallel_loop3A_561 = arith.constant 33 : i32
      %parallel_loop3A_562 = vector.broadcast %parallel_loop3A_561 : i32 to vector<16xi32>
      %parallel_loop3A_563 = tpu.vector_load_idx %arg12[%parallel_loop3A_247, %parallel_loop3A_562] : memref<512x64xf32, #tpu.memory_space<vmem>>[vector<16xi32>, vector<16xi32>], vector<16xf32>,
      %parallel_loop3A_564 = tpu.vector_load_idx %arg13[%parallel_loop3A_247, %parallel_loop3A_562] : memref<512x64xf32, #tpu.memory_space<vmem>>[vector<16xi32>, vector<16xi32>], vector<16xf32>,
      %parallel_loop3A_565 = tpu.vector_load_idx %arg14[%parallel_loop3A_247, %parallel_loop3A_562] : memref<512x64xf32, #tpu.memory_space<vmem>>[vector<16xi32>, vector<16xi32>], vector<16xf32>,
      %parallel_loop3A_566 = arith.mulf %parallel_loop3A_563, %parallel_loop3A_564 : vector<16xf32>
      %parallel_loop3A_567 = arith.addf %parallel_loop3A_531, %parallel_loop3A_566 : vector<16xf32>
      %parallel_loop3A_568 = arith.mulf %parallel_loop3A_563, %parallel_loop3A_565 : vector<16xf32>
      %parallel_loop3A_569 = arith.addf %parallel_loop3A_533, %parallel_loop3A_568 : vector<16xf32>
      %parallel_loop3A_570 = arith.constant 34 : i32
      %parallel_loop3A_571 = vector.broadcast %parallel_loop3A_570 : i32 to vector<16xi32>
      %parallel_loop3A_572 = tpu.vector_load_idx %arg12[%parallel_loop3A_247, %parallel_loop3A_571] : memref<512x64xf32, #tpu.memory_space<vmem>>[vector<16xi32>, vector<16xi32>], vector<16xf32>,
      %parallel_loop3A_573 = tpu.vector_load_idx %arg13[%parallel_loop3A_247, %parallel_loop3A_571] : memref<512x64xf32, #tpu.memory_space<vmem>>[vector<16xi32>, vector<16xi32>], vector<16xf32>,
      %parallel_loop3A_574 = tpu.vector_load_idx %arg14[%parallel_loop3A_247, %parallel_loop3A_571] : memref<512x64xf32, #tpu.memory_space<vmem>>[vector<16xi32>, vector<16xi32>], vector<16xf32>,
      %parallel_loop3A_575 = arith.mulf %parallel_loop3A_572, %parallel_loop3A_573 : vector<16xf32>
      %parallel_loop3A_576 = arith.addf %parallel_loop3A_540, %parallel_loop3A_575 : vector<16xf32>
      %parallel_loop3A_577 = arith.mulf %parallel_loop3A_572, %parallel_loop3A_574 : vector<16xf32>
      %parallel_loop3A_578 = arith.addf %parallel_loop3A_542, %parallel_loop3A_577 : vector<16xf32>
      %parallel_loop3A_579 = arith.constant 35 : i32
      %parallel_loop3A_580 = vector.broadcast %parallel_loop3A_579 : i32 to vector<16xi32>
      %parallel_loop3A_581 = tpu.vector_load_idx %arg12[%parallel_loop3A_247, %parallel_loop3A_580] : memref<512x64xf32, #tpu.memory_space<vmem>>[vector<16xi32>, vector<16xi32>], vector<16xf32>,
      %parallel_loop3A_582 = tpu.vector_load_idx %arg13[%parallel_loop3A_247, %parallel_loop3A_580] : memref<512x64xf32, #tpu.memory_space<vmem>>[vector<16xi32>, vector<16xi32>], vector<16xf32>,
      %parallel_loop3A_583 = tpu.vector_load_idx %arg14[%parallel_loop3A_247, %parallel_loop3A_580] : memref<512x64xf32, #tpu.memory_space<vmem>>[vector<16xi32>, vector<16xi32>], vector<16xf32>,
      %parallel_loop3A_584 = arith.mulf %parallel_loop3A_581, %parallel_loop3A_582 : vector<16xf32>
      %parallel_loop3A_585 = arith.addf %parallel_loop3A_549, %parallel_loop3A_584 : vector<16xf32>
      %parallel_loop3A_586 = arith.mulf %parallel_loop3A_581, %parallel_loop3A_583 : vector<16xf32>
      %parallel_loop3A_587 = arith.addf %parallel_loop3A_551, %parallel_loop3A_586 : vector<16xf32>
      %parallel_loop3A_588 = arith.constant 36 : i32
      %parallel_loop3A_589 = vector.broadcast %parallel_loop3A_588 : i32 to vector<16xi32>
      %parallel_loop3A_590 = tpu.vector_load_idx %arg12[%parallel_loop3A_247, %parallel_loop3A_589] : memref<512x64xf32, #tpu.memory_space<vmem>>[vector<16xi32>, vector<16xi32>], vector<16xf32>,
      %parallel_loop3A_591 = tpu.vector_load_idx %arg13[%parallel_loop3A_247, %parallel_loop3A_589] : memref<512x64xf32, #tpu.memory_space<vmem>>[vector<16xi32>, vector<16xi32>], vector<16xf32>,
      %parallel_loop3A_592 = tpu.vector_load_idx %arg14[%parallel_loop3A_247, %parallel_loop3A_589] : memref<512x64xf32, #tpu.memory_space<vmem>>[vector<16xi32>, vector<16xi32>], vector<16xf32>,
      %parallel_loop3A_593 = arith.mulf %parallel_loop3A_590, %parallel_loop3A_591 : vector<16xf32>
      %parallel_loop3A_594 = arith.addf %parallel_loop3A_558, %parallel_loop3A_593 : vector<16xf32>
      %parallel_loop3A_595 = arith.mulf %parallel_loop3A_590, %parallel_loop3A_592 : vector<16xf32>
      %parallel_loop3A_596 = arith.addf %parallel_loop3A_560, %parallel_loop3A_595 : vector<16xf32>
      %parallel_loop3A_597 = arith.constant 37 : i32
      %parallel_loop3A_598 = vector.broadcast %parallel_loop3A_597 : i32 to vector<16xi32>
      %parallel_loop3A_599 = tpu.vector_load_idx %arg12[%parallel_loop3A_247, %parallel_loop3A_598] : memref<512x64xf32, #tpu.memory_space<vmem>>[vector<16xi32>, vector<16xi32>], vector<16xf32>,
      %parallel_loop3A_600 = tpu.vector_load_idx %arg13[%parallel_loop3A_247, %parallel_loop3A_598] : memref<512x64xf32, #tpu.memory_space<vmem>>[vector<16xi32>, vector<16xi32>], vector<16xf32>,
      %parallel_loop3A_601 = tpu.vector_load_idx %arg14[%parallel_loop3A_247, %parallel_loop3A_598] : memref<512x64xf32, #tpu.memory_space<vmem>>[vector<16xi32>, vector<16xi32>], vector<16xf32>,
      %parallel_loop3A_602 = arith.mulf %parallel_loop3A_599, %parallel_loop3A_600 : vector<16xf32>
      %parallel_loop3A_603 = arith.addf %parallel_loop3A_567, %parallel_loop3A_602 : vector<16xf32>
      %parallel_loop3A_604 = arith.mulf %parallel_loop3A_599, %parallel_loop3A_601 : vector<16xf32>
      %parallel_loop3A_605 = arith.addf %parallel_loop3A_569, %parallel_loop3A_604 : vector<16xf32>
      %parallel_loop3A_606 = arith.constant 38 : i32
      %parallel_loop3A_607 = vector.broadcast %parallel_loop3A_606 : i32 to vector<16xi32>
      %parallel_loop3A_608 = tpu.vector_load_idx %arg12[%parallel_loop3A_247, %parallel_loop3A_607] : memref<512x64xf32, #tpu.memory_space<vmem>>[vector<16xi32>, vector<16xi32>], vector<16xf32>,
      %parallel_loop3A_609 = tpu.vector_load_idx %arg13[%parallel_loop3A_247, %parallel_loop3A_607] : memref<512x64xf32, #tpu.memory_space<vmem>>[vector<16xi32>, vector<16xi32>], vector<16xf32>,
      %parallel_loop3A_610 = tpu.vector_load_idx %arg14[%parallel_loop3A_247, %parallel_loop3A_607] : memref<512x64xf32, #tpu.memory_space<vmem>>[vector<16xi32>, vector<16xi32>], vector<16xf32>,
      %parallel_loop3A_611 = arith.mulf %parallel_loop3A_608, %parallel_loop3A_609 : vector<16xf32>
      %parallel_loop3A_612 = arith.addf %parallel_loop3A_576, %parallel_loop3A_611 : vector<16xf32>
      %parallel_loop3A_613 = arith.mulf %parallel_loop3A_608, %parallel_loop3A_610 : vector<16xf32>
      %parallel_loop3A_614 = arith.addf %parallel_loop3A_578, %parallel_loop3A_613 : vector<16xf32>
      %parallel_loop3A_615 = arith.constant 39 : i32
      %parallel_loop3A_616 = vector.broadcast %parallel_loop3A_615 : i32 to vector<16xi32>
      %parallel_loop3A_617 = tpu.vector_load_idx %arg12[%parallel_loop3A_247, %parallel_loop3A_616] : memref<512x64xf32, #tpu.memory_space<vmem>>[vector<16xi32>, vector<16xi32>], vector<16xf32>,
      %parallel_loop3A_618 = tpu.vector_load_idx %arg13[%parallel_loop3A_247, %parallel_loop3A_616] : memref<512x64xf32, #tpu.memory_space<vmem>>[vector<16xi32>, vector<16xi32>], vector<16xf32>,
      %parallel_loop3A_619 = tpu.vector_load_idx %arg14[%parallel_loop3A_247, %parallel_loop3A_616] : memref<512x64xf32, #tpu.memory_space<vmem>>[vector<16xi32>, vector<16xi32>], vector<16xf32>,
      %parallel_loop3A_620 = arith.mulf %parallel_loop3A_617, %parallel_loop3A_618 : vector<16xf32>
      %parallel_loop3A_621 = arith.addf %parallel_loop3A_585, %parallel_loop3A_620 : vector<16xf32>
      %parallel_loop3A_622 = arith.mulf %parallel_loop3A_617, %parallel_loop3A_619 : vector<16xf32>
      %parallel_loop3A_623 = arith.addf %parallel_loop3A_587, %parallel_loop3A_622 : vector<16xf32>
      %parallel_loop3A_624 = arith.constant 40 : i32
      %parallel_loop3A_625 = vector.broadcast %parallel_loop3A_624 : i32 to vector<16xi32>
      %parallel_loop3A_626 = tpu.vector_load_idx %arg12[%parallel_loop3A_247, %parallel_loop3A_625] : memref<512x64xf32, #tpu.memory_space<vmem>>[vector<16xi32>, vector<16xi32>], vector<16xf32>,
      %parallel_loop3A_627 = tpu.vector_load_idx %arg13[%parallel_loop3A_247, %parallel_loop3A_625] : memref<512x64xf32, #tpu.memory_space<vmem>>[vector<16xi32>, vector<16xi32>], vector<16xf32>,
      %parallel_loop3A_628 = tpu.vector_load_idx %arg14[%parallel_loop3A_247, %parallel_loop3A_625] : memref<512x64xf32, #tpu.memory_space<vmem>>[vector<16xi32>, vector<16xi32>], vector<16xf32>,
      %parallel_loop3A_629 = arith.mulf %parallel_loop3A_626, %parallel_loop3A_627 : vector<16xf32>
      %parallel_loop3A_630 = arith.addf %parallel_loop3A_594, %parallel_loop3A_629 : vector<16xf32>
      %parallel_loop3A_631 = arith.mulf %parallel_loop3A_626, %parallel_loop3A_628 : vector<16xf32>
      %parallel_loop3A_632 = arith.addf %parallel_loop3A_596, %parallel_loop3A_631 : vector<16xf32>
      %parallel_loop3A_633 = arith.constant 41 : i32
      %parallel_loop3A_634 = vector.broadcast %parallel_loop3A_633 : i32 to vector<16xi32>
      %parallel_loop3A_635 = tpu.vector_load_idx %arg12[%parallel_loop3A_247, %parallel_loop3A_634] : memref<512x64xf32, #tpu.memory_space<vmem>>[vector<16xi32>, vector<16xi32>], vector<16xf32>,
      %parallel_loop3A_636 = tpu.vector_load_idx %arg13[%parallel_loop3A_247, %parallel_loop3A_634] : memref<512x64xf32, #tpu.memory_space<vmem>>[vector<16xi32>, vector<16xi32>], vector<16xf32>,
      %parallel_loop3A_637 = tpu.vector_load_idx %arg14[%parallel_loop3A_247, %parallel_loop3A_634] : memref<512x64xf32, #tpu.memory_space<vmem>>[vector<16xi32>, vector<16xi32>], vector<16xf32>,
      %parallel_loop3A_638 = arith.mulf %parallel_loop3A_635, %parallel_loop3A_636 : vector<16xf32>
      %parallel_loop3A_639 = arith.addf %parallel_loop3A_603, %parallel_loop3A_638 : vector<16xf32>
      %parallel_loop3A_640 = arith.mulf %parallel_loop3A_635, %parallel_loop3A_637 : vector<16xf32>
      %parallel_loop3A_641 = arith.addf %parallel_loop3A_605, %parallel_loop3A_640 : vector<16xf32>
      %parallel_loop3A_642 = arith.constant 42 : i32
      %parallel_loop3A_643 = vector.broadcast %parallel_loop3A_642 : i32 to vector<16xi32>
      %parallel_loop3A_644 = tpu.vector_load_idx %arg12[%parallel_loop3A_247, %parallel_loop3A_643] : memref<512x64xf32, #tpu.memory_space<vmem>>[vector<16xi32>, vector<16xi32>], vector<16xf32>,
      %parallel_loop3A_645 = tpu.vector_load_idx %arg13[%parallel_loop3A_247, %parallel_loop3A_643] : memref<512x64xf32, #tpu.memory_space<vmem>>[vector<16xi32>, vector<16xi32>], vector<16xf32>,
      %parallel_loop3A_646 = tpu.vector_load_idx %arg14[%parallel_loop3A_247, %parallel_loop3A_643] : memref<512x64xf32, #tpu.memory_space<vmem>>[vector<16xi32>, vector<16xi32>], vector<16xf32>,
      %parallel_loop3A_647 = arith.mulf %parallel_loop3A_644, %parallel_loop3A_645 : vector<16xf32>
      %parallel_loop3A_648 = arith.addf %parallel_loop3A_612, %parallel_loop3A_647 : vector<16xf32>
      %parallel_loop3A_649 = arith.mulf %parallel_loop3A_644, %parallel_loop3A_646 : vector<16xf32>
      %parallel_loop3A_650 = arith.addf %parallel_loop3A_614, %parallel_loop3A_649 : vector<16xf32>
      %parallel_loop3A_651 = arith.constant 43 : i32
      %parallel_loop3A_652 = vector.broadcast %parallel_loop3A_651 : i32 to vector<16xi32>
      %parallel_loop3A_653 = tpu.vector_load_idx %arg12[%parallel_loop3A_247, %parallel_loop3A_652] : memref<512x64xf32, #tpu.memory_space<vmem>>[vector<16xi32>, vector<16xi32>], vector<16xf32>,
      %parallel_loop3A_654 = tpu.vector_load_idx %arg13[%parallel_loop3A_247, %parallel_loop3A_652] : memref<512x64xf32, #tpu.memory_space<vmem>>[vector<16xi32>, vector<16xi32>], vector<16xf32>,
      %parallel_loop3A_655 = tpu.vector_load_idx %arg14[%parallel_loop3A_247, %parallel_loop3A_652] : memref<512x64xf32, #tpu.memory_space<vmem>>[vector<16xi32>, vector<16xi32>], vector<16xf32>,
      %parallel_loop3A_656 = arith.mulf %parallel_loop3A_653, %parallel_loop3A_654 : vector<16xf32>
      %parallel_loop3A_657 = arith.addf %parallel_loop3A_621, %parallel_loop3A_656 : vector<16xf32>
      %parallel_loop3A_658 = arith.mulf %parallel_loop3A_653, %parallel_loop3A_655 : vector<16xf32>
      %parallel_loop3A_659 = arith.addf %parallel_loop3A_623, %parallel_loop3A_658 : vector<16xf32>
      %parallel_loop3A_660 = arith.constant 44 : i32
      %parallel_loop3A_661 = vector.broadcast %parallel_loop3A_660 : i32 to vector<16xi32>
      %parallel_loop3A_662 = tpu.vector_load_idx %arg12[%parallel_loop3A_247, %parallel_loop3A_661] : memref<512x64xf32, #tpu.memory_space<vmem>>[vector<16xi32>, vector<16xi32>], vector<16xf32>,
      %parallel_loop3A_663 = tpu.vector_load_idx %arg13[%parallel_loop3A_247, %parallel_loop3A_661] : memref<512x64xf32, #tpu.memory_space<vmem>>[vector<16xi32>, vector<16xi32>], vector<16xf32>,
      %parallel_loop3A_664 = tpu.vector_load_idx %arg14[%parallel_loop3A_247, %parallel_loop3A_661] : memref<512x64xf32, #tpu.memory_space<vmem>>[vector<16xi32>, vector<16xi32>], vector<16xf32>,
      %parallel_loop3A_665 = arith.mulf %parallel_loop3A_662, %parallel_loop3A_663 : vector<16xf32>
      %parallel_loop3A_666 = arith.addf %parallel_loop3A_630, %parallel_loop3A_665 : vector<16xf32>
      %parallel_loop3A_667 = arith.mulf %parallel_loop3A_662, %parallel_loop3A_664 : vector<16xf32>
      %parallel_loop3A_668 = arith.addf %parallel_loop3A_632, %parallel_loop3A_667 : vector<16xf32>
      %parallel_loop3A_669 = arith.constant 45 : i32
      %parallel_loop3A_670 = vector.broadcast %parallel_loop3A_669 : i32 to vector<16xi32>
      %parallel_loop3A_671 = tpu.vector_load_idx %arg12[%parallel_loop3A_247, %parallel_loop3A_670] : memref<512x64xf32, #tpu.memory_space<vmem>>[vector<16xi32>, vector<16xi32>], vector<16xf32>,
      %parallel_loop3A_672 = tpu.vector_load_idx %arg13[%parallel_loop3A_247, %parallel_loop3A_670] : memref<512x64xf32, #tpu.memory_space<vmem>>[vector<16xi32>, vector<16xi32>], vector<16xf32>,
      %parallel_loop3A_673 = tpu.vector_load_idx %arg14[%parallel_loop3A_247, %parallel_loop3A_670] : memref<512x64xf32, #tpu.memory_space<vmem>>[vector<16xi32>, vector<16xi32>], vector<16xf32>,
      %parallel_loop3A_674 = arith.mulf %parallel_loop3A_671, %parallel_loop3A_672 : vector<16xf32>
      %parallel_loop3A_675 = arith.addf %parallel_loop3A_639, %parallel_loop3A_674 : vector<16xf32>
      %parallel_loop3A_676 = arith.mulf %parallel_loop3A_671, %parallel_loop3A_673 : vector<16xf32>
      %parallel_loop3A_677 = arith.addf %parallel_loop3A_641, %parallel_loop3A_676 : vector<16xf32>
      %parallel_loop3A_678 = arith.constant 46 : i32
      %parallel_loop3A_679 = vector.broadcast %parallel_loop3A_678 : i32 to vector<16xi32>
      %parallel_loop3A_680 = tpu.vector_load_idx %arg12[%parallel_loop3A_247, %parallel_loop3A_679] : memref<512x64xf32, #tpu.memory_space<vmem>>[vector<16xi32>, vector<16xi32>], vector<16xf32>,
      %parallel_loop3A_681 = tpu.vector_load_idx %arg13[%parallel_loop3A_247, %parallel_loop3A_679] : memref<512x64xf32, #tpu.memory_space<vmem>>[vector<16xi32>, vector<16xi32>], vector<16xf32>,
      %parallel_loop3A_682 = tpu.vector_load_idx %arg14[%parallel_loop3A_247, %parallel_loop3A_679] : memref<512x64xf32, #tpu.memory_space<vmem>>[vector<16xi32>, vector<16xi32>], vector<16xf32>,
      %parallel_loop3A_683 = arith.mulf %parallel_loop3A_680, %parallel_loop3A_681 : vector<16xf32>
      %parallel_loop3A_684 = arith.addf %parallel_loop3A_648, %parallel_loop3A_683 : vector<16xf32>
      %parallel_loop3A_685 = arith.mulf %parallel_loop3A_680, %parallel_loop3A_682 : vector<16xf32>
      %parallel_loop3A_686 = arith.addf %parallel_loop3A_650, %parallel_loop3A_685 : vector<16xf32>
      %parallel_loop3A_687 = arith.constant 47 : i32
      %parallel_loop3A_688 = vector.broadcast %parallel_loop3A_687 : i32 to vector<16xi32>
      %parallel_loop3A_689 = tpu.vector_load_idx %arg12[%parallel_loop3A_247, %parallel_loop3A_688] : memref<512x64xf32, #tpu.memory_space<vmem>>[vector<16xi32>, vector<16xi32>], vector<16xf32>,
      %parallel_loop3A_690 = tpu.vector_load_idx %arg13[%parallel_loop3A_247, %parallel_loop3A_688] : memref<512x64xf32, #tpu.memory_space<vmem>>[vector<16xi32>, vector<16xi32>], vector<16xf32>,
      %parallel_loop3A_691 = tpu.vector_load_idx %arg14[%parallel_loop3A_247, %parallel_loop3A_688] : memref<512x64xf32, #tpu.memory_space<vmem>>[vector<16xi32>, vector<16xi32>], vector<16xf32>,
      %parallel_loop3A_692 = arith.mulf %parallel_loop3A_689, %parallel_loop3A_690 : vector<16xf32>
      %parallel_loop3A_693 = arith.addf %parallel_loop3A_657, %parallel_loop3A_692 : vector<16xf32>
      %parallel_loop3A_694 = arith.mulf %parallel_loop3A_689, %parallel_loop3A_691 : vector<16xf32>
      %parallel_loop3A_695 = arith.addf %parallel_loop3A_659, %parallel_loop3A_694 : vector<16xf32>
      %parallel_loop3A_696 = arith.constant 48 : i32
      %parallel_loop3A_697 = vector.broadcast %parallel_loop3A_696 : i32 to vector<16xi32>
      %parallel_loop3A_698 = tpu.vector_load_idx %arg12[%parallel_loop3A_247, %parallel_loop3A_697] : memref<512x64xf32, #tpu.memory_space<vmem>>[vector<16xi32>, vector<16xi32>], vector<16xf32>,
      %parallel_loop3A_699 = tpu.vector_load_idx %arg13[%parallel_loop3A_247, %parallel_loop3A_697] : memref<512x64xf32, #tpu.memory_space<vmem>>[vector<16xi32>, vector<16xi32>], vector<16xf32>,
      %parallel_loop3A_700 = tpu.vector_load_idx %arg14[%parallel_loop3A_247, %parallel_loop3A_697] : memref<512x64xf32, #tpu.memory_space<vmem>>[vector<16xi32>, vector<16xi32>], vector<16xf32>,
      %parallel_loop3A_701 = arith.mulf %parallel_loop3A_698, %parallel_loop3A_699 : vector<16xf32>
      %parallel_loop3A_702 = arith.addf %parallel_loop3A_666, %parallel_loop3A_701 : vector<16xf32>
      %parallel_loop3A_703 = arith.mulf %parallel_loop3A_698, %parallel_loop3A_700 : vector<16xf32>
      %parallel_loop3A_704 = arith.addf %parallel_loop3A_668, %parallel_loop3A_703 : vector<16xf32>
      %parallel_loop3A_705 = arith.constant 49 : i32
      %parallel_loop3A_706 = vector.broadcast %parallel_loop3A_705 : i32 to vector<16xi32>
      %parallel_loop3A_707 = tpu.vector_load_idx %arg12[%parallel_loop3A_247, %parallel_loop3A_706] : memref<512x64xf32, #tpu.memory_space<vmem>>[vector<16xi32>, vector<16xi32>], vector<16xf32>,
      %parallel_loop3A_708 = tpu.vector_load_idx %arg13[%parallel_loop3A_247, %parallel_loop3A_706] : memref<512x64xf32, #tpu.memory_space<vmem>>[vector<16xi32>, vector<16xi32>], vector<16xf32>,
      %parallel_loop3A_709 = tpu.vector_load_idx %arg14[%parallel_loop3A_247, %parallel_loop3A_706] : memref<512x64xf32, #tpu.memory_space<vmem>>[vector<16xi32>, vector<16xi32>], vector<16xf32>,
      %parallel_loop3A_710 = arith.mulf %parallel_loop3A_707, %parallel_loop3A_708 : vector<16xf32>
      %parallel_loop3A_711 = arith.addf %parallel_loop3A_675, %parallel_loop3A_710 : vector<16xf32>
      %parallel_loop3A_712 = arith.mulf %parallel_loop3A_707, %parallel_loop3A_709 : vector<16xf32>
      %parallel_loop3A_713 = arith.addf %parallel_loop3A_677, %parallel_loop3A_712 : vector<16xf32>
      %parallel_loop3A_714 = arith.constant 50 : i32
      %parallel_loop3A_715 = vector.broadcast %parallel_loop3A_714 : i32 to vector<16xi32>
      %parallel_loop3A_716 = tpu.vector_load_idx %arg12[%parallel_loop3A_247, %parallel_loop3A_715] : memref<512x64xf32, #tpu.memory_space<vmem>>[vector<16xi32>, vector<16xi32>], vector<16xf32>,
      %parallel_loop3A_717 = tpu.vector_load_idx %arg13[%parallel_loop3A_247, %parallel_loop3A_715] : memref<512x64xf32, #tpu.memory_space<vmem>>[vector<16xi32>, vector<16xi32>], vector<16xf32>,
      %parallel_loop3A_718 = tpu.vector_load_idx %arg14[%parallel_loop3A_247, %parallel_loop3A_715] : memref<512x64xf32, #tpu.memory_space<vmem>>[vector<16xi32>, vector<16xi32>], vector<16xf32>,
      %parallel_loop3A_719 = arith.mulf %parallel_loop3A_716, %parallel_loop3A_717 : vector<16xf32>
      %parallel_loop3A_720 = arith.addf %parallel_loop3A_684, %parallel_loop3A_719 : vector<16xf32>
      %parallel_loop3A_721 = arith.mulf %parallel_loop3A_716, %parallel_loop3A_718 : vector<16xf32>
      %parallel_loop3A_722 = arith.addf %parallel_loop3A_686, %parallel_loop3A_721 : vector<16xf32>
      %parallel_loop3A_723 = arith.constant 51 : i32
      %parallel_loop3A_724 = vector.broadcast %parallel_loop3A_723 : i32 to vector<16xi32>
      %parallel_loop3A_725 = tpu.vector_load_idx %arg12[%parallel_loop3A_247, %parallel_loop3A_724] : memref<512x64xf32, #tpu.memory_space<vmem>>[vector<16xi32>, vector<16xi32>], vector<16xf32>,
      %parallel_loop3A_726 = tpu.vector_load_idx %arg13[%parallel_loop3A_247, %parallel_loop3A_724] : memref<512x64xf32, #tpu.memory_space<vmem>>[vector<16xi32>, vector<16xi32>], vector<16xf32>,
      %parallel_loop3A_727 = tpu.vector_load_idx %arg14[%parallel_loop3A_247, %parallel_loop3A_724] : memref<512x64xf32, #tpu.memory_space<vmem>>[vector<16xi32>, vector<16xi32>], vector<16xf32>,
      %parallel_loop3A_728 = arith.mulf %parallel_loop3A_725, %parallel_loop3A_726 : vector<16xf32>
      %parallel_loop3A_729 = arith.addf %parallel_loop3A_693, %parallel_loop3A_728 : vector<16xf32>
      %parallel_loop3A_730 = arith.mulf %parallel_loop3A_725, %parallel_loop3A_727 : vector<16xf32>
      %parallel_loop3A_731 = arith.addf %parallel_loop3A_695, %parallel_loop3A_730 : vector<16xf32>
      %parallel_loop3A_732 = arith.constant 52 : i32
      %parallel_loop3A_733 = vector.broadcast %parallel_loop3A_732 : i32 to vector<16xi32>
      %parallel_loop3A_734 = tpu.vector_load_idx %arg12[%parallel_loop3A_247, %parallel_loop3A_733] : memref<512x64xf32, #tpu.memory_space<vmem>>[vector<16xi32>, vector<16xi32>], vector<16xf32>,
      %parallel_loop3A_735 = tpu.vector_load_idx %arg13[%parallel_loop3A_247, %parallel_loop3A_733] : memref<512x64xf32, #tpu.memory_space<vmem>>[vector<16xi32>, vector<16xi32>], vector<16xf32>,
      %parallel_loop3A_736 = tpu.vector_load_idx %arg14[%parallel_loop3A_247, %parallel_loop3A_733] : memref<512x64xf32, #tpu.memory_space<vmem>>[vector<16xi32>, vector<16xi32>], vector<16xf32>,
      %parallel_loop3A_737 = arith.mulf %parallel_loop3A_734, %parallel_loop3A_735 : vector<16xf32>
      %parallel_loop3A_738 = arith.addf %parallel_loop3A_702, %parallel_loop3A_737 : vector<16xf32>
      %parallel_loop3A_739 = arith.mulf %parallel_loop3A_734, %parallel_loop3A_736 : vector<16xf32>
      %parallel_loop3A_740 = arith.addf %parallel_loop3A_704, %parallel_loop3A_739 : vector<16xf32>
      %parallel_loop3A_741 = arith.constant 53 : i32
      %parallel_loop3A_742 = vector.broadcast %parallel_loop3A_741 : i32 to vector<16xi32>
      %parallel_loop3A_743 = tpu.vector_load_idx %arg12[%parallel_loop3A_247, %parallel_loop3A_742] : memref<512x64xf32, #tpu.memory_space<vmem>>[vector<16xi32>, vector<16xi32>], vector<16xf32>,
      %parallel_loop3A_744 = tpu.vector_load_idx %arg13[%parallel_loop3A_247, %parallel_loop3A_742] : memref<512x64xf32, #tpu.memory_space<vmem>>[vector<16xi32>, vector<16xi32>], vector<16xf32>,
      %parallel_loop3A_745 = tpu.vector_load_idx %arg14[%parallel_loop3A_247, %parallel_loop3A_742] : memref<512x64xf32, #tpu.memory_space<vmem>>[vector<16xi32>, vector<16xi32>], vector<16xf32>,
      %parallel_loop3A_746 = arith.mulf %parallel_loop3A_743, %parallel_loop3A_744 : vector<16xf32>
      %parallel_loop3A_747 = arith.addf %parallel_loop3A_711, %parallel_loop3A_746 : vector<16xf32>
      %parallel_loop3A_748 = arith.mulf %parallel_loop3A_743, %parallel_loop3A_745 : vector<16xf32>
      %parallel_loop3A_749 = arith.addf %parallel_loop3A_713, %parallel_loop3A_748 : vector<16xf32>
      %parallel_loop3A_750 = arith.constant 54 : i32
      %parallel_loop3A_751 = vector.broadcast %parallel_loop3A_750 : i32 to vector<16xi32>
      %parallel_loop3A_752 = tpu.vector_load_idx %arg12[%parallel_loop3A_247, %parallel_loop3A_751] : memref<512x64xf32, #tpu.memory_space<vmem>>[vector<16xi32>, vector<16xi32>], vector<16xf32>,
      %parallel_loop3A_753 = tpu.vector_load_idx %arg13[%parallel_loop3A_247, %parallel_loop3A_751] : memref<512x64xf32, #tpu.memory_space<vmem>>[vector<16xi32>, vector<16xi32>], vector<16xf32>,
      %parallel_loop3A_754 = tpu.vector_load_idx %arg14[%parallel_loop3A_247, %parallel_loop3A_751] : memref<512x64xf32, #tpu.memory_space<vmem>>[vector<16xi32>, vector<16xi32>], vector<16xf32>,
      %parallel_loop3A_755 = arith.mulf %parallel_loop3A_752, %parallel_loop3A_753 : vector<16xf32>
      %parallel_loop3A_756 = arith.addf %parallel_loop3A_720, %parallel_loop3A_755 : vector<16xf32>
      %parallel_loop3A_757 = arith.mulf %parallel_loop3A_752, %parallel_loop3A_754 : vector<16xf32>
      %parallel_loop3A_758 = arith.addf %parallel_loop3A_722, %parallel_loop3A_757 : vector<16xf32>
      %parallel_loop3A_759 = arith.constant 55 : i32
      %parallel_loop3A_760 = vector.broadcast %parallel_loop3A_759 : i32 to vector<16xi32>
      %parallel_loop3A_761 = tpu.vector_load_idx %arg12[%parallel_loop3A_247, %parallel_loop3A_760] : memref<512x64xf32, #tpu.memory_space<vmem>>[vector<16xi32>, vector<16xi32>], vector<16xf32>,
      %parallel_loop3A_762 = tpu.vector_load_idx %arg13[%parallel_loop3A_247, %parallel_loop3A_760] : memref<512x64xf32, #tpu.memory_space<vmem>>[vector<16xi32>, vector<16xi32>], vector<16xf32>,
      %parallel_loop3A_763 = tpu.vector_load_idx %arg14[%parallel_loop3A_247, %parallel_loop3A_760] : memref<512x64xf32, #tpu.memory_space<vmem>>[vector<16xi32>, vector<16xi32>], vector<16xf32>,
      %parallel_loop3A_764 = arith.mulf %parallel_loop3A_761, %parallel_loop3A_762 : vector<16xf32>
      %parallel_loop3A_765 = arith.addf %parallel_loop3A_729, %parallel_loop3A_764 : vector<16xf32>
      %parallel_loop3A_766 = arith.mulf %parallel_loop3A_761, %parallel_loop3A_763 : vector<16xf32>
      %parallel_loop3A_767 = arith.addf %parallel_loop3A_731, %parallel_loop3A_766 : vector<16xf32>
      %parallel_loop3A_768 = arith.constant 56 : i32
      %parallel_loop3A_769 = vector.broadcast %parallel_loop3A_768 : i32 to vector<16xi32>
      %parallel_loop3A_770 = tpu.vector_load_idx %arg12[%parallel_loop3A_247, %parallel_loop3A_769] : memref<512x64xf32, #tpu.memory_space<vmem>>[vector<16xi32>, vector<16xi32>], vector<16xf32>,
      %parallel_loop3A_771 = tpu.vector_load_idx %arg13[%parallel_loop3A_247, %parallel_loop3A_769] : memref<512x64xf32, #tpu.memory_space<vmem>>[vector<16xi32>, vector<16xi32>], vector<16xf32>,
      %parallel_loop3A_772 = tpu.vector_load_idx %arg14[%parallel_loop3A_247, %parallel_loop3A_769] : memref<512x64xf32, #tpu.memory_space<vmem>>[vector<16xi32>, vector<16xi32>], vector<16xf32>,
      %parallel_loop3A_773 = arith.mulf %parallel_loop3A_770, %parallel_loop3A_771 : vector<16xf32>
      %parallel_loop3A_774 = arith.addf %parallel_loop3A_738, %parallel_loop3A_773 : vector<16xf32>
      %parallel_loop3A_775 = arith.mulf %parallel_loop3A_770, %parallel_loop3A_772 : vector<16xf32>
      %parallel_loop3A_776 = arith.addf %parallel_loop3A_740, %parallel_loop3A_775 : vector<16xf32>
      %parallel_loop3A_777 = arith.constant 57 : i32
      %parallel_loop3A_778 = vector.broadcast %parallel_loop3A_777 : i32 to vector<16xi32>
      %parallel_loop3A_779 = tpu.vector_load_idx %arg12[%parallel_loop3A_247, %parallel_loop3A_778] : memref<512x64xf32, #tpu.memory_space<vmem>>[vector<16xi32>, vector<16xi32>], vector<16xf32>,
      %parallel_loop3A_780 = tpu.vector_load_idx %arg13[%parallel_loop3A_247, %parallel_loop3A_778] : memref<512x64xf32, #tpu.memory_space<vmem>>[vector<16xi32>, vector<16xi32>], vector<16xf32>,
      %parallel_loop3A_781 = tpu.vector_load_idx %arg14[%parallel_loop3A_247, %parallel_loop3A_778] : memref<512x64xf32, #tpu.memory_space<vmem>>[vector<16xi32>, vector<16xi32>], vector<16xf32>,
      %parallel_loop3A_782 = arith.mulf %parallel_loop3A_779, %parallel_loop3A_780 : vector<16xf32>
      %parallel_loop3A_783 = arith.addf %parallel_loop3A_747, %parallel_loop3A_782 : vector<16xf32>
      %parallel_loop3A_784 = arith.mulf %parallel_loop3A_779, %parallel_loop3A_781 : vector<16xf32>
      %parallel_loop3A_785 = arith.addf %parallel_loop3A_749, %parallel_loop3A_784 : vector<16xf32>
      %parallel_loop3A_786 = arith.constant 58 : i32
      %parallel_loop3A_787 = vector.broadcast %parallel_loop3A_786 : i32 to vector<16xi32>
      %parallel_loop3A_788 = tpu.vector_load_idx %arg12[%parallel_loop3A_247, %parallel_loop3A_787] : memref<512x64xf32, #tpu.memory_space<vmem>>[vector<16xi32>, vector<16xi32>], vector<16xf32>,
      %parallel_loop3A_789 = tpu.vector_load_idx %arg13[%parallel_loop3A_247, %parallel_loop3A_787] : memref<512x64xf32, #tpu.memory_space<vmem>>[vector<16xi32>, vector<16xi32>], vector<16xf32>,
      %parallel_loop3A_790 = tpu.vector_load_idx %arg14[%parallel_loop3A_247, %parallel_loop3A_787] : memref<512x64xf32, #tpu.memory_space<vmem>>[vector<16xi32>, vector<16xi32>], vector<16xf32>,
      %parallel_loop3A_791 = arith.mulf %parallel_loop3A_788, %parallel_loop3A_789 : vector<16xf32>
      %parallel_loop3A_792 = arith.addf %parallel_loop3A_756, %parallel_loop3A_791 : vector<16xf32>
      %parallel_loop3A_793 = arith.mulf %parallel_loop3A_788, %parallel_loop3A_790 : vector<16xf32>
      %parallel_loop3A_794 = arith.addf %parallel_loop3A_758, %parallel_loop3A_793 : vector<16xf32>
      %parallel_loop3A_795 = arith.constant 59 : i32
      %parallel_loop3A_796 = vector.broadcast %parallel_loop3A_795 : i32 to vector<16xi32>
      %parallel_loop3A_797 = tpu.vector_load_idx %arg12[%parallel_loop3A_247, %parallel_loop3A_796] : memref<512x64xf32, #tpu.memory_space<vmem>>[vector<16xi32>, vector<16xi32>], vector<16xf32>,
      %parallel_loop3A_798 = tpu.vector_load_idx %arg13[%parallel_loop3A_247, %parallel_loop3A_796] : memref<512x64xf32, #tpu.memory_space<vmem>>[vector<16xi32>, vector<16xi32>], vector<16xf32>,
      %parallel_loop3A_799 = tpu.vector_load_idx %arg14[%parallel_loop3A_247, %parallel_loop3A_796] : memref<512x64xf32, #tpu.memory_space<vmem>>[vector<16xi32>, vector<16xi32>], vector<16xf32>,
      %parallel_loop3A_800 = arith.mulf %parallel_loop3A_797, %parallel_loop3A_798 : vector<16xf32>
      %parallel_loop3A_801 = arith.addf %parallel_loop3A_765, %parallel_loop3A_800 : vector<16xf32>
      %parallel_loop3A_802 = arith.mulf %parallel_loop3A_797, %parallel_loop3A_799 : vector<16xf32>
      %parallel_loop3A_803 = arith.addf %parallel_loop3A_767, %parallel_loop3A_802 : vector<16xf32>
      %parallel_loop3A_804 = arith.constant 60 : i32
      %parallel_loop3A_805 = vector.broadcast %parallel_loop3A_804 : i32 to vector<16xi32>
      %parallel_loop3A_806 = tpu.vector_load_idx %arg12[%parallel_loop3A_247, %parallel_loop3A_805] : memref<512x64xf32, #tpu.memory_space<vmem>>[vector<16xi32>, vector<16xi32>], vector<16xf32>,
      %parallel_loop3A_807 = tpu.vector_load_idx %arg13[%parallel_loop3A_247, %parallel_loop3A_805] : memref<512x64xf32, #tpu.memory_space<vmem>>[vector<16xi32>, vector<16xi32>], vector<16xf32>,
      %parallel_loop3A_808 = tpu.vector_load_idx %arg14[%parallel_loop3A_247, %parallel_loop3A_805] : memref<512x64xf32, #tpu.memory_space<vmem>>[vector<16xi32>, vector<16xi32>], vector<16xf32>,
      %parallel_loop3A_809 = arith.mulf %parallel_loop3A_806, %parallel_loop3A_807 : vector<16xf32>
      %parallel_loop3A_810 = arith.addf %parallel_loop3A_774, %parallel_loop3A_809 : vector<16xf32>
      %parallel_loop3A_811 = arith.mulf %parallel_loop3A_806, %parallel_loop3A_808 : vector<16xf32>
      %parallel_loop3A_812 = arith.addf %parallel_loop3A_776, %parallel_loop3A_811 : vector<16xf32>
      %parallel_loop3A_813 = arith.constant 61 : i32
      %parallel_loop3A_814 = vector.broadcast %parallel_loop3A_813 : i32 to vector<16xi32>
      %parallel_loop3A_815 = tpu.vector_load_idx %arg12[%parallel_loop3A_247, %parallel_loop3A_814] : memref<512x64xf32, #tpu.memory_space<vmem>>[vector<16xi32>, vector<16xi32>], vector<16xf32>,
      %parallel_loop3A_816 = tpu.vector_load_idx %arg13[%parallel_loop3A_247, %parallel_loop3A_814] : memref<512x64xf32, #tpu.memory_space<vmem>>[vector<16xi32>, vector<16xi32>], vector<16xf32>,
      %parallel_loop3A_817 = tpu.vector_load_idx %arg14[%parallel_loop3A_247, %parallel_loop3A_814] : memref<512x64xf32, #tpu.memory_space<vmem>>[vector<16xi32>, vector<16xi32>], vector<16xf32>,
      %parallel_loop3A_818 = arith.mulf %parallel_loop3A_815, %parallel_loop3A_816 : vector<16xf32>
      %parallel_loop3A_819 = arith.addf %parallel_loop3A_783, %parallel_loop3A_818 : vector<16xf32>
      %parallel_loop3A_820 = arith.mulf %parallel_loop3A_815, %parallel_loop3A_817 : vector<16xf32>
      %parallel_loop3A_821 = arith.addf %parallel_loop3A_785, %parallel_loop3A_820 : vector<16xf32>
      %parallel_loop3A_822 = arith.constant 62 : i32
      %parallel_loop3A_823 = vector.broadcast %parallel_loop3A_822 : i32 to vector<16xi32>
      %parallel_loop3A_824 = tpu.vector_load_idx %arg12[%parallel_loop3A_247, %parallel_loop3A_823] : memref<512x64xf32, #tpu.memory_space<vmem>>[vector<16xi32>, vector<16xi32>], vector<16xf32>,
      %parallel_loop3A_825 = tpu.vector_load_idx %arg13[%parallel_loop3A_247, %parallel_loop3A_823] : memref<512x64xf32, #tpu.memory_space<vmem>>[vector<16xi32>, vector<16xi32>], vector<16xf32>,
      %parallel_loop3A_826 = tpu.vector_load_idx %arg14[%parallel_loop3A_247, %parallel_loop3A_823] : memref<512x64xf32, #tpu.memory_space<vmem>>[vector<16xi32>, vector<16xi32>], vector<16xf32>,
      %parallel_loop3A_827 = arith.mulf %parallel_loop3A_824, %parallel_loop3A_825 : vector<16xf32>
      %parallel_loop3A_828 = arith.addf %parallel_loop3A_792, %parallel_loop3A_827 : vector<16xf32>
      %parallel_loop3A_829 = arith.mulf %parallel_loop3A_824, %parallel_loop3A_826 : vector<16xf32>
      %parallel_loop3A_830 = arith.addf %parallel_loop3A_794, %parallel_loop3A_829 : vector<16xf32>
      %parallel_loop3A_831 = arith.constant 63 : i32
      %parallel_loop3A_832 = vector.broadcast %parallel_loop3A_831 : i32 to vector<16xi32>
      %parallel_loop3A_833 = tpu.vector_load_idx %arg12[%parallel_loop3A_247, %parallel_loop3A_832] : memref<512x64xf32, #tpu.memory_space<vmem>>[vector<16xi32>, vector<16xi32>], vector<16xf32>,
      %parallel_loop3A_834 = tpu.vector_load_idx %arg13[%parallel_loop3A_247, %parallel_loop3A_832] : memref<512x64xf32, #tpu.memory_space<vmem>>[vector<16xi32>, vector<16xi32>], vector<16xf32>,
      %parallel_loop3A_835 = tpu.vector_load_idx %arg14[%parallel_loop3A_247, %parallel_loop3A_832] : memref<512x64xf32, #tpu.memory_space<vmem>>[vector<16xi32>, vector<16xi32>], vector<16xf32>,
      %parallel_loop3A_836 = arith.mulf %parallel_loop3A_833, %parallel_loop3A_834 : vector<16xf32>
      %parallel_loop3A_837 = arith.addf %parallel_loop3A_801, %parallel_loop3A_836 : vector<16xf32>
      %parallel_loop3A_838 = arith.mulf %parallel_loop3A_833, %parallel_loop3A_835 : vector<16xf32>
      %parallel_loop3A_839 = arith.addf %parallel_loop3A_803, %parallel_loop3A_838 : vector<16xf32>
      %parallel_loop3A_840 = arith.addf %parallel_loop3A_810, %parallel_loop3A_819 : vector<16xf32>
      %parallel_loop3A_841 = arith.addf %parallel_loop3A_828, %parallel_loop3A_837 : vector<16xf32>
      %parallel_loop3A_842 = arith.addf %parallel_loop3A_840, %parallel_loop3A_841 : vector<16xf32>
      %parallel_loop3A_843 = arith.constant 16 : i32
      %parallel_loop3A_844 = arith.muli %parallel_loop3A_243, %parallel_loop3A_843 : i32
      %parallel_loop3A_845 = arith.index_cast %parallel_loop3A_844 : i32 to index
      %parallel_loop3A_846 = tpu.vector_load %arg15[%parallel_loop3A_845] {strides = array<i32>} : memref<512xf32, #tpu.memory_space<vmem>>, vector<16xf32>,
      tpu.vector_store %arg15[%parallel_loop3A_845], %parallel_loop3A_842 {strides = array<i32>} : memref<512xf32, #tpu.memory_space<vmem>>, vector<16xf32>,
      %parallel_loop3A_847 = arith.addf %parallel_loop3A_812, %parallel_loop3A_821 : vector<16xf32>
      %parallel_loop3A_848 = arith.addf %parallel_loop3A_830, %parallel_loop3A_839 : vector<16xf32>
      %parallel_loop3A_849 = arith.addf %parallel_loop3A_847, %parallel_loop3A_848 : vector<16xf32>
      %parallel_loop3A_850 = arith.constant 16 : i32
      %parallel_loop3A_851 = arith.muli %parallel_loop3A_243, %parallel_loop3A_850 : i32
      %parallel_loop3A_852 = arith.index_cast %parallel_loop3A_851 : i32 to index
      %parallel_loop3A_853 = tpu.vector_load %arg16[%parallel_loop3A_852] {strides = array<i32>} : memref<512xf32, #tpu.memory_space<vmem>>, vector<16xf32>,
      tpu.vector_store %arg16[%parallel_loop3A_852], %parallel_loop3A_849 {strides = array<i32>} : memref<512xf32, #tpu.memory_space<vmem>>, vector<16xf32>,
    } {sc.loop_unroll_factor = 1 : i64, sc.parallel_access}
    "tpu.region"() ({
      %run_scoped3A = tpu.sem_alloc : memref<!tpu.dma_semaphore, #tpu.memory_space<semaphore_mem>>
      %dma_start3A_243 = tpu.memref_slice %arg7[%mul3A_2] : memref<16384xf32, #tpu.memory_space<hbm>> -> memref<512xf32, #tpu.memory_space<hbm>>
      %dma_start3A_244 = tpu.memref_slice %arg7[%mul3A_2] : memref<16384xf32, #tpu.memory_space<hbm>> -> memref<512xf32, #tpu.memory_space<hbm>>
      tpu.enqueue_dma source(%arg15 : memref<512xf32, #tpu.memory_space<vmem>>) target(%dma_start3A_244 : memref<512xf32, #tpu.memory_space<hbm>>) target_semaphore(%run_scoped3A : memref<!tpu.dma_semaphore, #tpu.memory_space<semaphore_mem>>)
      %dma_wait3A_245 = tpu.memref_slice %arg7[%mul3A_2] : memref<16384xf32, #tpu.memory_space<hbm>> -> memref<512xf32, #tpu.memory_space<hbm>>
      %dma_wait3A_246 = tpu.memref_slice %arg7[%mul3A_2] : memref<16384xf32, #tpu.memory_space<hbm>> -> memref<512xf32, #tpu.memory_space<hbm>>
      tpu.wait_dma2 semaphore(%run_scoped3A : memref<!tpu.dma_semaphore, #tpu.memory_space<semaphore_mem>>) src(%arg15 : memref<512xf32, #tpu.memory_space<vmem>>) dst(%dma_wait3A_246 : memref<512xf32, #tpu.memory_space<hbm>>)
      tpu.yield
    }) : () -> ()
    "tpu.region"() ({
      %run_scoped3A = tpu.sem_alloc : memref<!tpu.dma_semaphore, #tpu.memory_space<semaphore_mem>>
      %dma_start3A_243 = tpu.memref_slice %arg8[%mul3A_2] : memref<16384xf32, #tpu.memory_space<hbm>> -> memref<512xf32, #tpu.memory_space<hbm>>
      %dma_start3A_244 = tpu.memref_slice %arg8[%mul3A_2] : memref<16384xf32, #tpu.memory_space<hbm>> -> memref<512xf32, #tpu.memory_space<hbm>>
      tpu.enqueue_dma source(%arg16 : memref<512xf32, #tpu.memory_space<vmem>>) target(%dma_start3A_244 : memref<512xf32, #tpu.memory_space<hbm>>) target_semaphore(%run_scoped3A : memref<!tpu.dma_semaphore, #tpu.memory_space<semaphore_mem>>)
      %dma_wait3A_245 = tpu.memref_slice %arg8[%mul3A_2] : memref<16384xf32, #tpu.memory_space<hbm>> -> memref<512xf32, #tpu.memory_space<hbm>>
      %dma_wait3A_246 = tpu.memref_slice %arg8[%mul3A_2] : memref<16384xf32, #tpu.memory_space<hbm>> -> memref<512xf32, #tpu.memory_space<hbm>>
      tpu.wait_dma2 semaphore(%run_scoped3A : memref<!tpu.dma_semaphore, #tpu.memory_space<semaphore_mem>>) src(%arg16 : memref<512xf32, #tpu.memory_space<vmem>>) dst(%dma_wait3A_246 : memref<512xf32, #tpu.memory_space<hbm>>)
      tpu.yield
    }) : () -> ()
    return
  }
}

</mosaic_0001>

<sc_bundles>
// kernel: kernel.3.cloned.1.call-start
scs
__scs_entry_jumppad:
0x0: {  	(pc) =	sbr.rel $0x88, $3  }
0x1: {  	(tag) =	ssettag $0x0;
	lr =	simm.s32 $0x1  }
0x2: {  	[smem:$0x3F9C] =	sst lr;
	_ =	strace $0xD0000000  }
0x3: {  	_ = 	snop  }
0x4: {  	_ = 	snop  }
0x5: {  	_ = 	snop  }
0x6: {  	_ = 	snop  }
0x7: {  	_ = 	snop  }
__scs_overlays_trampoline_lowered:
0x8: {  	[smem:$0x3FAB] =	sst s0  }
0x9: {  	[smem:$0x3FAC] =	sst s1  }
0xa: {  	[smem:$0x3FAD] =	sst s2  }
0xb: {  	[smem:$0x3FAE] =	sst s3  }
0xc: {  	[smem:$0x3FAF] =	sst s4  }
0xd: {  	[smem:$0x3FB0] =	sst s5  }
0xe: {  	[smem:$0x3FB1] =	sst s6  }
0xf: {  	[smem:$0x3FB2] =	sst s7  }
0x10: {  	[smem:$0x3FB3] =	sst s8  }
0x11: {  	[smem:$0x3FB4] =	sst s9;
	s0 =	simm.s32 @!p0 $0x0  }
0x12: {  	s1 =	sld [smem:$0x3F9A];
	s0 =	simm.s32 @p0 $0x1  }
0x13: {  	[smem:$0x3FB5] =	sst s0;
	s0 =	simm.s32 @!p1 $0x0  }
0x14: {  	s2 =	sld [smem:$0x3F99];
	s0 =	simm.s32 @p1 $0x1  }
0x15: {  	[smem:$0x3FB6] =	sst s0;
	s0 =	simm.s32 @!p2 $0x0  }
0x16: {  	s3 =	sld [smem:$0x3FDB];
	s0 =	simm.s32 @p2 $0x1  }
0x17: {  	s4 =	simm.s32 $0x1BF5;
	[smem:$0x3FB8] =	sst s0  }
0x18: {  	s0 =	sld [smem:$0x3F9B];
	_ =	swait.ge [sflag:s4], $0x0  }
0x19: {  	s7 =	sld [smem:$0x3F9C]  }
0x1a: {  	s8 =	sadd.s32 $0xFFFFE003, lr  }
0x1b: {  	s9 =	sadd.s32 $0xFFFFFEF7, lr;
	s5 =	simm.s32 $0xFFFFFFFF;
	p2 =	slt.u32 s8, $0xFFFFF086  }
0x1c: {  	p1 =	slt.u32 s9, $0xF7A;
	s5 =	simm.s32 @!p2 $0x0  }
0x1d: {  	s5 =	simm.s32 @p1 $0x1;
	p0 =	seq.s32 s7, s2  }
0x1e: {  	s7 =	smul.u32 @!p0 $0xF7A, s2;
	p2 =	seq.s32 @!p0 s5, $0x0  }
0x1f: {  	s9 =	smul.u32 $0xF7A, s1;
	s8 =	simm.s32 @!p0 $0x1BF5;
	p2 =	por !p2, p0  }
0x20: {  	[sflag:s8] =	ssyncset.s32 @!p0 $0xFFFFF086;
	s6 =	sadd.s32 @!p0 s3, s7;
	s7 =	simm.s32 @!p0 $0x108  }
0x21: {  	s3 =	sadd.s32 s3, s9;
	s6 =	sadd.s32 @!p0 $0x88, s6;
	s7 =	simm.s32 @p2 $0x1082  }
0x22: {  	[simem:s7], [sflag:s8] =	dma.local @!p0 [hbm:s6], $0xF7A  }
0x23: {  	s9 =	sor.u32 $0xD0000000, s2;
	s6 =	simm.s32 $0x108;
	_ =	swait.ge @!p0 [sflag:s8], $0x0  }
0x24: {  	s3 =	sadd.s32 $0x88, s3;
	s6 =	simm.s32 @!p1 $0x1082;
	[sflag:s4] =	ssyncset.s32 $0xFFFFF086  }
0x25: {  	[simem:s6], [sflag:s4] =	dma.local [hbm:s3], $0xF7A  }
0x26: {  	[smem:$0x3F9C] =	sst s1;
	(tag) =	ssettag s2;
	_ =	strace s9  }
0x27: {  	s1 =	sld [smem:$0x3FAC]  }
0x28: {  	s2 =	sld [smem:$0x3FAD]  }
0x29: {  	s4 =	sld [smem:$0x3FAF]  }
0x2a: {  	p0 =	seq.s32 s5, $0x0;
	s5 =	sld [smem:$0x3FB0]  }
0x2b: {  	s6 =	sld [smem:$0x3FB1]  }
0x2c: {  	s7 =	sld [smem:$0x3FB2]  }
0x2d: {  	s3 =	simm.s32 $0x108;
	s8 =	sld [smem:$0x3FB3]  }
0x2e: {  	s3 =	simm.s32 @!p0 $0x1082;
	s9 =	sld [smem:$0x3FB4]  }
0x2f: {  	lr =	sadd.s32 s0, s3;
	s0 =	sld [smem:$0x3FAB]  }
0x30: {  	s3 =	sld [smem:$0x3FAE]  }
0x31: {  	[smem:$0x3FB7] =	sst s10  }
0x32: {  	s10 =	sld [smem:$0x3FB5];
	_ =	sdelay $0x3  }
0x33: {  	p0 =	seq.s32 s10, $0x1;
	s10 =	sld [smem:$0x3FB7];
	_ =	sdelay $0x3  }
0x34: {  	[smem:$0x3FB7] =	sst s10  }
0x35: {  	s10 =	sld [smem:$0x3FB6];
	_ =	sdelay $0x3  }
0x36: {  	p1 =	seq.s32 s10, $0x1;
	s10 =	sld [smem:$0x3FB7];
	_ =	sdelay $0x3  }
0x37: {  	[smem:$0x3FB7] =	sst s10  }
0x38: {  	s10 =	sld [smem:$0x3FB8]  }
0x39: {  	_ = 	snop;
	(pc) =	sbr.ind lr, $3  }
0x3a: {  	_ = 	snop  }
0x3b: {  	_ = 	snop  }
0x3c: {  	p2 =	seq.s32 s10, $0x1;
	s10 =	sld [smem:$0x3FB7]  }
0x3d: {  	_ =	shalt  }
0x3e: {  	_ =	shalt  }
0x3f: {  	_ =	shalt  }
0x40: {  	_ =	shalt  }
0x41: {  	_ =	shalt  }
0x42: {  	_ =	shalt  }
0x43: {  	_ =	shalt  }
0x44: {  	_ =	shalt  }
0x45: {  	_ =	shalt  }
0x46: {  	_ =	shalt  }
0x47: {  	_ =	shalt  }
0x48: {  	_ =	shalt  }
0x49: {  	_ =	shalt  }
0x4a: {  	_ =	shalt  }
0x4b: {  	_ =	shalt  }
0x4c: {  	_ =	shalt  }
0x4d: {  	_ =	shalt  }
0x4e: {  	_ =	shalt  }
0x4f: {  	_ =	shalt  }
0x50: {  	_ =	shalt  }
0x51: {  	_ =	shalt  }
0x52: {  	_ =	shalt  }
0x53: {  	_ =	shalt  }
0x54: {  	_ =	shalt  }
0x55: {  	_ =	shalt  }
0x56: {  	_ =	shalt  }
0x57: {  	_ =	shalt  }
0x58: {  	_ =	shalt  }
0x59: {  	_ =	shalt  }
0x5a: {  	_ =	shalt  }
0x5b: {  	_ =	shalt  }
0x5c: {  	_ =	shalt  }
0x5d: {  	_ =	shalt  }
0x5e: {  	_ =	shalt  }
0x5f: {  	_ =	shalt  }
0x60: {  	_ =	shalt  }
0x61: {  	_ =	shalt  }
0x62: {  	_ =	shalt  }
0x63: {  	_ =	shalt  }
0x64: {  	_ =	shalt  }
0x65: {  	_ =	shalt  }
0x66: {  	_ =	shalt  }
0x67: {  	_ =	shalt  }
0x68: {  	_ =	shalt  }
0x69: {  	_ =	shalt  }
0x6a: {  	_ =	shalt  }
0x6b: {  	_ =	shalt  }
0x6c: {  	_ =	shalt  }
0x6d: {  	_ =	shalt  }
0x6e: {  	_ =	shalt  }
0x6f: {  	_ =	shalt  }
0x70: {  	_ =	shalt  }
0x71: {  	_ =	shalt  }
0x72: {  	_ =	shalt  }
0x73: {  	_ =	shalt  }
0x74: {  	_ =	shalt  }
0x75: {  	_ =	shalt  }
0x76: {  	_ =	shalt  }
0x77: {  	_ =	shalt  }
0x78: {  	_ =	shalt  }
0x79: {  	_ =	shalt  }
0x7a: {  	_ =	shalt  }
0x7b: {  	_ =	shalt  }
0x7c: {  	_ =	shalt  }
0x7d: {  	_ =	shalt  }
0x7e: {  	_ =	shalt  }
0x7f: {  	_ =	shalt  }
0x80: {  	_ =	shalt  }
0x81: {  	_ =	shalt  }
0x82: {  	_ =	shalt  }
0x83: {  	_ =	shalt  }
0x84: {  	_ =	shalt  }
0x85: {  	_ =	shalt  }
0x86: {  	_ =	shalt  }
0x87: {  	_ =	shalt  }
.Lfunc_end0:
.L_simem_size_0:
called_computation_lowered:
.L_overlay_start_0:
0x88: {  	s2 =	sld [smem:$0x3FD9]  }
0x89: {  	s3 =	sld [smem:$0x3FFE];
	_ =	sdelay $0x1  }
0x8a: {  	s1 =	srdreg.scid  }
0x8b: {  	s0 =	sand.u32 $0x1, s1  }
0x8c: {  	s14 =	sshll.u32 s0, $0xA;
	s2 =	sadd.s32 s3, s2  }
0x8d: {  	s2 =	sadd.s32 s2, s14  }
0x8e: {  	[smem:$0x3FC3] =	sst s2  }
0x8f: {  	_ = 	snop  }
0x90: {  	s2 =	sld [smem:$0x3FD0]  }
0x91: {  	s15 =	sld [smem:$0x3FC9]  }
0x92: {  	s4 =	sld [smem:$0x3FC8]  }
0x93: {  	s6 =	simm.s32 $0xA;
	s7 =	simm.s32 $0x10;
	s5 =	sld [smem:$0x3FC7]  }
0x94: {  	[smem:s7], [sflag:s6] =	dma.local [hbm:s2], $0x1  }
0x95: {  	_ =	swait.eq [sflag:s6], $0x1  }
0x96: {  	[sflag:s6] =	ssyncset.done $0x0  }
0x97: {  	s16 =	sld [smem:$0x10];
	[sflag:s6] =	ssyncadd.s32 $0xFFFFFFFF  }
0x98: {  	s17 =	sld [smem:$0x11];
	(tm) =	ssettm $0x1  }
0x99: {  	s18 =	sld [smem:$0x3FFB];
	_ =	sdelay $0x3  }
0x9a: {  	_ =	strace s18  }
0x9b: {  	s7 =	sld [smem:$0x3FFC];
	_ =	sdelay $0x3  }
0x9c: {  	_ =	strace s7  }
0x9d: {  	s7 =	sld [smem:$0x3FFD];
	_ =	sdelay $0x3  }
0x9e: {  	_ =	strace s7  }
0x9f: {  	_ =	strace $0x8FFFFFFF  }
0xa0: {  	s19 =	sld [smem:$0x3FDB];
	_ =	sdelay $0x1  }
0xa1: {  	s8 =	simm.s32 $_scs_section_size  }
0xa2: {  	s9 =	simm.s32 $_size__tile_overlayer_lowered;
	s10 =	simm.s32 $_tile_overlayer_lowered  }
0xa3: {  	s22 =	simm.s32 $0x1BFF;
	s21 =	sshll.u32 s10, $0x1;
	s7 =	sadd.s32 s8, s19  }
0xa4: {  	s11 =	simm.s32 $0x0;
	s20 =	sshll.u32 s9, $0x1;
	s9 =	sadd.s32 s21, s7  }
0xa5: {  	[timem:s11], [sflag:s22] =	dma.local [hbm:s9], s20  }
0xa6: {  	_ =	swait.ge [sflag:s22], s20  }
0xa7: {  	s8 =	ssub.s32 $0x0, s20;
	[sflag:s22] =	ssyncset.done $0x0  }
0xa8: {  	[sflag:s22] =	ssyncadd.s32 s8;
	_ =	sdelay $0x1  }
0xa9: {  	s23 =	simm.s32 $0x1B8B  }
0xaa: {  	_ =	swait.ge [sflag:s23], $0x1  }
0xab: {  	[sflag:s23] =	ssyncset.done $0x0  }
0xac: {  	s25 =	simm.s32 $0x1B8E;
	s24 =	sld [smem:$0x3FFE];
	[sflag:s23] =	ssyncadd.s32 $0xFFFFFFFF  }
0xad: {  	s26 =	simm.s32 $execute0_lowered;
	[smem:$0x3FD2] =	sst s25  }
0xae: {  	s9 =	sshll.u32 s26, $0x1;
	_ =	strace $0x80000046;
	[dreg:$0x1] =	wrdreg $0xFFFFFFFF  }
0xaf: {  	s28 =	simm.s32 $_size_execute0_lowered;
	s7 =	sadd.s32 s7, s9;
	[dreg:$0x0] =	wrdreg $0x0  }
0xb0: {  	s9 =	sshll.u32 s28, $0x1;
	[dreg:$0x2] =	wrdreg s7  }
0xb1: {  	[dreg:$0x3] =	wrdreg s9  }
0xb2: {  	[dreg:$0x4] =	wrdreg $0xC0  }
0xb3: {  	_ =	task [dreg:s11], $0x5FFFF  }
0xb4: {  	[dreg:$0x1] =	wrdreg $0xFFFFFFFF  }
0xb5: {  	[dreg:$0x0] =	wrdreg $0x60  }
0xb6: {  	[dreg:$0x2] =	wrdreg s15  }
0xb7: {  	[dreg:$0x3] =	wrdreg s4  }
0xb8: {  	[dreg:$0x4] =	wrdreg s5  }
0xb9: {  	[dreg:$0x5] =	wrdreg s24  }
0xba: {  	[dreg:$0x6] =	wrdreg s16  }
0xbb: {  	[dreg:$0x7] =	wrdreg s17  }
0xbc: {  	[dreg:$0x8] =	wrdreg $0x9  }
0xbd: {  	_ =	task.clear_ibuf [dreg:s11], $0x9FFFF;
	_ =	strace $0x90000046  }
0xbe: {  	s29 =	simm.s32 $0x9;
	_ =	strace $0x80000048  }
0xbf: {  	_ =	swait.ge [sflag:s29], $0x1  }
0xc0: {  	[sflag:s29] =	ssyncadd.s32 $0xFFFFFFFF  }
0xc1: {  	_ =	strace $0x90000048  }
0xc2: {  	_ =	sfence  }
0xc3: {  	s30 =	sld [smem:$0x0];
	_ =	sdelay $0x2  }
0xc4: {  	s31 =	sshll.u32 s1, $0xD;
	s1 =	sshrl.u32 s1, $0x2  }
0xc5: {  	s3 =	sand.u32 $0x4000, s31;
	s1 =	sadd.s32 s1, s30  }
0xc6: {  	s0 =	sor.u32 s3, s0;
	s1 =	sshll.u32 s1, $0x11  }
0xc7: {  	s0 =	sor.u32 s1, s0  }
0xc8: {  	s0 =	sadd.s32 $0x8F2B, s0  }
0xc9: {  	[sflag:s0] =	ssyncadd.remote.s32 $0x1  }
0xca: {  	_ =	sfence.sel $0xFFFF  }
0xcb: {  	[dreg:$0x0] =	wrdreg $0xFFFFFFFF;
	(pc) =	sbr.abs _section_cstart, $3  }
0xcc: {  	[dreg:$0x1] =	wrdreg $0xFFFFFFFF  }
0xcd: {  	_ =	task.clear_ibuf [dreg:s11], $0x2FFFF;
	_ =	strace $0x9FFFFFFF  }
0xce: {  	(tm) =	ssettm $0x7FFFFFFF  }
0xcf: {  	_ =	shalt  }
tec
execute0_lowered:
.L_overlay_start_1:
0x0: {  	(tag) =	ssettag $0x1  }
0x1: {  	s0 =	rddreg [dreg:$0x0]  }
0x2: {  	s1 =	rddreg [dreg:$0x1]  }
0x3: {  	s7 =	rddreg [dreg:$0x2]  }
0x4: {  	s4 =	rddreg [dreg:$0x3]  }
0x5: {  	s8 =	rddreg [dreg:$0x4]  }
0x6: {  	s9 =	rddreg [dreg:$0x5]  }
0x7: {  	s2 =	simm.s32 $0x0;
	s3 =	srdreg.scid;
	s6 =	stileid.u32  }
0x8: {  	s12 =	simm.s32 $0x200;
	s13 =	simm.s32 $0x400;
	s14 =	simm.s32 $0x80  }
0x9: {  	s15 =	simm.s32 $0x600;
	s16 =	simm.s32 $0x8600;
	s17 =	simm.s32 $0x10600  }
0xa: {  	s28 =	simm.s32 $0x500;
	s29 =	simm.s32 $0x14600;
	s30 =	simm.s32 $0x180  }
0xb: {  	s31 =	simm.s32 $0x6600;
	s18 =	simm.s32 $0x580;
	s19 =	simm.s32 $0x16600  }
0xc: {  	s20 =	simm.s32 $0x1;
	s21 =	simm.s32 $0x18600;
	s22 =	simm.s32 $0x18800  }
0xd: {  	s23 =	simm.s32 $0x0;
	[smem:$0x7FF] =	sst s2;
	s3 =	sand.u32 $0x1, s3  }
0xe: {  	s6 =	sshll.u32 s6, $0x7;
	_ =	strace $0x80000047;
	s5 =	ssub.s32 $0x2, s3  }
0xf: {  	s10 =	sshll.u32 s3, $0x6;
	s3 =	sadd.s32 $0xF42E00, s4;
	s11 =	sshrl.u32 s5, $0x1  }
0x10: {  	v0 =	vlaneseq.u32;
	s4 =	sadd.s32 $0x187400, s4;
	s10 =	sor.u32 s10, s6;
	s11 =	ssub.s32 s5, s11  }
0x11: {  	v6 =	vmul.u32 $0x40, v0;
	s5 =	sadd.s32 s0, s10;
	s6 =	sadd.s32 s1, s10;
	s7 =	sadd.s32 s7, s10  }
0x12: {  	s8 =	sadd.s32 s8, s10;
	s9 =	sadd.s32 s9, s10;
	s0 =	simm.s32 $0x380  }
0x13: {  	[tilespmem:$0x1FFF0] =	vst v6;
	s1 =	simm.s32 $0xE600;
	s10 =	smax.u32 s11, $0x1;
	s11 =	simm.s32 $0x2  }
.LBB2_1:
0x14: {  	[tilespmem:s2], [sflag:$0x2] =	stream.linear.gather [hbm4b:s5+s2], $0x200, $0x38;
	[tilespmem:$0x18A00] =	vst v63  }
0x15: {  	_ =	swait.ge [sflag:s11], $0x200  }
0x16: {  	[sflag:s11] =	ssyncset.done $0x0  }
0x17: {  	[sflag:s11] =	ssyncadd.s32 $0xFFFFFE00  }
0x18: {  	[tilespmem:s12], [sflag:$0x2] =	stream.linear.gather [hbm4b:s6+s2], $0x200, $0x38;
	[tilespmem:$0x18A00] =	vst v63  }
0x19: {  	_ =	swait.ge [sflag:s11], $0x200  }
0x1a: {  	[sflag:s11] =	ssyncset.done $0x0  }
0x1b: {  	[sflag:s11] =	ssyncadd.s32 $0xFFFFFE00  }
0x1c: {  	[tilespmem:s13], [sflag:$0x2] =	stream.linear.gather [hbm4b:s7+s2], $0x200, $0x38;
	[tilespmem:$0x18A00] =	vst v63  }
0x1d: {  	_ =	swait.ge [sflag:s11], $0x200  }
0x1e: {  	[sflag:s11] =	ssyncset.done $0x0  }
0x1f: {  	[sflag:s11] =	ssyncadd.s32 $0xFFFFFE00  }
0x20: {  	[tilespmem:s15], [sflag:$0x1] =	stream.indirect.gather [hbm4b:s3+s14], $0x40, s2, s14, $0xb8;
	[tilespmem:$0x18A00] =	vst v63  }
0x21: {  	_ = 	snop  }
0x22: {  	[tilespmem:s16], [sflag:$0x1] =	stream.indirect.gather [hbm4b:s4+s14], $0x40, s12, s14, $0xb8;
	[tilespmem:$0x18A00] =	vst v63  }
0x23: {  	_ = 	snop  }
0x24: {  	[tilespmem:s17], [sflag:$0x1] =	stream.indirect.gather [hbm4b:s4+s14], $0x40, s13, s14, $0xb8;
	[tilespmem:$0x18A00] =	vst v63  }
0x25: {  	s24 =	simm.s32 $0x2600  }
0x26: {  	[tilespmem:s24], [sflag:$0x1] =	stream.indirect.gather [hbm4b:s3+s14], $0x40, s14, s14, $0xb8;
	[tilespmem:$0x18A00] =	vst v63  }
0x27: {  	s26 =	simm.s32 $0x280;
	s25 =	simm.s32 $0xA600  }
0x28: {  	[tilespmem:s25], [sflag:$0x1] =	stream.indirect.gather [hbm4b:s4+s14], $0x40, s26, s14, $0xb8;
	[tilespmem:$0x18A00] =	vst v63  }
0x29: {  	s25 =	simm.s32 $0x480;
	s26 =	simm.s32 $0x12600  }
0x2a: {  	[tilespmem:s26], [sflag:$0x1] =	stream.indirect.gather [hbm4b:s4+s14], $0x40, s25, s14, $0xb8;
	[tilespmem:$0x18A00] =	vst v63  }
0x2b: {  	s25 =	simm.s32 $0x100;
	s26 =	simm.s32 $0x4600  }
0x2c: {  	[tilespmem:s26], [sflag:$0x1] =	stream.indirect.gather [hbm4b:s3+s14], $0x40, s25, s14, $0xb8;
	[tilespmem:$0x18A00] =	vst v63  }
0x2d: {  	s25 =	simm.s32 $0x300;
	s26 =	simm.s32 $0xC600  }
0x2e: {  	[tilespmem:s26], [sflag:$0x1] =	stream.indirect.gather [hbm4b:s4+s14], $0x40, s25, s14, $0xb8;
	[tilespmem:$0x18A00] =	vst v63  }
0x2f: {  	_ = 	snop  }
0x30: {  	[tilespmem:s29], [sflag:$0x1] =	stream.indirect.gather [hbm4b:s4+s14], $0x40, s28, s14, $0xb8;
	[tilespmem:$0x18A00] =	vst v63  }
0x31: {  	_ = 	snop  }
0x32: {  	[tilespmem:s31], [sflag:$0x1] =	stream.indirect.gather [hbm4b:s3+s14], $0x40, s30, s14, $0xb8;
	[tilespmem:$0x18A00] =	vst v63  }
0x33: {  	_ = 	snop  }
0x34: {  	[tilespmem:s1], [sflag:$0x1] =	stream.indirect.gather [hbm4b:s4+s14], $0x40, s0, s14, $0xb8;
	[tilespmem:$0x18A00] =	vst v63  }
0x35: {  	_ = 	snop  }
0x36: {  	[tilespmem:s19], [sflag:$0x1] =	stream.indirect.gather [hbm4b:s4+s14], $0x40, s18, s14, $0xb8;
	[tilespmem:$0x18A00] =	vst v63  }
0x37: {  	_ =	swait.ge [sflag:s20], $0x2000  }
0x38: {  	[sflag:s20] =	ssyncset.done $0x0  }
0x39: {  	[sflag:s20] =	ssyncadd.s32 $0xFFFFE000  }
0x3a: {  	_ =	swait.ge [sflag:s20], $0x2000  }
0x3b: {  	[sflag:s20] =	ssyncset.done $0x0  }
0x3c: {  	[sflag:s20] =	ssyncadd.s32 $0xFFFFE000  }
0x3d: {  	_ =	swait.ge [sflag:s20], $0x2000  }
0x3e: {  	[sflag:s20] =	ssyncset.done $0x0  }
0x3f: {  	[sflag:s20] =	ssyncadd.s32 $0xFFFFE000  }
0x40: {  	_ =	swait.ge [sflag:s20], $0x2000  }
0x41: {  	[sflag:s20] =	ssyncset.done $0x0  }
0x42: {  	[sflag:s20] =	ssyncadd.s32 $0xFFFFE000  }
0x43: {  	_ =	swait.ge [sflag:s20], $0x2000  }
0x44: {  	[sflag:s20] =	ssyncset.done $0x0  }
0x45: {  	[sflag:s20] =	ssyncadd.s32 $0xFFFFE000  }
0x46: {  	_ =	swait.ge [sflag:s20], $0x2000  }
0x47: {  	[sflag:s20] =	ssyncset.done $0x0  }
0x48: {  	[sflag:s20] =	ssyncadd.s32 $0xFFFFE000  }
0x49: {  	_ =	swait.ge [sflag:s20], $0x2000  }
0x4a: {  	[sflag:s20] =	ssyncset.done $0x0  }
0x4b: {  	[sflag:s20] =	ssyncadd.s32 $0xFFFFE000  }
0x4c: {  	_ =	swait.ge [sflag:s20], $0x2000  }
0x4d: {  	[sflag:s20] =	ssyncset.done $0x0  }
0x4e: {  	[sflag:s20] =	ssyncadd.s32 $0xFFFFE000  }
0x4f: {  	_ =	swait.ge [sflag:s20], $0x2000  }
0x50: {  	[sflag:s20] =	ssyncset.done $0x0  }
0x51: {  	[sflag:s20] =	ssyncadd.s32 $0xFFFFE000  }
0x52: {  	_ =	swait.ge [sflag:s20], $0x2000  }
0x53: {  	v0 =	vmov s2;
	[sflag:s20] =	ssyncset.done $0x0  }
0x54: {  	v0 =	vshll.u32 v0, $0x6;
	[sflag:s20] =	ssyncadd.s32 $0xFFFFE000  }
0x55: {  	v23 =	vor.u32 v6, v0;
	_ =	swait.ge [sflag:s20], $0x2000  }
0x56: {  	v0 =	vor.u32 $0x3C, v23;
	[sflag:s20] =	ssyncset.done $0x0  }
0x57: {  	[sflag:s20] =	ssyncadd.s32 $0xFFFFE000  }
0x58: {  	_ =	swait.ge [sflag:s20], $0x2000  }
0x59: {  	[sflag:s20] =	ssyncset.done $0x0  }
0x5a: {  	[sflag:s20] =	ssyncadd.s32 $0xFFFFE000  }
0x5b: {  	v2 =	vld.idx.msk [tilespmem:v0+s16+$0x0], $0xffff;
	_ =	sdelay $0x4  }
0x5c: {  	v47 =	vld.idx.msk [tilespmem:v0+s15+$0x0], $0xffff;
	[tilespmem:$0x1EF00] =	vst v2  }
0x5d: {  	v0 =	vld.idx.msk [tilespmem:v0+s17+$0x0], $0xffff  }
0x5e: {  	v1 =	vor.u32 $0x3D, v23;
	_ =	sdelay $0x3  }
0x5f: {  	[tilespmem:$0x1EF10] =	vst v0  }
0x60: {  	v0 =	vld.idx.msk [tilespmem:v1+s16+$0x0], $0xffff;
	_ =	sdelay $0x4  }
0x61: {  	v46 =	vld.idx.msk [tilespmem:v1+s15+$0x0], $0xffff;
	[tilespmem:$0x1EF20] =	vst v0  }
0x62: {  	v1 =	vld.idx.msk [tilespmem:v1+s17+$0x0], $0xffff  }
0x63: {  	v2 =	vor.u32 $0x38, v23;
	_ =	sdelay $0x3  }
0x64: {  	[tilespmem:$0x1EF30] =	vst v1  }
0x65: {  	v1 =	vld.idx.msk [tilespmem:v2+s16+$0x0], $0xffff;
	_ =	sdelay $0x4  }
0x66: {  	v44 =	vld.idx.msk [tilespmem:v2+s15+$0x0], $0xffff;
	[tilespmem:$0x1EF40] =	vst v1  }
0x67: {  	v2 =	vld.idx.msk [tilespmem:v2+s17+$0x0], $0xffff  }
0x68: {  	v0 =	vor.u32 $0x39, v23;
	_ =	sdelay $0x3  }
0x69: {  	[tilespmem:$0x1EF50] =	vst v2  }
0x6a: {  	v2 =	vld.idx.msk [tilespmem:v0+s15+$0x0], $0xffff;
	_ =	sdelay $0x4  }
0x6b: {  	[tilespmem:$0x1F760] =	vst v2  }
0x6c: {  	v2 =	vld.idx.msk [tilespmem:v0+s16+$0x0], $0xffff;
	_ =	sdelay $0x4  }
0x6d: {  	[tilespmem:$0x1F770] =	vst v2  }
0x6e: {  	v0 =	vld.idx.msk [tilespmem:v0+s17+$0x0], $0xffff  }
0x6f: {  	v1 =	vor.u32 $0x34, v23;
	_ =	sdelay $0x3  }
0x70: {  	[tilespmem:$0x1F780] =	vst v0  }
0x71: {  	v0 =	vld.idx.msk [tilespmem:v1+s16+$0x0], $0xffff;
	_ =	sdelay $0x4  }
0x72: {  	v43 =	vld.idx.msk [tilespmem:v1+s15+$0x0], $0xffff;
	[tilespmem:$0x1EF60] =	vst v0  }
0x73: {  	v1 =	vld.idx.msk [tilespmem:v1+s17+$0x0], $0xffff  }
0x74: {  	v2 =	vor.u32 $0x35, v23;
	_ =	sdelay $0x3  }
0x75: {  	[tilespmem:$0x1EF70] =	vst v1  }
0x76: {  	v1 =	vld.idx.msk [tilespmem:v2+s15+$0x0], $0xffff;
	_ =	sdelay $0x4  }
0x77: {  	[tilespmem:$0x1F6B0] =	vst v1  }
0x78: {  	v1 =	vld.idx.msk [tilespmem:v2+s16+$0x0], $0xffff;
	_ =	sdelay $0x4  }
0x79: {  	[tilespmem:$0x1F6C0] =	vst v1  }
0x7a: {  	v2 =	vld.idx.msk [tilespmem:v2+s17+$0x0], $0xffff  }
0x7b: {  	v0 =	vor.u32 $0x30, v23;
	_ =	sdelay $0x3  }
0x7c: {  	[tilespmem:$0x1F6D0] =	vst v2  }
0x7d: {  	v2 =	vld.idx.msk [tilespmem:v0+s16+$0x0], $0xffff;
	_ =	sdelay $0x4  }
0x7e: {  	v56 =	vld.idx.msk [tilespmem:v0+s15+$0x0], $0xffff;
	[tilespmem:$0x1EF80] =	vst v2  }
0x7f: {  	v0 =	vld.idx.msk [tilespmem:v0+s17+$0x0], $0xffff  }
0x80: {  	v1 =	vor.u32 $0x31, v23;
	_ =	sdelay $0x3  }
0x81: {  	[tilespmem:$0x1EF90] =	vst v0  }
0x82: {  	v0 =	vld.idx.msk [tilespmem:v1+s16+$0x0], $0xffff;
	_ =	sdelay $0x4  }
0x83: {  	v58 =	vld.idx.msk [tilespmem:v1+s15+$0x0], $0xffff;
	[tilespmem:$0x1EFA0] =	vst v0  }
0x84: {  	v1 =	vld.idx.msk [tilespmem:v1+s17+$0x0], $0xffff  }
0x85: {  	v2 =	vor.u32 $0x2C, v23;
	_ =	sdelay $0x3  }
0x86: {  	[tilespmem:$0x1EFB0] =	vst v1  }
0x87: {  	v1 =	vld.idx.msk [tilespmem:v2+s16+$0x0], $0xffff;
	_ =	sdelay $0x4  }
0x88: {  	v60 =	vld.idx.msk [tilespmem:v2+s15+$0x0], $0xffff;
	[tilespmem:$0x1EFC0] =	vst v1  }
0x89: {  	v2 =	vld.idx.msk [tilespmem:v2+s17+$0x0], $0xffff  }
0x8a: {  	v0 =	vor.u32 $0x2D, v23;
	_ =	sdelay $0x3  }
0x8b: {  	[tilespmem:$0x1EFD0] =	vst v2  }
0x8c: {  	v2 =	vld.idx.msk [tilespmem:v0+s15+$0x0], $0xffff;
	_ =	sdelay $0x4  }
0x8d: {  	[tilespmem:$0x1F560] =	vst v2  }
0x8e: {  	v2 =	vld.idx.msk [tilespmem:v0+s16+$0x0], $0xffff;
	_ =	sdelay $0x4  }
0x8f: {  	[tilespmem:$0x1F570] =	vst v2  }
0x90: {  	v0 =	vld.idx.msk [tilespmem:v0+s17+$0x0], $0xffff  }
0x91: {  	v1 =	vor.u32 $0x28, v23;
	_ =	sdelay $0x3  }
0x92: {  	[tilespmem:$0x1F580] =	vst v0  }
0x93: {  	v0 =	vld.idx.msk [tilespmem:v1+s16+$0x0], $0xffff;
	_ =	sdelay $0x4  }
0x94: {  	v42 =	vld.idx.msk [tilespmem:v1+s15+$0x0], $0xffff;
	[tilespmem:$0x1EFE0] =	vst v0  }
0x95: {  	v1 =	vld.idx.msk [tilespmem:v1+s17+$0x0], $0xffff  }
0x96: {  	v2 =	vor.u32 $0x29, v23;
	_ =	sdelay $0x3  }
0x97: {  	[tilespmem:$0x1EFF0] =	vst v1  }
0x98: {  	v1 =	vld.idx.msk [tilespmem:v2+s15+$0x0], $0xffff;
	_ =	sdelay $0x4  }
0x99: {  	[tilespmem:$0x1F4B0] =	vst v1  }
0x9a: {  	v1 =	vld.idx.msk [tilespmem:v2+s16+$0x0], $0xffff;
	_ =	sdelay $0x4  }
0x9b: {  	[tilespmem:$0x1F4C0] =	vst v1  }
0x9c: {  	v2 =	vld.idx.msk [tilespmem:v2+s17+$0x0], $0xffff  }
0x9d: {  	v0 =	vor.u32 $0x24, v23;
	_ =	sdelay $0x3  }
0x9e: {  	[tilespmem:$0x1F4D0] =	vst v2  }
0x9f: {  	v2 =	vld.idx.msk [tilespmem:v0+s16+$0x0], $0xffff;
	_ =	sdelay $0x4  }
0xa0: {  	v38 =	vld.idx.msk [tilespmem:v0+s15+$0x0], $0xffff;
	[tilespmem:$0x1F000] =	vst v2  }
0xa1: {  	v0 =	vld.idx.msk [tilespmem:v0+s17+$0x0], $0xffff  }
0xa2: {  	v1 =	vor.u32 $0x25, v23;
	_ =	sdelay $0x3  }
0xa3: {  	[tilespmem:$0x1F010] =	vst v0  }
0xa4: {  	v0 =	vld.idx.msk [tilespmem:v1+s16+$0x0], $0xffff;
	_ =	sdelay $0x4  }
0xa5: {  	v37 =	vld.idx.msk [tilespmem:v1+s15+$0x0], $0xffff;
	[tilespmem:$0x1F020] =	vst v0  }
0xa6: {  	v1 =	vld.idx.msk [tilespmem:v1+s17+$0x0], $0xffff  }
0xa7: {  	v2 =	vor.u32 $0x20, v23;
	_ =	sdelay $0x3  }
0xa8: {  	[tilespmem:$0x1F030] =	vst v1  }
0xa9: {  	v1 =	vld.idx.msk [tilespmem:v2+s16+$0x0], $0xffff;
	_ =	sdelay $0x4  }
0xaa: {  	v27 =	vld.idx.msk [tilespmem:v2+s15+$0x0], $0xffff;
	[tilespmem:$0x1F040] =	vst v1  }
0xab: {  	v2 =	vld.idx.msk [tilespmem:v2+s17+$0x0], $0xffff  }
0xac: {  	v0 =	vor.u32 $0x21, v23;
	_ =	sdelay $0x3  }
0xad: {  	[tilespmem:$0x1F050] =	vst v2  }
0xae: {  	v2 =	vld.idx.msk [tilespmem:v0+s15+$0x0], $0xffff;
	_ =	sdelay $0x4  }
0xaf: {  	[tilespmem:$0x1F3D0] =	vst v2  }
0xb0: {  	v2 =	vld.idx.msk [tilespmem:v0+s16+$0x0], $0xffff;
	_ =	sdelay $0x4  }
0xb1: {  	[tilespmem:$0x1F3E0] =	vst v2  }
0xb2: {  	v0 =	vld.idx.msk [tilespmem:v0+s17+$0x0], $0xffff  }
0xb3: {  	v1 =	vor.u32 $0x1C, v23;
	_ =	sdelay $0x3  }
0xb4: {  	[tilespmem:$0x1F3F0] =	vst v0  }
0xb5: {  	v0 =	vld.idx.msk [tilespmem:v1+s16+$0x0], $0xffff;
	_ =	sdelay $0x4  }
0xb6: {  	v26 =	vld.idx.msk [tilespmem:v1+s15+$0x0], $0xffff;
	[tilespmem:$0x1F060] =	vst v0  }
0xb7: {  	v1 =	vld.idx.msk [tilespmem:v1+s17+$0x0], $0xffff  }
0xb8: {  	v2 =	vor.u32 $0x1D, v23;
	_ =	sdelay $0x3  }
0xb9: {  	[tilespmem:$0x1F070] =	vst v1  }
0xba: {  	v1 =	vld.idx.msk [tilespmem:v2+s15+$0x0], $0xffff;
	_ =	sdelay $0x4  }
0xbb: {  	[tilespmem:$0x1F360] =	vst v1  }
0xbc: {  	v1 =	vld.idx.msk [tilespmem:v2+s16+$0x0], $0xffff;
	_ =	sdelay $0x4  }
0xbd: {  	[tilespmem:$0x1F370] =	vst v1  }
0xbe: {  	v2 =	vld.idx.msk [tilespmem:v2+s17+$0x0], $0xffff  }
0xbf: {  	v0 =	vor.u32 $0x18, v23;
	_ =	sdelay $0x3  }
0xc0: {  	[tilespmem:$0x1F380] =	vst v2  }
0xc1: {  	v2 =	vld.idx.msk [tilespmem:v0+s16+$0x0], $0xffff;
	_ =	sdelay $0x4  }
0xc2: {  	v20 =	vld.idx.msk [tilespmem:v0+s15+$0x0], $0xffff;
	[tilespmem:$0x1F080] =	vst v2  }
0xc3: {  	v0 =	vld.idx.msk [tilespmem:v0+s17+$0x0], $0xffff  }
0xc4: {  	v1 =	vor.u32 $0x19, v23;
	_ =	sdelay $0x3  }
0xc5: {  	[tilespmem:$0x1F090] =	vst v0  }
0xc6: {  	v0 =	vld.idx.msk [tilespmem:v1+s16+$0x0], $0xffff;
	_ =	sdelay $0x4  }
0xc7: {  	v19 =	vld.idx.msk [tilespmem:v1+s15+$0x0], $0xffff;
	[tilespmem:$0x1F0A0] =	vst v0  }
0xc8: {  	v1 =	vld.idx.msk [tilespmem:v1+s17+$0x0], $0xffff  }
0xc9: {  	v2 =	vor.u32 $0x14, v23;
	_ =	sdelay $0x3  }
0xca: {  	[tilespmem:$0x1F0B0] =	vst v1  }
0xcb: {  	v1 =	vld.idx.msk [tilespmem:v2+s16+$0x0], $0xffff;
	_ =	sdelay $0x4  }
0xcc: {  	v11 =	vld.idx.msk [tilespmem:v2+s15+$0x0], $0xffff;
	[tilespmem:$0x1F0C0] =	vst v1  }
0xcd: {  	v2 =	vld.idx.msk [tilespmem:v2+s17+$0x0], $0xffff  }
0xce: {  	v0 =	vor.u32 $0x15, v23;
	_ =	sdelay $0x3  }
0xcf: {  	[tilespmem:$0x1F0D0] =	vst v2  }
0xd0: {  	v2 =	vld.idx.msk [tilespmem:v0+s15+$0x0], $0xffff;
	_ =	sdelay $0x4  }
0xd1: {  	[tilespmem:$0x1F2C0] =	vst v2  }
0xd2: {  	v2 =	vld.idx.msk [tilespmem:v0+s16+$0x0], $0xffff;
	_ =	sdelay $0x4  }
0xd3: {  	[tilespmem:$0x1F2D0] =	vst v2  }
0xd4: {  	v0 =	vld.idx.msk [tilespmem:v0+s17+$0x0], $0xffff  }
0xd5: {  	v1 =	vor.u32 $0x10, v23;
	_ =	sdelay $0x3  }
0xd6: {  	[tilespmem:$0x1F2E0] =	vst v0  }
0xd7: {  	v0 =	vld.idx.msk [tilespmem:v1+s16+$0x0], $0xffff;
	_ =	sdelay $0x4  }
0xd8: {  	v18 =	vld.idx.msk [tilespmem:v1+s15+$0x0], $0xffff;
	[tilespmem:$0x1F0E0] =	vst v0  }
0xd9: {  	v1 =	vld.idx.msk [tilespmem:v1+s17+$0x0], $0xffff  }
0xda: {  	v2 =	vor.u32 $0x11, v23;
	_ =	sdelay $0x3  }
0xdb: {  	[tilespmem:$0x1F0F0] =	vst v1  }
0xdc: {  	v1 =	vld.idx.msk [tilespmem:v2+s16+$0x0], $0xffff;
	_ =	sdelay $0x4  }
0xdd: {  	v49 =	vld.idx.msk [tilespmem:v2+s15+$0x0], $0xffff;
	[tilespmem:$0x1F260] =	vst v1  }
0xde: {  	v2 =	vld.idx.msk [tilespmem:v2+s17+$0x0], $0xffff  }
0xdf: {  	v0 =	vor.u32 $0xC, v23;
	_ =	sdelay $0x3  }
0xe0: {  	[tilespmem:$0x1F270] =	vst v2  }
0xe1: {  	v2 =	vld.idx.msk [tilespmem:v0+s16+$0x0], $0xffff;
	_ =	sdelay $0x4  }
0xe2: {  	v16 =	vld.idx.msk [tilespmem:v0+s15+$0x0], $0xffff;
	[tilespmem:$0x1F100] =	vst v2  }
0xe3: {  	v0 =	vld.idx.msk [tilespmem:v0+s17+$0x0], $0xffff  }
0xe4: {  	v1 =	vor.u32 $0xD, v23;
	_ =	sdelay $0x3  }
0xe5: {  	[tilespmem:$0x1F110] =	vst v0  }
0xe6: {  	v0 =	vld.idx.msk [tilespmem:v1+s16+$0x0], $0xffff;
	_ =	sdelay $0x4  }
0xe7: {  	v14 =	vld.idx.msk [tilespmem:v1+s15+$0x0], $0xffff;
	[tilespmem:$0x1F120] =	vst v0  }
0xe8: {  	v1 =	vld.idx.msk [tilespmem:v1+s17+$0x0], $0xffff  }
0xe9: {  	v2 =	vor.u32 $0x8, v23;
	_ =	sdelay $0x3  }
0xea: {  	[tilespmem:$0x1F130] =	vst v1  }
0xeb: {  	v1 =	vld.idx.msk [tilespmem:v2+s16+$0x0], $0xffff;
	_ =	sdelay $0x4  }
0xec: {  	v24 =	vld.idx.msk [tilespmem:v2+s15+$0x0], $0xffff;
	[tilespmem:$0x1F140] =	vst v1  }
0xed: {  	v2 =	vld.idx.msk [tilespmem:v2+s17+$0x0], $0xffff  }
0xee: {  	v0 =	vor.u32 $0x9, v23;
	_ =	sdelay $0x3  }
0xef: {  	[tilespmem:$0x1F150] =	vst v2  }
0xf0: {  	v2 =	vld.idx.msk [tilespmem:v0+s16+$0x0], $0xffff;
	_ =	sdelay $0x4  }
0xf1: {  	v45 =	vld.idx.msk [tilespmem:v0+s15+$0x0], $0xffff;
	[tilespmem:$0x1F1C0] =	vst v2  }
0xf2: {  	v0 =	vld.idx.msk [tilespmem:v0+s17+$0x0], $0xffff  }
0xf3: {  	v1 =	vor.u32 $0x4, v23;
	_ =	sdelay $0x3  }
0xf4: {  	[tilespmem:$0x1F1D0] =	vst v0  }
0xf5: {  	v0 =	vld.idx.msk [tilespmem:v1+s16+$0x0], $0xffff;
	_ =	sdelay $0x4  }
0xf6: {  	v28 =	vld.idx.msk [tilespmem:v1+s15+$0x0], $0xffff;
	[tilespmem:$0x1F160] =	vst v0  }
0xf7: {  	v1 =	vld.idx.msk [tilespmem:v1+s17+$0x0], $0xffff  }
0xf8: {  	v0 =	vor.u32 $0x1, v23;
	_ =	sdelay $0x1  }
0xf9: {  	v3 =	vor.u32 $0x5, v23;
	_ =	sdelay $0x1  }
0xfa: {  	[tilespmem:$0x1F170] =	vst v1  }
0xfb: {  	v1 =	vld.idx.msk [tilespmem:v0+s16+$0x0], $0xffff;
	_ =	sdelay $0x1  }
0xfc: {  	v5 =	vor.u32 $0x2, v23;
	v13 =	vld.idx.msk [tilespmem:v3+s15+$0x0], $0xffff  }
0xfd: {  	v63 =	vld.idx.msk [tilespmem:v3+s16+$0x0], $0xffff  }
0xfe: {  	v62 =	vld.idx.msk [tilespmem:v3+s17+$0x0], $0xffff  }
0xff: {  	v15 =	vor.u32 $0x6, v23;
	v12 =	vld.idx.msk [tilespmem:v0+s15+$0x0], $0xffff;
	[tilespmem:$0x1F180] =	vst v1  }
0x100: {  	v9 =	vor.u32 $0x3, v23;
	v61 =	vld.idx.msk [tilespmem:v0+s17+$0x0], $0xffff  }
0x101: {  	v10 =	vld.idx.msk [tilespmem:v5+s15+$0x0], $0xffff  }
0x102: {  	v55 =	vld.idx.msk [tilespmem:v5+s16+$0x0], $0xffff  }
0x103: {  	v53 =	vld.idx.msk [tilespmem:v5+s17+$0x0], $0xffff  }
0x104: {  	v0 =	vld.idx.msk [tilespmem:v15+s17+$0x0], $0xffff  }
0x105: {  	v17 =	vor.u32 $0x7, v23;
	v8 =	vld.idx.msk [tilespmem:v9+s15+$0x0], $0xffff  }
0x106: {  	v52 =	vld.idx.msk [tilespmem:v9+s16+$0x0], $0xffff  }
0x107: {  	v50 =	vld.idx.msk [tilespmem:v9+s17+$0x0], $0xffff  }
0x108: {  	v9 =	vld.idx.msk [tilespmem:v15+s15+$0x0], $0xffff  }
0x109: {  	v51 =	vld.idx.msk [tilespmem:v15+s16+$0x0], $0xffff;
	[tilespmem:$0x1F190] =	vst v0  }
0x10a: {  	v0 =	vld.idx.msk [tilespmem:v17+s16+$0x0], $0xffff;
	_ =	sdelay $0x4  }
0x10b: {  	v15 =	vld.idx.msk [tilespmem:v17+s15+$0x0], $0xffff;
	[tilespmem:$0x1F1A0] =	vst v0  }
0x10c: {  	v0 =	vld.idx.msk [tilespmem:v17+s17+$0x0], $0xffff  }
0x10d: {  	v21 =	vor.u32 $0xA, v23;
	_ =	sdelay $0x3  }
0x10e: {  	[tilespmem:$0x1F1B0] =	vst v0  }
0x10f: {  	v0 =	vld.idx.msk [tilespmem:v21+s16+$0x0], $0xffff;
	_ =	sdelay $0x4  }
0x110: {  	v17 =	vld.idx.msk [tilespmem:v21+s15+$0x0], $0xffff;
	[tilespmem:$0x1F1E0] =	vst v0  }
0x111: {  	v0 =	vld.idx.msk [tilespmem:v21+s17+$0x0], $0xffff  }
0x112: {  	v22 =	vor.u32 $0xB, v23;
	_ =	sdelay $0x3  }
0x113: {  	[tilespmem:$0x1F1F0] =	vst v0  }
0x114: {  	v0 =	vld.idx.msk [tilespmem:v22+s16+$0x0], $0xffff;
	_ =	sdelay $0x4  }
0x115: {  	v21 =	vld.idx.msk [tilespmem:v22+s15+$0x0], $0xffff;
	[tilespmem:$0x1F200] =	vst v0  }
0x116: {  	v0 =	vld.idx.msk [tilespmem:v22+s17+$0x0], $0xffff  }
0x117: {  	v25 =	vor.u32 $0xE, v23;
	_ =	sdelay $0x3  }
0x118: {  	[tilespmem:$0x1F210] =	vst v0  }
0x119: {  	v0 =	vld.idx.msk [tilespmem:v25+s16+$0x0], $0xffff;
	_ =	sdelay $0x4  }
0x11a: {  	v41 =	vld.idx.msk [tilespmem:v25+s15+$0x0], $0xffff;
	[tilespmem:$0x1F220] =	vst v0  }
0x11b: {  	v0 =	vld.idx.msk [tilespmem:v25+s17+$0x0], $0xffff  }
0x11c: {  	v29 =	vor.u32 $0xF, v23;
	_ =	sdelay $0x3  }
0x11d: {  	[tilespmem:$0x1F230] =	vst v0  }
0x11e: {  	v0 =	vld.idx.msk [tilespmem:v29+s16+$0x0], $0xffff;
	_ =	sdelay $0x4  }
0x11f: {  	v25 =	vld.idx.msk [tilespmem:v29+s15+$0x0], $0xffff;
	[tilespmem:$0x1F240] =	vst v0  }
0x120: {  	v0 =	vld.idx.msk [tilespmem:v29+s17+$0x0], $0xffff  }
0x121: {  	v30 =	vor.u32 $0x12, v23;
	_ =	sdelay $0x3  }
0x122: {  	[tilespmem:$0x1F250] =	vst v0  }
0x123: {  	v0 =	vld.idx.msk [tilespmem:v30+s16+$0x0], $0xffff;
	_ =	sdelay $0x4  }
0x124: {  	v29 =	vld.idx.msk [tilespmem:v30+s15+$0x0], $0xffff;
	[tilespmem:$0x1F280] =	vst v0  }
0x125: {  	v0 =	vld.idx.msk [tilespmem:v30+s17+$0x0], $0xffff  }
0x126: {  	v31 =	vor.u32 $0x13, v23;
	_ =	sdelay $0x3  }
0x127: {  	[tilespmem:$0x1F290] =	vst v0  }
0x128: {  	v0 =	vld.idx.msk [tilespmem:v31+s16+$0x0], $0xffff;
	_ =	sdelay $0x4  }
0x129: {  	v30 =	vld.idx.msk [tilespmem:v31+s15+$0x0], $0xffff;
	[tilespmem:$0x1F2A0] =	vst v0  }
0x12a: {  	v0 =	vld.idx.msk [tilespmem:v31+s17+$0x0], $0xffff  }
0x12b: {  	v32 =	vor.u32 $0x16, v23;
	_ =	sdelay $0x3  }
0x12c: {  	[tilespmem:$0x1F2B0] =	vst v0  }
0x12d: {  	v0 =	vld.idx.msk [tilespmem:v32+s16+$0x0], $0xffff;
	_ =	sdelay $0x4  }
0x12e: {  	v48 =	vld.idx.msk [tilespmem:v32+s15+$0x0], $0xffff;
	[tilespmem:$0x1F2F0] =	vst v0  }
0x12f: {  	v0 =	vld.idx.msk [tilespmem:v32+s17+$0x0], $0xffff  }
0x130: {  	v33 =	vor.u32 $0x17, v23;
	_ =	sdelay $0x3  }
0x131: {  	[tilespmem:$0x1F300] =	vst v0  }
0x132: {  	v0 =	vld.idx.msk [tilespmem:v33+s17+$0x0], $0xffff  }
0x133: {  	v34 =	vor.u32 $0x1A, v23;
	_ =	sdelay $0x2  }
0x134: {  	v32 =	vld.idx.msk [tilespmem:v33+s15+$0x0], $0xffff  }
0x135: {  	v31 =	vld.idx.msk [tilespmem:v33+s16+$0x0], $0xffff;
	[tilespmem:$0x1F310] =	vst v0  }
0x136: {  	v0 =	vld.idx.msk [tilespmem:v34+s16+$0x0], $0xffff;
	_ =	sdelay $0x4  }
0x137: {  	v33 =	vld.idx.msk [tilespmem:v34+s15+$0x0], $0xffff;
	[tilespmem:$0x1F320] =	vst v0  }
0x138: {  	v0 =	vld.idx.msk [tilespmem:v34+s17+$0x0], $0xffff  }
0x139: {  	v35 =	vor.u32 $0x1B, v23;
	_ =	sdelay $0x3  }
0x13a: {  	[tilespmem:$0x1F330] =	vst v0  }
0x13b: {  	v0 =	vld.idx.msk [tilespmem:v35+s16+$0x0], $0xffff;
	_ =	sdelay $0x4  }
0x13c: {  	v34 =	vld.idx.msk [tilespmem:v35+s15+$0x0], $0xffff;
	[tilespmem:$0x1F340] =	vst v0  }
0x13d: {  	v0 =	vld.idx.msk [tilespmem:v35+s17+$0x0], $0xffff  }
0x13e: {  	v36 =	vor.u32 $0x1E, v23;
	_ =	sdelay $0x3  }
0x13f: {  	[tilespmem:$0x1F350] =	vst v0  }
0x140: {  	v0 =	vld.idx.msk [tilespmem:v36+s16+$0x0], $0xffff;
	_ =	sdelay $0x4  }
0x141: {  	v35 =	vld.idx.msk [tilespmem:v36+s15+$0x0], $0xffff;
	[tilespmem:$0x1F390] =	vst v0  }
0x142: {  	v0 =	vld.idx.msk [tilespmem:v36+s17+$0x0], $0xffff  }
0x143: {  	v39 =	vor.u32 $0x1F, v23;
	_ =	sdelay $0x3  }
0x144: {  	[tilespmem:$0x1F3A0] =	vst v0  }
0x145: {  	v0 =	vld.idx.msk [tilespmem:v39+s16+$0x0], $0xffff;
	_ =	sdelay $0x4  }
0x146: {  	v36 =	vld.idx.msk [tilespmem:v39+s15+$0x0], $0xffff;
	[tilespmem:$0x1F3B0] =	vst v0  }
0x147: {  	v0 =	vld.idx.msk [tilespmem:v39+s17+$0x0], $0xffff  }
0x148: {  	v40 =	vor.u32 $0x22, v23;
	_ =	sdelay $0x3  }
0x149: {  	[tilespmem:$0x1F3C0] =	vst v0  }
0x14a: {  	v0 =	vld.idx.msk [tilespmem:v40+s16+$0x0], $0xffff;
	_ =	sdelay $0x4  }
0x14b: {  	v39 =	vld.idx.msk [tilespmem:v40+s15+$0x0], $0xffff;
	[tilespmem:$0x1F400] =	vst v0  }
0x14c: {  	v0 =	vld.idx.msk [tilespmem:v40+s17+$0x0], $0xffff  }
0x14d: {  	v54 =	vor.u32 $0x23, v23;
	_ =	sdelay $0x3  }
0x14e: {  	[tilespmem:$0x1F410] =	vst v0  }
0x14f: {  	v1 =	vld.idx.msk [tilespmem:v54+s16+$0x0], $0xffff;
	_ =	sdelay $0x4  }
0x150: {  	v40 =	vld.idx.msk [tilespmem:v54+s15+$0x0], $0xffff;
	[tilespmem:$0x1F420] =	vst v1  }
0x151: {  	v1 =	vld.idx.msk [tilespmem:v54+s17+$0x0], $0xffff  }
0x152: {  	v59 =	vor.u32 $0x26, v23;
	_ =	sdelay $0x3  }
0x153: {  	[tilespmem:$0x1F430] =	vst v1  }
0x154: {  	v2 =	vld.idx.msk [tilespmem:v59+s16+$0x0], $0xffff;
	_ =	sdelay $0x4  }
0x155: {  	v54 =	vld.idx.msk [tilespmem:v59+s15+$0x0], $0xffff;
	[tilespmem:$0x1F440] =	vst v2  }
0x156: {  	v2 =	vld.idx.msk [tilespmem:v59+s17+$0x0], $0xffff  }
0x157: {  	v0 =	vor.u32 $0x27, v23;
	_ =	sdelay $0x3  }
0x158: {  	[tilespmem:$0x1F450] =	vst v2  }
0x159: {  	v3 =	vld.idx.msk [tilespmem:v0+s16+$0x0], $0xffff;
	_ =	sdelay $0x4  }
0x15a: {  	v59 =	vld.idx.msk [tilespmem:v0+s15+$0x0], $0xffff;
	[tilespmem:$0x1F480] =	vst v3  }
0x15b: {  	v0 =	vld.idx.msk [tilespmem:v0+s17+$0x0], $0xffff  }
0x15c: {  	v1 =	vor.u32 $0x2A, v23;
	_ =	sdelay $0x3  }
0x15d: {  	[tilespmem:$0x1F4A0] =	vst v0  }
0x15e: {  	v0 =	vld.idx.msk [tilespmem:v1+s15+$0x0], $0xffff;
	_ =	sdelay $0x4  }
0x15f: {  	[tilespmem:$0x1F500] =	vst v0  }
0x160: {  	v3 =	vld.idx.msk [tilespmem:v1+s16+$0x0], $0xffff;
	_ =	sdelay $0x4  }
0x161: {  	[tilespmem:$0x1F510] =	vst v3  }
0x162: {  	v1 =	vld.idx.msk [tilespmem:v1+s17+$0x0], $0xffff  }
0x163: {  	v2 =	vor.u32 $0x2B, v23;
	_ =	sdelay $0x3  }
0x164: {  	[tilespmem:$0x1F520] =	vst v1  }
0x165: {  	v1 =	vld.idx.msk [tilespmem:v2+s15+$0x0], $0xffff;
	_ =	sdelay $0x4  }
0x166: {  	[tilespmem:$0x1F530] =	vst v1  }
0x167: {  	v3 =	vld.idx.msk [tilespmem:v2+s16+$0x0], $0xffff;
	_ =	sdelay $0x4  }
0x168: {  	[tilespmem:$0x1F540] =	vst v3  }
0x169: {  	v2 =	vld.idx.msk [tilespmem:v2+s17+$0x0], $0xffff  }
0x16a: {  	v0 =	vor.u32 $0x2E, v23;
	_ =	sdelay $0x3  }
0x16b: {  	[tilespmem:$0x1F550] =	vst v2  }
0x16c: {  	v2 =	vld.idx.msk [tilespmem:v0+s15+$0x0], $0xffff;
	_ =	sdelay $0x4  }
0x16d: {  	[tilespmem:$0x1F5A0] =	vst v2  }
0x16e: {  	v3 =	vld.idx.msk [tilespmem:v0+s16+$0x0], $0xffff;
	_ =	sdelay $0x4  }
0x16f: {  	[tilespmem:$0x1F5B0] =	vst v3  }
0x170: {  	v0 =	vld.idx.msk [tilespmem:v0+s17+$0x0], $0xffff  }
0x171: {  	v1 =	vor.u32 $0x2F, v23;
	_ =	sdelay $0x3  }
0x172: {  	[tilespmem:$0x1F5C0] =	vst v0  }
0x173: {  	v0 =	vld.idx.msk [tilespmem:v1+s15+$0x0], $0xffff;
	_ =	sdelay $0x4  }
0x174: {  	[tilespmem:$0x1F5E0] =	vst v0  }
0x175: {  	v3 =	vld.idx.msk [tilespmem:v1+s16+$0x0], $0xffff;
	_ =	sdelay $0x4  }
0x176: {  	[tilespmem:$0x1F5F0] =	vst v3  }
0x177: {  	v1 =	vld.idx.msk [tilespmem:v1+s17+$0x0], $0xffff  }
0x178: {  	v2 =	vor.u32 $0x32, v23;
	_ =	sdelay $0x3  }
0x179: {  	[tilespmem:$0x1F600] =	vst v1  }
0x17a: {  	v1 =	vld.idx.msk [tilespmem:v2+s15+$0x0], $0xffff;
	_ =	sdelay $0x4  }
0x17b: {  	[tilespmem:$0x1F610] =	vst v1  }
0x17c: {  	v3 =	vld.idx.msk [tilespmem:v2+s16+$0x0], $0xffff;
	_ =	sdelay $0x4  }
0x17d: {  	[tilespmem:$0x1F620] =	vst v3  }
0x17e: {  	v2 =	vld.idx.msk [tilespmem:v2+s17+$0x0], $0xffff  }
0x17f: {  	v0 =	vor.u32 $0x33, v23;
	_ =	sdelay $0x3  }
0x180: {  	[tilespmem:$0x1F630] =	vst v2  }
0x181: {  	v2 =	vld.idx.msk [tilespmem:v0+s15+$0x0], $0xffff;
	_ =	sdelay $0x4  }
0x182: {  	[tilespmem:$0x1F680] =	vst v2  }
0x183: {  	v3 =	vld.idx.msk [tilespmem:v0+s16+$0x0], $0xffff;
	_ =	sdelay $0x4  }
0x184: {  	[tilespmem:$0x1F690] =	vst v3  }
0x185: {  	v0 =	vld.idx.msk [tilespmem:v0+s17+$0x0], $0xffff  }
0x186: {  	v1 =	vor.u32 $0x36, v23;
	_ =	sdelay $0x3  }
0x187: {  	[tilespmem:$0x1F6A0] =	vst v0  }
0x188: {  	v0 =	vld.idx.msk [tilespmem:v1+s15+$0x0], $0xffff;
	_ =	sdelay $0x4  }
0x189: {  	[tilespmem:$0x1F6E0] =	vst v0  }
0x18a: {  	v3 =	vld.idx.msk [tilespmem:v1+s16+$0x0], $0xffff;
	_ =	sdelay $0x4  }
0x18b: {  	[tilespmem:$0x1F6F0] =	vst v3  }
0x18c: {  	v1 =	vld.idx.msk [tilespmem:v1+s17+$0x0], $0xffff  }
0x18d: {  	v2 =	vor.u32 $0x37, v23;
	_ =	sdelay $0x3  }
0x18e: {  	[tilespmem:$0x1F700] =	vst v1  }
0x18f: {  	v1 =	vld.idx.msk [tilespmem:v2+s15+$0x0], $0xffff;
	_ =	sdelay $0x4  }
0x190: {  	[tilespmem:$0x1F730] =	vst v1  }
0x191: {  	v1 =	vld.idx.msk [tilespmem:v2+s16+$0x0], $0xffff;
	_ =	sdelay $0x4  }
0x192: {  	[tilespmem:$0x1F740] =	vst v1  }
0x193: {  	v1 =	vld.idx.msk [tilespmem:v2+s17+$0x0], $0xffff  }
0x194: {  	v0 =	vor.u32 $0x3A, v23;
	_ =	sdelay $0x3  }
0x195: {  	[tilespmem:$0x1F750] =	vst v1  }
0x196: {  	v1 =	vld.idx.msk [tilespmem:v0+s15+$0x0], $0xffff;
	_ =	sdelay $0x4  }
0x197: {  	[tilespmem:$0x1F790] =	vst v1  }
0x198: {  	v1 =	vld.idx.msk [tilespmem:v0+s16+$0x0], $0xffff;
	_ =	sdelay $0x4  }
0x199: {  	[tilespmem:$0x1F7A0] =	vst v1  }
0x19a: {  	v0 =	vld.idx.msk [tilespmem:v0+s17+$0x0], $0xffff  }
0x19b: {  	v1 =	vor.u32 $0x3B, v23;
	_ =	sdelay $0x3  }
0x19c: {  	[tilespmem:$0x1F7B0] =	vst v0  }
0x19d: {  	v2 =	vld.idx.msk [tilespmem:v1+s15+$0x0], $0xffff;
	_ =	sdelay $0x2  }
0x19e: {  	v3 =	vld.idx.msk [tilespmem:v23+s15+$0x0], $0xffff  }
0x19f: {  	v5 =	vld.idx.msk [tilespmem:v23+s16+$0x0], $0xffff  }
0x1a0: {  	v4 =	vld.idx.msk [tilespmem:v23+s17+$0x0], $0xffff;
	[tilespmem:$0x1F7E0] =	vst v2  }
0x1a1: {  	v2 =	vld.idx.msk [tilespmem:v1+s16+$0x0], $0xffff;
	_ =	sdelay $0x4  }
0x1a2: {  	[tilespmem:$0x1F7F0] =	vst v2  }
0x1a3: {  	v1 =	vld.idx.msk [tilespmem:v1+s17+$0x0], $0xffff  }
0x1a4: {  	v0 =	vor.u32 $0x3E, v23;
	_ =	sdelay $0x1  }
0x1a5: {  	s26 =	simm.s32 $0x10  }
0x1a6: {  	v2 =	vmov s26  }
0x1a7: {  	[tilespmem:$0x1F800] =	vst v1;
	v1 =	vshll.u32 v2, $0x6  }
0x1a8: {  	v57 =	vor.u32 v6, v1;
	v1 =	vld.idx.msk [tilespmem:v0+s15+$0x0], $0xffff;
	_ =	sdelay $0x4  }
0x1a9: {  	[tilespmem:$0x1F810] =	vst v1  }
0x1aa: {  	v1 =	vld.idx.msk [tilespmem:v0+s16+$0x0], $0xffff;
	_ =	sdelay $0x4  }
0x1ab: {  	[tilespmem:$0x1F820] =	vst v1  }
0x1ac: {  	v0 =	vld.idx.msk [tilespmem:v0+s17+$0x0], $0xffff  }
0x1ad: {  	v23 =	vor.u32 $0x3F, v23;
	_ =	sdelay $0x3  }
0x1ae: {  	[tilespmem:$0x1F830] =	vst v0  }
0x1af: {  	v0 =	vld.idx.msk [tilespmem:v23+s15+$0x0], $0xffff;
	_ =	sdelay $0x4  }
0x1b0: {  	[tilespmem:$0x1F840] =	vst v0  }
0x1b1: {  	v0 =	vld.idx.msk [tilespmem:v23+s16+$0x0], $0xffff;
	_ =	sdelay $0x4  }
0x1b2: {  	[tilespmem:$0x1F850] =	vst v0  }
0x1b3: {  	v2 =	vld.idx.msk [tilespmem:v23+s17+$0x0], $0xffff  }
0x1b4: {  	v1 =	vor.u32 $0x3C, v57;
	_ =	sdelay $0x3  }
0x1b5: {  	[tilespmem:$0x1F860] =	vst v2  }
0x1b6: {  	v2 =	vld.idx.msk [tilespmem:v1+s15+$0x0], $0xffff;
	_ =	sdelay $0x4  }
0x1b7: {  	[tilespmem:$0x1F870] =	vst v2  }
0x1b8: {  	v2 =	vld.idx.msk [tilespmem:v1+s16+$0x0], $0xffff;
	_ =	sdelay $0x4  }
0x1b9: {  	[tilespmem:$0x1F880] =	vst v2;
	v2 =	vld [tilespmem:$0x1EF00];
	_ =	sdelay $0x4  }
0x1ba: {  	v2 =	vmul.f32 v2, v47;
	_ =	sdelay $0x1  }
0x1bb: {  	[tilespmem:$0x1FA30] =	vst v2;
	v2 =	vld [tilespmem:$0x1EF10];
	_ =	sdelay $0x4  }
0x1bc: {  	v2 =	vmul.f32 v2, v47;
	_ =	sdelay $0x1  }
0x1bd: {  	[tilespmem:$0x1FAE0] =	vst v2  }
0x1be: {  	v1 =	vld.idx.msk [tilespmem:v1+s17+$0x0], $0xffff;
	_ =	sdelay $0x4  }
0x1bf: {  	[tilespmem:$0x1F890] =	vst v1;
	v1 =	vld [tilespmem:$0x1EF20];
	_ =	sdelay $0x4  }
0x1c0: {  	v1 =	vmul.f32 v1, v46;
	_ =	sdelay $0x1  }
0x1c1: {  	[tilespmem:$0x1FB40] =	vst v1;
	v1 =	vld [tilespmem:$0x1EF30];
	_ =	sdelay $0x2  }
0x1c2: {  	v0 =	vor.u32 $0x3D, v57;
	_ =	sdelay $0x1  }
0x1c3: {  	v1 =	vmul.f32 v1, v46;
	_ =	sdelay $0x1  }
0x1c4: {  	[tilespmem:$0x1FBF0] =	vst v1  }
0x1c5: {  	v1 =	vld.idx.msk [tilespmem:v0+s15+$0x0], $0xffff;
	_ =	sdelay $0x4  }
0x1c6: {  	[tilespmem:$0x1F8B0] =	vst v1;
	v1 =	vld [tilespmem:$0x1EF40];
	_ =	sdelay $0x4  }
0x1c7: {  	v1 =	vmul.f32 v1, v44;
	_ =	sdelay $0x1  }
0x1c8: {  	[tilespmem:$0x1F7C0] =	vst v1;
	v1 =	vld [tilespmem:$0x1EF50];
	_ =	sdelay $0x4  }
0x1c9: {  	v1 =	vmul.f32 v1, v44;
	_ =	sdelay $0x1  }
0x1ca: {  	[tilespmem:$0x1F7D0] =	vst v1  }
0x1cb: {  	v1 =	vld.idx.msk [tilespmem:v0+s16+$0x0], $0xffff  }
0x1cc: {  	v2 =	vld [tilespmem:$0x1EF60];
	_ =	sdelay $0x4  }
0x1cd: {  	v2 =	vmul.f32 v2, v43;
	_ =	sdelay $0x1  }
0x1ce: {  	[tilespmem:$0x1F710] =	vst v2;
	v2 =	vld [tilespmem:$0x1EF70];
	_ =	sdelay $0x4  }
0x1cf: {  	v2 =	vmul.f32 v2, v43  }
0x1d0: {  	[tilespmem:$0x1F8C0] =	vst v1  }
0x1d1: {  	[tilespmem:$0x1F720] =	vst v2  }
0x1d2: {  	v0 =	vld.idx.msk [tilespmem:v0+s17+$0x0], $0xffff;
	_ =	sdelay $0x4  }
0x1d3: {  	[tilespmem:$0x1F8E0] =	vst v0;
	v0 =	vld [tilespmem:$0x1EF80];
	_ =	sdelay $0x4  }
0x1d4: {  	v0 =	vmul.f32 v0, v56;
	_ =	sdelay $0x1  }
0x1d5: {  	[tilespmem:$0x1F640] =	vst v0;
	v0 =	vld [tilespmem:$0x1EF90];
	_ =	sdelay $0x2  }
0x1d6: {  	v7 =	vmul.f32 v4, v3;
	v4 =	vor.u32 $0x38, v57;
	_ =	sdelay $0x1  }
0x1d7: {  	v0 =	vmul.f32 v0, v56;
	_ =	sdelay $0x1  }
0x1d8: {  	[tilespmem:$0x1F650] =	vst v0  }
0x1d9: {  	v0 =	vld.idx.msk [tilespmem:v4+s15+$0x0], $0xffff;
	_ =	sdelay $0x4  }
0x1da: {  	[tilespmem:$0x1F900] =	vst v0;
	v0 =	vld [tilespmem:$0x1EFA0];
	_ =	sdelay $0x4  }
0x1db: {  	v0 =	vmul.f32 v0, v58;
	_ =	sdelay $0x1  }
0x1dc: {  	[tilespmem:$0x1F660] =	vst v0;
	v0 =	vld [tilespmem:$0x1EFB0];
	_ =	sdelay $0x4  }
0x1dd: {  	v0 =	vmul.f32 v0, v58;
	_ =	sdelay $0x1  }
0x1de: {  	[tilespmem:$0x1F670] =	vst v0  }
0x1df: {  	v0 =	vld.idx.msk [tilespmem:v4+s16+$0x0], $0xffff;
	_ =	sdelay $0x4  }
0x1e0: {  	[tilespmem:$0x1F910] =	vst v0;
	v0 =	vld [tilespmem:$0x1EFC0];
	_ =	sdelay $0x4  }
0x1e1: {  	v0 =	vmul.f32 v0, v60;
	_ =	sdelay $0x1  }
0x1e2: {  	[tilespmem:$0x1F590] =	vst v0;
	v0 =	vld [tilespmem:$0x1EFD0];
	_ =	sdelay $0x4  }
0x1e3: {  	v0 =	vmul.f32 v0, v60;
	_ =	sdelay $0x1  }
0x1e4: {  	[tilespmem:$0x1F5D0] =	vst v0  }
0x1e5: {  	v0 =	vld.idx.msk [tilespmem:v4+s17+$0x0], $0xffff;
	_ =	sdelay $0x4  }
0x1e6: {  	[tilespmem:$0x1F930] =	vst v0;
	v0 =	vld [tilespmem:$0x1EFE0];
	_ =	sdelay $0x4  }
0x1e7: {  	v0 =	vmul.f32 v0, v42;
	_ =	sdelay $0x1  }
0x1e8: {  	[tilespmem:$0x1F4E0] =	vst v0;
	v0 =	vld [tilespmem:$0x1EFF0];
	_ =	sdelay $0x4  }
0x1e9: {  	v0 =	vmul.f32 v0, v42;
	_ =	sdelay $0x1  }
0x1ea: {  	[tilespmem:$0x1F4F0] =	vst v0;
	v0 =	vld [tilespmem:$0x1F000]  }
0x1eb: {  	v1 =	vor.u32 $0x39, v57;
	_ =	sdelay $0x3  }
0x1ec: {  	v0 =	vmul.f32 v0, v38  }
0x1ed: {  	v58 =	vld.idx.msk [tilespmem:v1+s15+$0x0], $0xffff  }
0x1ee: {  	[tilespmem:$0x1F460] =	vst v0;
	v0 =	vld [tilespmem:$0x1F010];
	_ =	sdelay $0x4  }
0x1ef: {  	v0 =	vmul.f32 v0, v38;
	_ =	sdelay $0x1  }
0x1f0: {  	[tilespmem:$0x1F470] =	vst v0  }
0x1f1: {  	v0 =	vld.idx.msk [tilespmem:v1+s16+$0x0], $0xffff;
	_ =	sdelay $0x4  }
0x1f2: {  	[tilespmem:$0x1F950] =	vst v0;
	v0 =	vld [tilespmem:$0x1F020];
	_ =	sdelay $0x4  }
0x1f3: {  	v56 =	vmul.f32 v0, v37;
	v0 =	vld [tilespmem:$0x1F030];
	_ =	sdelay $0x4  }
0x1f4: {  	v0 =	vmul.f32 v0, v37;
	_ =	sdelay $0x1  }
0x1f5: {  	[tilespmem:$0x1F490] =	vst v0  }
0x1f6: {  	v0 =	vld.idx.msk [tilespmem:v1+s17+$0x0], $0xffff;
	_ =	sdelay $0x4  }
0x1f7: {  	[tilespmem:$0x1F970] =	vst v0;
	v0 =	vld [tilespmem:$0x1F040];
	_ =	sdelay $0x4  }
0x1f8: {  	v6 =	vmul.f32 v5, v3;
	v5 =	vor.u32 $0x34, v57;
	v37 =	vmul.f32 v0, v27;
	v0 =	vld [tilespmem:$0x1F050];
	_ =	sdelay $0x4  }
0x1f9: {  	v43 =	vmul.f32 v0, v27;
	v0 =	vld.idx.msk [tilespmem:v5+s15+$0x0], $0xffff;
	_ =	sdelay $0x4  }
0x1fa: {  	[tilespmem:$0x1F990] =	vst v0;
	v0 =	vld [tilespmem:$0x1F060];
	_ =	sdelay $0x4  }
0x1fb: {  	v23 =	vmul.f32 v0, v26;
	v0 =	vld [tilespmem:$0x1F070];
	_ =	sdelay $0x4  }
0x1fc: {  	v46 =	vmul.f32 v0, v26;
	v0 =	vld.idx.msk [tilespmem:v5+s16+$0x0], $0xffff;
	_ =	sdelay $0x4  }
0x1fd: {  	[tilespmem:$0x1F9A0] =	vst v0;
	v0 =	vld [tilespmem:$0x1F080];
	_ =	sdelay $0x4  }
0x1fe: {  	v4 =	vmul.f32 v0, v20;
	v0 =	vld [tilespmem:$0x1F090];
	_ =	sdelay $0x4  }
0x1ff: {  	v38 =	vmul.f32 v0, v20;
	v0 =	vld.idx.msk [tilespmem:v5+s17+$0x0], $0xffff;
	_ =	sdelay $0x4  }
0x200: {  	[tilespmem:$0x1F9C0] =	vst v0;
	v0 =	vld [tilespmem:$0x1F0A0];
	_ =	sdelay $0x4  }
0x201: {  	v60 =	vor.u32 $0x35, v57;
	v5 =	vmul.f32 v0, v19;
	v0 =	vld [tilespmem:$0x1F0B0];
	_ =	sdelay $0x4  }
0x202: {  	v22 =	vmul.f32 v0, v19;
	v0 =	vld.idx.msk [tilespmem:v60+s15+$0x0], $0xffff;
	_ =	sdelay $0x4  }
0x203: {  	[tilespmem:$0x1F9E0] =	vst v0;
	v0 =	vld [tilespmem:$0x1F0C0];
	_ =	sdelay $0x4  }
0x204: {  	v20 =	vmul.f32 v0, v11;
	v0 =	vld [tilespmem:$0x1F0D0];
	_ =	sdelay $0x4  }
0x205: {  	v11 =	vmul.f32 v0, v11;
	v0 =	vld.idx.msk [tilespmem:v60+s16+$0x0], $0xffff;
	_ =	sdelay $0x4  }
0x206: {  	[tilespmem:$0x1F9F0] =	vst v0;
	v0 =	vld [tilespmem:$0x1F0E0];
	_ =	sdelay $0x4  }
0x207: {  	v44 =	vmul.f32 v0, v18;
	v0 =	vld [tilespmem:$0x1F0F0];
	_ =	sdelay $0x4  }
0x208: {  	v18 =	vmul.f32 v0, v18;
	v0 =	vld.idx.msk [tilespmem:v60+s17+$0x0], $0xffff;
	_ =	sdelay $0x4  }
0x209: {  	[tilespmem:$0x1FA10] =	vst v0;
	v0 =	vld [tilespmem:$0x1F100];
	_ =	sdelay $0x4  }
0x20a: {  	v26 =	vor.u32 $0x30, v57;
	v27 =	vmul.f32 v0, v16;
	v0 =	vld [tilespmem:$0x1F110];
	_ =	sdelay $0x4  }
0x20b: {  	v16 =	vmul.f32 v0, v16;
	v0 =	vld.idx.msk [tilespmem:v26+s15+$0x0], $0xffff;
	_ =	sdelay $0x4  }
0x20c: {  	[tilespmem:$0x1FA40] =	vst v0;
	v0 =	vld [tilespmem:$0x1F120];
	_ =	sdelay $0x4  }
0x20d: {  	v3 =	vmul.f32 v0, v14;
	v0 =	vld [tilespmem:$0x1F130]  }
0x20e: {  	v1 =	vld [tilespmem:$0x1F140];
	_ =	sdelay $0x3  }
0x20f: {  	v14 =	vmul.f32 v0, v14;
	v0 =	vld.idx.msk [tilespmem:v26+s16+$0x0], $0xffff  }
0x210: {  	v2 =	vmul.f32 v1, v24;
	v1 =	vld [tilespmem:$0x1F150];
	_ =	sdelay $0x3  }
0x211: {  	[tilespmem:$0x1FA50] =	vst v0  }
0x212: {  	v24 =	vmul.f32 v1, v24;
	v1 =	vld.idx.msk [tilespmem:v26+s17+$0x0], $0xffff;
	_ =	sdelay $0x3  }
0x213: {  	v26 =	vld [tilespmem:$0x1F170]  }
0x214: {  	v19 =	vor.u32 $0x31, v57;
	[tilespmem:$0x1FA70] =	vst v1;
	v1 =	vld [tilespmem:$0x1F160];
	_ =	sdelay $0x4  }
0x215: {  	v1 =	vmul.f32 v1, v28;
	v28 =	vmul.f32 v26, v28;
	v26 =	vld.idx.msk [tilespmem:v19+s15+$0x0], $0xffff;
	_ =	sdelay $0x4  }
0x216: {  	[tilespmem:$0x1FA90] =	vst v26  }
0x217: {  	v26 =	vld.idx.msk [tilespmem:v19+s16+$0x0], $0xffff;
	_ =	sdelay $0x4  }
0x218: {  	[tilespmem:$0x1FAA0] =	vst v26  }
0x219: {  	v19 =	vld.idx.msk [tilespmem:v19+s17+$0x0], $0xffff  }
0x21a: {  	v0 =	vor.u32 $0x2C, v57;
	v26 =	vld [tilespmem:$0x1F180];
	_ =	sdelay $0x3  }
0x21b: {  	[tilespmem:$0x1FAC0] =	vst v19  }
0x21c: {  	v60 =	vmul.f32 v26, v12;
	v26 =	vld.idx.msk [tilespmem:v0+s15+$0x0], $0xffff;
	_ =	sdelay $0x4  }
0x21d: {  	[tilespmem:$0x1FAF0] =	vst v26  }
0x21e: {  	v26 =	vld.idx.msk [tilespmem:v0+s16+$0x0], $0xffff;
	_ =	sdelay $0x4  }
0x21f: {  	[tilespmem:$0x1FB00] =	vst v26  }
0x220: {  	v0 =	vld.idx.msk [tilespmem:v0+s17+$0x0], $0xffff  }
0x221: {  	v63 =	vmul.f32 v63, v13;
	v13 =	vmul.f32 v62, v13;
	v62 =	vor.u32 $0x2D, v57;
	_ =	sdelay $0x3  }
0x222: {  	[tilespmem:$0x1FB20] =	vst v0  }
0x223: {  	v26 =	vld.idx.msk [tilespmem:v62+s15+$0x0], $0xffff;
	_ =	sdelay $0x3  }
0x224: {  	v7 =	vadd.f32 $0.0e+00, v7;
	v6 =	vadd.f32 $0.0e+00, v6  }
0x225: {  	[tilespmem:$0x1FB50] =	vst v26  }
0x226: {  	v1 =	vadd.f32 v1, v6;
	v6 =	vadd.f32 v28, v7;
	v7 =	vld.idx.msk [tilespmem:v62+s16+$0x0], $0xffff;
	_ =	sdelay $0x4  }
0x227: {  	[tilespmem:$0x1FB60] =	vst v7  }
0x228: {  	v12 =	vmul.f32 v61, v12;
	v26 =	vld.idx.msk [tilespmem:v62+s17+$0x0], $0xffff;
	_ =	sdelay $0x1  }
0x229: {  	v12 =	vadd.f32 $0.0e+00, v12;
	_ =	sdelay $0x1  }
0x22a: {  	v12 =	vadd.f32 v13, v12;
	v13 =	vld [tilespmem:$0x1F1A0]  }
0x22b: {  	v61 =	vor.u32 $0x28, v57;
	[tilespmem:$0x1FB80] =	vst v26;
	v26 =	vld [tilespmem:$0x1F1B0];
	_ =	sdelay $0x4  }
0x22c: {  	v13 =	vmul.f32 v13, v15;
	v15 =	vmul.f32 v26, v15;
	v26 =	vld.idx.msk [tilespmem:v61+s15+$0x0], $0xffff;
	_ =	sdelay $0x4  }
0x22d: {  	[tilespmem:$0x1FBA0] =	vst v26  }
0x22e: {  	v26 =	vld.idx.msk [tilespmem:v61+s16+$0x0], $0xffff;
	_ =	sdelay $0x1  }
0x22f: {  	v0 =	vld [tilespmem:$0x1F190];
	_ =	sdelay $0x2  }
0x230: {  	v19 =	vmul.f32 v55, v10;
	v10 =	vmul.f32 v53, v10;
	[tilespmem:$0x1FBB0] =	vst v26  }
0x231: {  	v26 =	vld.idx.msk [tilespmem:v61+s17+$0x0], $0xffff  }
0x232: {  	v10 =	vadd.f32 $0.0e+00, v10;
	v0 =	vmul.f32 v0, v9;
	v7 =	vor.u32 $0x29, v57  }
0x233: {  	v52 =	vmul.f32 v52, v8;
	v8 =	vmul.f32 v50, v8  }
0x234: {  	v0 =	vadd.f32 v0, v10;
	v10 =	vld [tilespmem:$0x1F1C0]  }
0x235: {  	v8 =	vadd.f32 $0.0e+00, v8  }
0x236: {  	[tilespmem:$0x1FBD0] =	vst v26  }
0x237: {  	v42 =	vmul.f32 v51, v9;
	v9 =	vadd.f32 $0.0e+00, v60;
	v8 =	vadd.f32 v15, v8;
	v15 =	vld.idx.msk [tilespmem:v7+s16+$0x0], $0xffff;
	_ =	sdelay $0x1  }
0x238: {  	v9 =	vadd.f32 v63, v9;
	v10 =	vmul.f32 v10, v45;
	_ =	sdelay $0x1  }
0x239: {  	v9 =	vadd.f32 v10, v9;
	v10 =	vld [tilespmem:$0x1F200]  }
0x23a: {  	v61 =	vld.idx.msk [tilespmem:v7+s15+$0x0], $0xffff;
	[tilespmem:$0x1FC00] =	vst v15  }
0x23b: {  	v7 =	vld.idx.msk [tilespmem:v7+s17+$0x0], $0xffff  }
0x23c: {  	v50 =	vor.u32 $0x24, v57  }
0x23d: {  	v28 =	vadd.f32 $0.0e+00, v52;
	_ =	sdelay $0x1  }
0x23e: {  	v13 =	vadd.f32 v13, v28;
	v10 =	vmul.f32 v10, v21;
	v26 =	vld [tilespmem:$0x1F1D0]  }
0x23f: {  	[tilespmem:$0x1FC20] =	vst v7  }
0x240: {  	v10 =	vadd.f32 v10, v13;
	v13 =	vld.idx.msk [tilespmem:v50+s17+$0x0], $0xffff  }
0x241: {  	v15 =	vor.u32 $0x25, v57  }
0x242: {  	v1 =	vadd.f32 v2, v1;
	v2 =	vld [tilespmem:$0x1F1E0]  }
0x243: {  	v45 =	vmul.f32 v26, v45;
	v26 =	vld [tilespmem:$0x1F1F0]  }
0x244: {  	v6 =	vadd.f32 v24, v6;
	v60 =	vld.idx.msk [tilespmem:v50+s15+$0x0], $0xffff  }
0x245: {  	v7 =	vadd.f32 v45, v12;
	v45 =	vld.idx.msk [tilespmem:v50+s16+$0x0], $0xffff;
	[tilespmem:$0x1FC50] =	vst v13  }
0x246: {  	v6 =	vadd.f32 v16, v6;
	v16 =	vld.idx.msk [tilespmem:v15+s16+$0x0], $0xffff;
	_ =	sdelay $0x2  }
0x247: {  	v19 =	vadd.f32 $0.0e+00, v19  }
0x248: {  	v2 =	vmul.f32 v2, v17;
	v3 =	vadd.f32 v3, v9;
	v9 =	vld [tilespmem:$0x1F240]  }
0x249: {  	v19 =	vadd.f32 v42, v19;
	v17 =	vmul.f32 v26, v17;
	v42 =	vld.idx.msk [tilespmem:v15+s15+$0x0], $0xffff;
	[tilespmem:$0x1FC70] =	vst v16  }
0x24a: {  	v15 =	vld.idx.msk [tilespmem:v15+s17+$0x0], $0xffff  }
0x24b: {  	v0 =	vadd.f32 v17, v0;
	v17 =	vor.u32 $0x20, v57;
	_ =	sdelay $0x2  }
0x24c: {  	v9 =	vmul.f32 v9, v25  }
0x24d: {  	[tilespmem:$0x1FC90] =	vst v15  }
0x24e: {  	v9 =	vadd.f32 v9, v10;
	v10 =	vld.idx.msk [tilespmem:v17+s16+$0x0], $0xffff;
	_ =	sdelay $0x2  }
0x24f: {  	v13 =	vld [tilespmem:$0x1F230]  }
0x250: {  	v55 =	vld.idx.msk [tilespmem:v17+s15+$0x0], $0xffff  }
0x251: {  	[tilespmem:$0x1FCB0] =	vst v10;
	v10 =	vld [tilespmem:$0x1F280];
	_ =	sdelay $0x2  }
0x252: {  	v13 =	vmul.f32 v13, v41;
	_ =	sdelay $0x1  }
0x253: {  	v0 =	vadd.f32 v13, v0;
	v13 =	vmul.f32 v10, v29;
	v10 =	vld.idx.msk [tilespmem:v17+s17+$0x0], $0xffff  }
0x254: {  	v12 =	vld [tilespmem:$0x1F210];
	_ =	sdelay $0x1  }
0x255: {  	v7 =	vadd.f32 v14, v7;
	v14 =	vld [tilespmem:$0x1F250];
	_ =	sdelay $0x1  }
0x256: {  	[tilespmem:$0x1FCD0] =	vst v10;
	v10 =	vld [tilespmem:$0x1F290]  }
0x257: {  	v12 =	vmul.f32 v12, v21;
	_ =	sdelay $0x1  }
0x258: {  	v8 =	vadd.f32 v12, v8;
	v14 =	vmul.f32 v14, v25;
	v15 =	vld [tilespmem:$0x1F270];
	_ =	sdelay $0x1  }
0x259: {  	v8 =	vadd.f32 v14, v8;
	v14 =	vmul.f32 v10, v29;
	v10 =	vld [tilespmem:$0x1F2A0];
	_ =	sdelay $0x2  }
0x25a: {  	v15 =	vmul.f32 v15, v49  }
0x25b: {  	v12 =	vld [tilespmem:$0x1F220]  }
0x25c: {  	v16 =	vor.u32 $0x21, v57;
	v7 =	vadd.f32 v15, v7;
	v15 =	vmul.f32 v10, v30;
	v10 =	vld [tilespmem:$0x1F2B0];
	_ =	sdelay $0x3  }
0x25d: {  	v2 =	vadd.f32 v2, v19;
	v12 =	vmul.f32 v12, v41  }
0x25e: {  	v6 =	vadd.f32 v18, v6;
	v18 =	vmul.f32 v10, v30;
	v10 =	vld.idx.msk [tilespmem:v16+s16+$0x0], $0xffff  }
0x25f: {  	v2 =	vadd.f32 v12, v2;
	_ =	sdelay $0x1  }
0x260: {  	v13 =	vadd.f32 v13, v2;
	v2 =	vld [tilespmem:$0x1F2C0]  }
0x261: {  	v17 =	vld.idx.msk [tilespmem:v16+s15+$0x0], $0xffff  }
0x262: {  	[tilespmem:$0x1FCF0] =	vst v10;
	v10 =	vld [tilespmem:$0x1F2D0];
	_ =	sdelay $0x4  }
0x263: {  	v0 =	vadd.f32 v14, v0;
	v14 =	vmul.f32 v10, v2;
	v10 =	vld.idx.msk [tilespmem:v16+s17+$0x0], $0xffff;
	_ =	sdelay $0x4  }
0x264: {  	[tilespmem:$0x1FD10] =	vst v10;
	v10 =	vld [tilespmem:$0x1F2E0];
	_ =	sdelay $0x4  }
0x265: {  	v12 =	vor.u32 $0x1C, v57;
	v16 =	vmul.f32 v10, v2;
	v2 =	vld [tilespmem:$0x1F2F0];
	_ =	sdelay $0x4  }
0x266: {  	v8 =	vadd.f32 v18, v8;
	v18 =	vmul.f32 v2, v48;
	v2 =	vld.idx.msk [tilespmem:v12+s16+$0x0], $0xffff;
	_ =	sdelay $0x3  }
0x267: {  	v50 =	vld.idx.msk [tilespmem:v12+s15+$0x0], $0xffff  }
0x268: {  	[tilespmem:$0x1FD30] =	vst v2;
	v2 =	vld [tilespmem:$0x1F300];
	_ =	sdelay $0x4  }
0x269: {  	v24 =	vmul.f32 v2, v48;
	v2 =	vld.idx.msk [tilespmem:v12+s17+$0x0], $0xffff;
	_ =	sdelay $0x3  }
0x26a: {  	v19 =	vld [tilespmem:$0x1F260]  }
0x26b: {  	v21 =	vor.u32 $0x1D, v57;
	[tilespmem:$0x1FD50] =	vst v2;
	v2 =	vld [tilespmem:$0x1F310];
	_ =	sdelay $0x4  }
0x26c: {  	v6 =	vadd.f32 v11, v6;
	v19 =	vmul.f32 v19, v49;
	v11 =	vmul.f32 v2, v32;
	v2 =	vld.idx.msk [tilespmem:v21+s16+$0x0], $0xffff;
	_ =	sdelay $0x1  }
0x26d: {  	v3 =	vadd.f32 v19, v3;
	_ =	sdelay $0x1  }
0x26e: {  	v14 =	vadd.f32 v14, v3;
	v3 =	vmul.f32 v31, v32;
	v31 =	vld.idx.msk [tilespmem:v21+s15+$0x0], $0xffff  }
0x26f: {  	v1 =	vadd.f32 v27, v1;
	[tilespmem:$0x1FD70] =	vst v2;
	v2 =	vld [tilespmem:$0x1F320];
	_ =	sdelay $0x1  }
0x270: {  	v1 =	vadd.f32 v44, v1;
	_ =	sdelay $0x1  }
0x271: {  	v1 =	vadd.f32 v20, v1  }
0x272: {  	v12 =	vadd.f32 v18, v13;
	v18 =	vmul.f32 v2, v33;
	v2 =	vld.idx.msk [tilespmem:v21+s17+$0x0], $0xffff  }
0x273: {  	v20 =	vor.u32 $0x18, v57;
	v4 =	vadd.f32 v4, v1;
	v1 =	vld [tilespmem:$0x1F340];
	_ =	sdelay $0x3  }
0x274: {  	[tilespmem:$0x1FD90] =	vst v2  }
0x275: {  	v5 =	vadd.f32 v5, v14;
	v14 =	vmul.f32 v1, v34;
	v1 =	vld.idx.msk [tilespmem:v20+s16+$0x0], $0xffff;
	_ =	sdelay $0x2  }
0x276: {  	v2 =	vld [tilespmem:$0x1F330]  }
0x277: {  	v25 =	vld.idx.msk [tilespmem:v20+s15+$0x0], $0xffff  }
0x278: {  	[tilespmem:$0x1FDB0] =	vst v1;
	v1 =	vld [tilespmem:$0x1F350];
	_ =	sdelay $0x2  }
0x279: {  	v7 =	vadd.f32 v16, v7  }
0x27a: {  	v21 =	vmul.f32 v2, v33;
	v2 =	vld [tilespmem:$0x1F370]  }
0x27b: {  	v7 =	vadd.f32 v22, v7;
	v22 =	vmul.f32 v1, v34;
	v1 =	vld [tilespmem:$0x1F360];
	_ =	sdelay $0x4  }
0x27c: {  	v27 =	vmul.f32 v2, v1;
	v2 =	vld.idx.msk [tilespmem:v20+s17+$0x0], $0xffff  }
0x27d: {  	v13 =	vor.u32 $0x19, v57;
	_ =	sdelay $0x2  }
0x27e: {  	v0 =	vadd.f32 v24, v0  }
0x27f: {  	[tilespmem:$0x1FDD0] =	vst v2  }
0x280: {  	v28 =	vadd.f32 v21, v0;
	v0 =	vld.idx.msk [tilespmem:v13+s16+$0x0], $0xffff;
	_ =	sdelay $0x3  }
0x281: {  	v18 =	vadd.f32 v18, v12;
	v12 =	vld.idx.msk [tilespmem:v13+s15+$0x0], $0xffff  }
0x282: {  	[tilespmem:$0x1FDF0] =	vst v0;
	v0 =	vld [tilespmem:$0x1F390];
	_ =	sdelay $0x4  }
0x283: {  	v4 =	vadd.f32 v23, v4;
	v23 =	vmul.f32 v0, v35;
	v0 =	vld.idx.msk [tilespmem:v13+s17+$0x0], $0xffff;
	_ =	sdelay $0x4  }
0x284: {  	[tilespmem:$0x1FE00] =	vst v0;
	v0 =	vld [tilespmem:$0x1F3A0];
	_ =	sdelay $0x2  }
0x285: {  	v2 =	vld [tilespmem:$0x1F380];
	_ =	sdelay $0x1  }
0x286: {  	v13 =	vmul.f32 v0, v35;
	v0 =	vld [tilespmem:$0x1F3B0];
	_ =	sdelay $0x2  }
0x287: {  	v20 =	vmul.f32 v2, v1;
	_ =	sdelay $0x1  }
0x288: {  	v24 =	vor.u32 $0x14, v57;
	v7 =	vadd.f32 v20, v7;
	v20 =	vmul.f32 v0, v36;
	v0 =	vld [tilespmem:$0x1F3C0];
	_ =	sdelay $0x4  }
0x289: {  	v5 =	vadd.f32 v27, v5;
	v27 =	vmul.f32 v0, v36;
	v0 =	vld.idx.msk [tilespmem:v24+s16+$0x0], $0xffff;
	_ =	sdelay $0x2  }
0x28a: {  	v1 =	vld [tilespmem:$0x1F3E0]  }
0x28b: {  	v21 =	vld.idx.msk [tilespmem:v24+s15+$0x0], $0xffff  }
0x28c: {  	[tilespmem:$0x1FE20] =	vst v0;
	v0 =	vld [tilespmem:$0x1F3D0];
	_ =	sdelay $0x4  }
0x28d: {  	v13 =	vadd.f32 v13, v28;
	v28 =	vmul.f32 v1, v0;
	v1 =	vld.idx.msk [tilespmem:v24+s17+$0x0], $0xffff;
	_ =	sdelay $0x4  }
0x28e: {  	[tilespmem:$0x1FE30] =	vst v1;
	v1 =	vld [tilespmem:$0x1F3F0];
	_ =	sdelay $0x4  }
0x28f: {  	v24 =	vmul.f32 v1, v0;
	v0 =	vld [tilespmem:$0x1F400]  }
0x290: {  	v8 =	vadd.f32 v11, v8;
	_ =	sdelay $0x1  }
0x291: {  	v8 =	vadd.f32 v22, v8;
	_ =	sdelay $0x1  }
0x292: {  	v22 =	vor.u32 $0x15, v57;
	v8 =	vadd.f32 v27, v8;
	v27 =	vmul.f32 v0, v39;
	v0 =	vld [tilespmem:$0x1F410];
	_ =	sdelay $0x4  }
0x293: {  	v39 =	vmul.f32 v0, v39;
	v0 =	vld.idx.msk [tilespmem:v22+s17+$0x0], $0xffff;
	_ =	sdelay $0x2  }
0x294: {  	v9 =	vadd.f32 v15, v9;
	v15 =	vld.idx.msk [tilespmem:v22+s15+$0x0], $0xffff  }
0x295: {  	v44 =	vld.idx.msk [tilespmem:v22+s16+$0x0], $0xffff  }
0x296: {  	[tilespmem:$0x1FE40] =	vst v0;
	v0 =	vld [tilespmem:$0x1F420]  }
0x297: {  	v6 =	vadd.f32 v38, v6;
	_ =	sdelay $0x1  }
0x298: {  	v6 =	vadd.f32 v46, v6;
	_ =	sdelay $0x1  }
0x299: {  	v41 =	vadd.f32 v43, v6;
	v6 =	vmul.f32 v0, v40;
	v0 =	vld [tilespmem:$0x1F430];
	_ =	sdelay $0x4  }
0x29a: {  	v30 =	vor.u32 $0x10, v57;
	v22 =	vadd.f32 v24, v7;
	v7 =	vmul.f32 v0, v40;
	v0 =	vld [tilespmem:$0x1F440];
	_ =	sdelay $0x2  }
0x29b: {  	v18 =	vadd.f32 v23, v18;
	_ =	sdelay $0x1  }
0x29c: {  	v18 =	vadd.f32 v27, v18;
	v27 =	vmul.f32 v0, v54;
	v0 =	vld.idx.msk [tilespmem:v30+s17+$0x0], $0xffff;
	_ =	sdelay $0x2  }
0x29d: {  	v26 =	vld.idx.msk [tilespmem:v30+s15+$0x0], $0xffff  }
0x29e: {  	v32 =	vld.idx.msk [tilespmem:v30+s16+$0x0], $0xffff  }
0x29f: {  	[tilespmem:$0x1FE50] =	vst v0;
	v0 =	vld [tilespmem:$0x1F450];
	_ =	sdelay $0x4  }
0x2a0: {  	v30 =	vmul.f32 v0, v54;
	v0 =	vld [tilespmem:$0x1F460];
	_ =	sdelay $0x2  }
0x2a1: {  	v4 =	vadd.f32 v37, v4;
	_ =	sdelay $0x1  }
0x2a2: {  	v63 =	vor.u32 $0x11, v57;
	v4 =	vadd.f32 v0, v4;
	v0 =	vld [tilespmem:$0x1F470];
	_ =	sdelay $0x4  }
0x2a3: {  	v34 =	vadd.f32 v0, v41;
	v0 =	vld.idx.msk [tilespmem:v63+s15+$0x0], $0xffff;
	_ =	sdelay $0x4  }
0x2a4: {  	[tilespmem:$0x1FF90] =	vst v0;
	v0 =	vld [tilespmem:$0x1F480];
	_ =	sdelay $0x4  }
0x2a5: {  	v43 =	vmul.f32 v0, v59;
	v0 =	vld.idx.msk [tilespmem:v63+s16+$0x0], $0xffff;
	_ =	sdelay $0x4  }
0x2a6: {  	[tilespmem:$0x1FFA0] =	vst v0;
	v0 =	vld [tilespmem:$0x1F490];
	_ =	sdelay $0x4  }
0x2a7: {  	v22 =	vadd.f32 v0, v22;
	v0 =	vld [tilespmem:$0x1F4A0];
	_ =	sdelay $0x3  }
0x2a8: {  	v1 =	vld [tilespmem:$0x1F4C0]  }
0x2a9: {  	v47 =	vmul.f32 v0, v59;
	v0 =	vld [tilespmem:$0x1F4B0];
	_ =	sdelay $0x4  }
0x2aa: {  	v48 =	vmul.f32 v1, v0;
	v1 =	vld.idx.msk [tilespmem:v63+s17+$0x0], $0xffff;
	_ =	sdelay $0x4  }
0x2ab: {  	v24 =	vor.u32 $0xC, v57;
	[tilespmem:$0x1FFB0] =	vst v1;
	v1 =	vld [tilespmem:$0x1F4D0];
	_ =	sdelay $0x4  }
0x2ac: {  	v49 =	vmul.f32 v1, v0;
	v0 =	vld.idx.msk [tilespmem:v24+s16+$0x0], $0xffff;
	_ =	sdelay $0x3  }
0x2ad: {  	v53 =	vld.idx.msk [tilespmem:v24+s15+$0x0], $0xffff  }
0x2ae: {  	[tilespmem:$0x1FE60] =	vst v0;
	v0 =	vld [tilespmem:$0x1F4E0];
	_ =	sdelay $0x4  }
0x2af: {  	v4 =	vadd.f32 v0, v4;
	v0 =	vld [tilespmem:$0x1F4F0];
	_ =	sdelay $0x3  }
0x2b0: {  	v1 =	vld [tilespmem:$0x1F510]  }
0x2b1: {  	v34 =	vadd.f32 v0, v34;
	v0 =	vld [tilespmem:$0x1F500];
	_ =	sdelay $0x2  }
0x2b2: {  	v13 =	vadd.f32 v39, v13;
	_ =	sdelay $0x1  }
0x2b3: {  	v13 =	vadd.f32 v30, v13;
	v30 =	vmul.f32 v1, v0;
	v1 =	vld.idx.msk [tilespmem:v24+s17+$0x0], $0xffff;
	_ =	sdelay $0x4  }
0x2b4: {  	v46 =	vor.u32 $0xD, v57;
	[tilespmem:$0x1FE70] =	vst v1;
	v1 =	vld [tilespmem:$0x1F520];
	_ =	sdelay $0x4  }
0x2b5: {  	v24 =	vmul.f32 v1, v0;
	v0 =	vld.idx.msk [tilespmem:v46+s15+$0x0], $0xffff;
	_ =	sdelay $0x3  }
0x2b6: {  	v1 =	vld [tilespmem:$0x1F540]  }
0x2b7: {  	[tilespmem:$0x1FF60] =	vst v0;
	v0 =	vld [tilespmem:$0x1F530];
	_ =	sdelay $0x2  }
0x2b8: {  	v5 =	vadd.f32 v28, v5;
	_ =	sdelay $0x1  }
0x2b9: {  	v5 =	vadd.f32 v56, v5;
	v56 =	vmul.f32 v1, v0;
	v1 =	vld [tilespmem:$0x1F550];
	_ =	sdelay $0x4  }
0x2ba: {  	v59 =	vmul.f32 v1, v0;
	v0 =	vld.idx.msk [tilespmem:v46+s16+$0x0], $0xffff;
	_ =	sdelay $0x3  }
0x2bb: {  	v1 =	vld [tilespmem:$0x1F570]  }
0x2bc: {  	[tilespmem:$0x1FF70] =	vst v0;
	v0 =	vld [tilespmem:$0x1F560];
	_ =	sdelay $0x4  }
0x2bd: {  	v13 =	vadd.f32 v24, v13;
	v24 =	vmul.f32 v1, v0;
	v1 =	vld.idx.msk [tilespmem:v46+s17+$0x0], $0xffff;
	_ =	sdelay $0x4  }
0x2be: {  	[tilespmem:$0x1FF80] =	vst v1;
	v1 =	vld [tilespmem:$0x1F580];
	_ =	sdelay $0x4  }
0x2bf: {  	v62 =	vmul.f32 v1, v0;
	v0 =	vld [tilespmem:$0x1F590];
	_ =	sdelay $0x3  }
0x2c0: {  	v1 =	vld [tilespmem:$0x1F5B0]  }
0x2c1: {  	v51 =	vor.u32 $0x8, v57;
	v63 =	vadd.f32 v0, v4;
	v0 =	vld [tilespmem:$0x1F5A0];
	_ =	sdelay $0x4  }
0x2c2: {  	v8 =	vadd.f32 v7, v8;
	v52 =	vmul.f32 v1, v0;
	v1 =	vld.idx.msk [tilespmem:v51+s16+$0x0], $0xffff;
	_ =	sdelay $0x1  }
0x2c3: {  	v8 =	vadd.f32 v47, v8;
	_ =	sdelay $0x1  }
0x2c4: {  	v8 =	vadd.f32 v59, v8;
	v59 =	vld.idx.msk [tilespmem:v51+s15+$0x0], $0xffff  }
0x2c5: {  	[tilespmem:$0x1FE80] =	vst v1;
	v1 =	vld [tilespmem:$0x1F5C0];
	_ =	sdelay $0x4  }
0x2c6: {  	v5 =	vadd.f32 v48, v5;
	v48 =	vmul.f32 v1, v0;
	v0 =	vld [tilespmem:$0x1F5D0];
	_ =	sdelay $0x4  }
0x2c7: {  	v34 =	vadd.f32 v0, v34;
	v0 =	vld.idx.msk [tilespmem:v51+s17+$0x0], $0xffff;
	_ =	sdelay $0x3  }
0x2c8: {  	v1 =	vld [tilespmem:$0x1F5F0]  }
0x2c9: {  	[tilespmem:$0x1FE90] =	vst v0;
	v0 =	vld [tilespmem:$0x1F5E0];
	_ =	sdelay $0x4  }
0x2ca: {  	v40 =	vor.u32 $0x9, v57;
	v33 =	vadd.f32 v49, v22;
	v49 =	vmul.f32 v1, v0;
	v1 =	vld [tilespmem:$0x1F600];
	_ =	sdelay $0x4  }
0x2cb: {  	v51 =	vmul.f32 v1, v0;
	v0 =	vld.idx.msk [tilespmem:v40+s16+$0x0], $0xffff;
	_ =	sdelay $0x2  }
0x2cc: {  	v23 =	vld.idx.msk [tilespmem:v40+s15+$0x0], $0xffff  }
0x2cd: {  	v1 =	vld [tilespmem:$0x1F620]  }
0x2ce: {  	v9 =	vadd.f32 v3, v9;
	[tilespmem:$0x1FF40] =	vst v0;
	v0 =	vld [tilespmem:$0x1F610]  }
0x2cf: {  	v18 =	vadd.f32 v27, v18  }
0x2d0: {  	v9 =	vadd.f32 v14, v9  }
0x2d1: {  	v18 =	vadd.f32 v30, v18  }
0x2d2: {  	v9 =	vadd.f32 v20, v9  }
0x2d3: {  	v18 =	vadd.f32 v52, v18;
	v52 =	vadd.f32 v51, v8;
	v8 =	vmul.f32 v1, v0;
	v1 =	vld [tilespmem:$0x1F630]  }
0x2d4: {  	v9 =	vadd.f32 v6, v9;
	_ =	sdelay $0x1  }
0x2d5: {  	v27 =	vadd.f32 v43, v9;
	_ =	sdelay $0x1  }
0x2d6: {  	v27 =	vadd.f32 v56, v27;
	v56 =	vmul.f32 v1, v0;
	v0 =	vld [tilespmem:$0x1F640];
	_ =	sdelay $0x4  }
0x2d7: {  	v37 =	vadd.f32 v0, v63;
	v0 =	vld [tilespmem:$0x1F650];
	_ =	sdelay $0x4  }
0x2d8: {  	v43 =	vadd.f32 v48, v13;
	v48 =	vadd.f32 v0, v34;
	v0 =	vld [tilespmem:$0x1F660];
	_ =	sdelay $0x2  }
0x2d9: {  	v24 =	vadd.f32 v24, v5;
	_ =	sdelay $0x1  }
0x2da: {  	v24 =	vadd.f32 v0, v24;
	v0 =	vld [tilespmem:$0x1F670];
	_ =	sdelay $0x2  }
0x2db: {  	v33 =	vadd.f32 v62, v33  }
0x2dc: {  	v1 =	vld [tilespmem:$0x1F690]  }
0x2dd: {  	v54 =	vor.u32 $0x4, v57;
	v33 =	vadd.f32 v0, v33;
	v0 =	vld [tilespmem:$0x1F680];
	_ =	sdelay $0x4  }
0x2de: {  	v62 =	vmul.f32 v1, v0;
	v1 =	vld.idx.msk [tilespmem:v54+s16+$0x0], $0xffff;
	_ =	sdelay $0x2  }
0x2df: {  	v39 =	vld.idx.msk [tilespmem:v40+s17+$0x0], $0xffff  }
0x2e0: {  	v40 =	vld.idx.msk [tilespmem:v54+s15+$0x0], $0xffff  }
0x2e1: {  	[tilespmem:$0x1FEA0] =	vst v1;
	v1 =	vld [tilespmem:$0x1F6A0];
	_ =	sdelay $0x1  }
0x2e2: {  	v2 =	vld.idx.msk [tilespmem:v54+s17+$0x0], $0xffff;
	_ =	sdelay $0x2  }
0x2e3: {  	v63 =	vmul.f32 v1, v0;
	v1 =	vld [tilespmem:$0x1F6B0]  }
0x2e4: {  	v0 =	vld [tilespmem:$0x1F6C0]  }
0x2e5: {  	[tilespmem:$0x1FEB0] =	vst v2;
	v2 =	vld [tilespmem:$0x1F6D0];
	_ =	sdelay $0x4  }
0x2e6: {  	v0 =	vmul.f32 v0, v1;
	v47 =	vmul.f32 v2, v1;
	v1 =	vld [tilespmem:$0x1F6E0]  }
0x2e7: {  	v46 =	vor.u32 $0x5, v57;
	v2 =	vld [tilespmem:$0x1F6F0];
	_ =	sdelay $0x4  }
0x2e8: {  	v35 =	vadd.f32 v63, v52;
	v52 =	vmul.f32 v2, v1;
	v2 =	vld.idx.msk [tilespmem:v46+s16+$0x0], $0xffff;
	_ =	sdelay $0x3  }
0x2e9: {  	v36 =	vadd.f32 v56, v43;
	v56 =	vld.idx.msk [tilespmem:v46+s15+$0x0], $0xffff  }
0x2ea: {  	[tilespmem:$0x1FEC0] =	vst v2;
	v2 =	vld [tilespmem:$0x1F700];
	_ =	sdelay $0x4  }
0x2eb: {  	v2 =	vmul.f32 v2, v1;
	v1 =	vld [tilespmem:$0x1F710];
	_ =	sdelay $0x4  }
0x2ec: {  	v37 =	vadd.f32 v1, v37;
	v1 =	vld [tilespmem:$0x1F720];
	_ =	sdelay $0x4  }
0x2ed: {  	v48 =	vadd.f32 v1, v48;
	v1 =	vld.idx.msk [tilespmem:v46+s17+$0x0], $0xffff;
	_ =	sdelay $0x3  }
0x2ee: {  	v4 =	vadd.f32 v0, v24;
	v0 =	vld [tilespmem:$0x1F730]  }
0x2ef: {  	[tilespmem:$0x1FED0] =	vst v1;
	v1 =	vld [tilespmem:$0x1F740];
	_ =	sdelay $0x2  }
0x2f0: {  	v27 =	vadd.f32 v49, v27;
	_ =	sdelay $0x1  }
0x2f1: {  	v27 =	vadd.f32 v62, v27;
	v62 =	vmul.f32 v1, v0;
	v1 =	vld [tilespmem:$0x1F750];
	_ =	sdelay $0x4  }
0x2f2: {  	v1 =	vmul.f32 v1, v0  }
0x2f3: {  	v9 =	vadd.f32 v2, v36;
	v2 =	vld [tilespmem:$0x1F7A0]  }
0x2f4: {  	v10 =	vadd.f32 v1, v35;
	v1 =	vld [tilespmem:$0x1F790];
	_ =	sdelay $0x4  }
0x2f5: {  	v24 =	vadd.f32 v47, v33;
	v47 =	vmul.f32 v2, v1;
	v2 =	vld [tilespmem:$0x1F7B0];
	_ =	sdelay $0x1  }
0x2f6: {  	v7 =	vld [tilespmem:$0x1F780]  }
0x2f7: {  	v5 =	vld [tilespmem:$0x1F760]  }
0x2f8: {  	v0 =	vld [tilespmem:$0x1F770]  }
0x2f9: {  	v54 =	vor.u32 $0x1, v57;
	v35 =	vmul.f32 v2, v1;
	v1 =	vld [tilespmem:$0x1F7C0]  }
0x2fa: {  	v2 =	vld [tilespmem:$0x1F7D0];
	_ =	sdelay $0x1  }
0x2fb: {  	v18 =	vadd.f32 v8, v18;
	v8 =	vld [tilespmem:$0x1F800]  }
0x2fc: {  	v3 =	vmul.f32 v0, v5;
	v5 =	vmul.f32 v7, v5;
	v7 =	vld [tilespmem:$0x1F7F0]  }
0x2fd: {  	v37 =	vadd.f32 v1, v37;
	v1 =	vld.idx.msk [tilespmem:v54+s16+$0x0], $0xffff  }
0x2fe: {  	v48 =	vadd.f32 v2, v48;
	v2 =	vld [tilespmem:$0x1F7E0]  }
0x2ff: {  	v63 =	vld.idx.msk [tilespmem:v57+s15+$0x0], $0xffff  }
0x300: {  	v6 =	vld.idx.msk [tilespmem:v57+s16+$0x0], $0xffff  }
0x301: {  	v46 =	vld.idx.msk [tilespmem:v57+s17+$0x0], $0xffff  }
0x302: {  	v20 =	vld.idx.msk [tilespmem:v54+s15+$0x0], $0xffff;
	[tilespmem:$0x1FEE0] =	vst v1  }
0x303: {  	v7 =	vmul.f32 v7, v2;
	v8 =	vmul.f32 v8, v2;
	v2 =	vld.idx.msk [tilespmem:v54+s17+$0x0], $0xffff;
	_ =	sdelay $0x2  }
0x304: {  	v11 =	vld [tilespmem:$0x1F830]  }
0x305: {  	v3 =	vadd.f32 v3, v4;
	v4 =	vld [tilespmem:$0x1F820]  }
0x306: {  	[tilespmem:$0x1FEF0] =	vst v2;
	v2 =	vld [tilespmem:$0x1F810];
	_ =	sdelay $0x3  }
0x307: {  	v13 =	vld [tilespmem:$0x1F860]  }
0x308: {  	v0 =	vor.u32 $0x2, v57;
	v4 =	vmul.f32 v4, v2;
	v49 =	vmul.f32 v11, v2;
	v2 =	vld [tilespmem:$0x1F840];
	_ =	sdelay $0x4  }
0x309: {  	v54 =	vmul.f32 v13, v2;
	v13 =	vld.idx.msk [tilespmem:v0+s16+$0x0], $0xffff;
	_ =	sdelay $0x3  }
0x30a: {  	v51 =	vmul.f32 v6, v63;
	v6 =	vld [tilespmem:$0x1F880]  }
0x30b: {  	v19 =	vld.idx.msk [tilespmem:v0+s15+$0x0], $0xffff;
	[tilespmem:$0x1FF10] =	vst v13  }
0x30c: {  	v41 =	vmul.f32 v46, v63;
	v63 =	vld.idx.msk [tilespmem:v0+s17+$0x0], $0xffff  }
0x30d: {  	v0 =	vld [tilespmem:$0x1F870];
	_ =	sdelay $0x4  }
0x30e: {  	v27 =	vadd.f32 v62, v27;
	v62 =	vmul.f32 v6, v0;
	v6 =	vld [tilespmem:$0x1F890];
	_ =	sdelay $0x4  }
0x30f: {  	v0 =	vmul.f32 v6, v0  }
0x310: {  	v6 =	vld [tilespmem:$0x1F8B0]  }
0x311: {  	[tilespmem:$0x1F8A0] =	vst v0;
	v0 =	vld [tilespmem:$0x1F8C0]  }
0x312: {  	v1 =	vor.u32 $0x3, v57;
	_ =	sdelay $0x2  }
0x313: {  	v43 =	vadd.f32 v52, v18  }
0x314: {  	v0 =	vmul.f32 v0, v6  }
0x315: {  	v33 =	vadd.f32 v47, v43;
	v43 =	vld.idx.msk [tilespmem:v1+s15+$0x0], $0xffff  }
0x316: {  	[tilespmem:$0x1F8D0] =	vst v0;
	v0 =	vld [tilespmem:$0x1F8E0];
	_ =	sdelay $0x4  }
0x317: {  	v0 =	vmul.f32 v0, v6  }
0x318: {  	v6 =	vld [tilespmem:$0x1F900]  }
0x319: {  	[tilespmem:$0x1F8F0] =	vst v0;
	v0 =	vld [tilespmem:$0x1F910];
	_ =	sdelay $0x4  }
0x31a: {  	v0 =	vmul.f32 v0, v6  }
0x31b: {  	v47 =	vld.idx.msk [tilespmem:v1+s16+$0x0], $0xffff  }
0x31c: {  	[tilespmem:$0x1F920] =	vst v0;
	v0 =	vld [tilespmem:$0x1F930];
	_ =	sdelay $0x4  }
0x31d: {  	v0 =	vmul.f32 v0, v6;
	_ =	sdelay $0x1  }
0x31e: {  	[tilespmem:$0x1F940] =	vst v0;
	v0 =	vld [tilespmem:$0x1F950];
	_ =	sdelay $0x4  }
0x31f: {  	v0 =	vmul.f32 v0, v58  }
0x320: {  	v46 =	vld.idx.msk [tilespmem:v1+s17+$0x0], $0xffff  }
0x321: {  	[tilespmem:$0x1F960] =	vst v0;
	v0 =	vld [tilespmem:$0x1F970];
	_ =	sdelay $0x2  }
0x322: {  	v11 =	vld [tilespmem:$0x1F850];
	_ =	sdelay $0x1  }
0x323: {  	v0 =	vmul.f32 v0, v58  }
0x324: {  	v6 =	vld [tilespmem:$0x1F990]  }
0x325: {  	[tilespmem:$0x1F980] =	vst v0;
	v0 =	vld [tilespmem:$0x1F9A0]  }
0x326: {  	v11 =	vmul.f32 v11, v2;
	v2 =	vor.u32 $0x6, v57;
	_ =	sdelay $0x3  }
0x327: {  	v0 =	vmul.f32 v0, v6  }
0x328: {  	v16 =	vld.idx.msk [tilespmem:v2+s15+$0x0], $0xffff  }
0x329: {  	[tilespmem:$0x1F9B0] =	vst v0;
	v0 =	vld [tilespmem:$0x1F9C0];
	_ =	sdelay $0x4  }
0x32a: {  	v0 =	vmul.f32 v0, v6  }
0x32b: {  	v6 =	vld [tilespmem:$0x1F9E0]  }
0x32c: {  	[tilespmem:$0x1F9D0] =	vst v0;
	v0 =	vld [tilespmem:$0x1F9F0];
	_ =	sdelay $0x4  }
0x32d: {  	v0 =	vmul.f32 v0, v6  }
0x32e: {  	v52 =	vld.idx.msk [tilespmem:v2+s16+$0x0], $0xffff  }
0x32f: {  	[tilespmem:$0x1FA00] =	vst v0;
	v0 =	vld [tilespmem:$0x1FA10];
	_ =	sdelay $0x4  }
0x330: {  	v0 =	vmul.f32 v0, v6;
	_ =	sdelay $0x1  }
0x331: {  	[tilespmem:$0x1FA20] =	vst v0;
	v0 =	vld [tilespmem:$0x1FA30];
	_ =	sdelay $0x2  }
0x332: {  	v6 =	vld [tilespmem:$0x1FA40]  }
0x333: {  	v38 =	vld.idx.msk [tilespmem:v2+s17+$0x0], $0xffff  }
0x334: {  	v2 =	vadd.f32 v0, v37;
	v0 =	vld [tilespmem:$0x1FA50];
	_ =	sdelay $0x4  }
0x335: {  	v0 =	vmul.f32 v0, v6;
	_ =	sdelay $0x1  }
0x336: {  	[tilespmem:$0x1FA60] =	vst v0;
	v0 =	vld [tilespmem:$0x1FA70];
	_ =	sdelay $0x4  }
0x337: {  	v0 =	vmul.f32 v0, v6  }
0x338: {  	v6 =	vld [tilespmem:$0x1FA90]  }
0x339: {  	[tilespmem:$0x1FA80] =	vst v0;
	v0 =	vld [tilespmem:$0x1FAA0]  }
0x33a: {  	v36 =	vor.u32 $0x7, v57;
	_ =	sdelay $0x3  }
0x33b: {  	v0 =	vmul.f32 v0, v6  }
0x33c: {  	v8 =	vadd.f32 v8, v10;
	v10 =	vld.idx.msk [tilespmem:v36+s15+$0x0], $0xffff  }
0x33d: {  	[tilespmem:$0x1FAB0] =	vst v0;
	v0 =	vld [tilespmem:$0x1FAC0];
	_ =	sdelay $0x4  }
0x33e: {  	v0 =	vmul.f32 v0, v6;
	_ =	sdelay $0x1  }
0x33f: {  	[tilespmem:$0x1FAD0] =	vst v0;
	v0 =	vld [tilespmem:$0x1FAE0];
	_ =	sdelay $0x3  }
0x340: {  	v1 =	vadd.f32 v7, v27;
	v7 =	vld [tilespmem:$0x1FAF0]  }
0x341: {  	v6 =	vadd.f32 v0, v48;
	v0 =	vld [tilespmem:$0x1FB00];
	_ =	sdelay $0x4  }
0x342: {  	v0 =	vmul.f32 v0, v7  }
0x343: {  	v28 =	vld.idx.msk [tilespmem:v36+s16+$0x0], $0xffff  }
0x344: {  	[tilespmem:$0x1FB10] =	vst v0;
	v0 =	vld [tilespmem:$0x1FB20];
	_ =	sdelay $0x4  }
0x345: {  	v0 =	vmul.f32 v0, v7;
	_ =	sdelay $0x1  }
0x346: {  	[tilespmem:$0x1FB30] =	vst v0;
	v0 =	vld [tilespmem:$0x1FB40];
	_ =	sdelay $0x3  }
0x347: {  	v7 =	vld [tilespmem:$0x1FB50]  }
0x348: {  	v3 =	vadd.f32 v0, v3;
	v0 =	vld [tilespmem:$0x1FB60];
	_ =	sdelay $0x4  }
0x349: {  	v0 =	vmul.f32 v0, v7  }
0x34a: {  	v5 =	vadd.f32 v5, v24;
	v24 =	vld.idx.msk [tilespmem:v36+s17+$0x0], $0xffff  }
0x34b: {  	[tilespmem:$0x1FB70] =	vst v0;
	v0 =	vld [tilespmem:$0x1FB80];
	_ =	sdelay $0x4  }
0x34c: {  	v0 =	vmul.f32 v0, v7  }
0x34d: {  	v7 =	vld [tilespmem:$0x1FBA0]  }
0x34e: {  	[tilespmem:$0x1FB90] =	vst v0;
	v0 =	vld [tilespmem:$0x1FBB0]  }
0x34f: {  	v27 =	vor.u32 $0xA, v57;
	_ =	sdelay $0x3  }
0x350: {  	v0 =	vmul.f32 v0, v7  }
0x351: {  	v18 =	vld.idx.msk [tilespmem:v27+s15+$0x0], $0xffff  }
0x352: {  	[tilespmem:$0x1FBC0] =	vst v0;
	v0 =	vld [tilespmem:$0x1FBD0];
	_ =	sdelay $0x4  }
0x353: {  	v0 =	vmul.f32 v0, v7;
	_ =	sdelay $0x1  }
0x354: {  	[tilespmem:$0x1FBE0] =	vst v0;
	v0 =	vld [tilespmem:$0x1FBF0];
	_ =	sdelay $0x4  }
0x355: {  	v0 =	vadd.f32 v0, v5;
	v5 =	vld [tilespmem:$0x1FC00];
	_ =	sdelay $0x4  }
0x356: {  	v5 =	vmul.f32 v5, v61  }
0x357: {  	v37 =	vld.idx.msk [tilespmem:v27+s16+$0x0], $0xffff  }
0x358: {  	[tilespmem:$0x1FC10] =	vst v5;
	v5 =	vld [tilespmem:$0x1FC20];
	_ =	sdelay $0x4  }
0x359: {  	v5 =	vmul.f32 v5, v61;
	_ =	sdelay $0x1  }
0x35a: {  	[tilespmem:$0x1FC30] =	vst v5;
	v5 =	vmul.f32 v45, v60  }
0x35b: {  	v58 =	vld.idx.msk [tilespmem:v27+s17+$0x0], $0xffff  }
0x35c: {  	[tilespmem:$0x1FC40] =	vst v5;
	v5 =	vld [tilespmem:$0x1FC50];
	_ =	sdelay $0x4  }
0x35d: {  	v5 =	vmul.f32 v5, v60;
	_ =	sdelay $0x1  }
0x35e: {  	[tilespmem:$0x1FC60] =	vst v5;
	v5 =	vld [tilespmem:$0x1FC70]  }
0x35f: {  	v9 =	vadd.f32 v35, v9;
	v35 =	vor.u32 $0xB, v57;
	_ =	sdelay $0x3  }
0x360: {  	v5 =	vmul.f32 v5, v42  }
0x361: {  	v60 =	vld.idx.msk [tilespmem:v35+s15+$0x0], $0xffff  }
0x362: {  	[tilespmem:$0x1FC80] =	vst v5;
	v5 =	vld [tilespmem:$0x1FC90];
	_ =	sdelay $0x4  }
0x363: {  	v5 =	vmul.f32 v5, v42;
	_ =	sdelay $0x1  }
0x364: {  	[tilespmem:$0x1FCA0] =	vst v5;
	v5 =	vld [tilespmem:$0x1FCB0];
	_ =	sdelay $0x4  }
0x365: {  	v5 =	vmul.f32 v5, v55  }
0x366: {  	v4 =	vadd.f32 v4, v33;
	v33 =	vld.idx.msk [tilespmem:v35+s16+$0x0], $0xffff  }
0x367: {  	[tilespmem:$0x1FCC0] =	vst v5;
	v5 =	vld [tilespmem:$0x1FCD0];
	_ =	sdelay $0x4  }
0x368: {  	v5 =	vmul.f32 v5, v55;
	_ =	sdelay $0x1  }
0x369: {  	[tilespmem:$0x1FCE0] =	vst v5;
	v5 =	vld [tilespmem:$0x1FCF0];
	_ =	sdelay $0x4  }
0x36a: {  	v5 =	vmul.f32 v5, v17  }
0x36b: {  	v29 =	vld.idx.msk [tilespmem:v35+s17+$0x0], $0xffff  }
0x36c: {  	[tilespmem:$0x1FD00] =	vst v5;
	v5 =	vld [tilespmem:$0x1FD10];
	_ =	sdelay $0x4  }
0x36d: {  	v5 =	vmul.f32 v5, v17;
	_ =	sdelay $0x1  }
0x36e: {  	[tilespmem:$0x1FD20] =	vst v5;
	v5 =	vld [tilespmem:$0x1FD30]  }
0x36f: {  	v48 =	vor.u32 $0xE, v57;
	_ =	sdelay $0x3  }
0x370: {  	v5 =	vmul.f32 v5, v50  }
0x371: {  	v14 =	vld.idx.msk [tilespmem:v48+s15+$0x0], $0xffff  }
0x372: {  	[tilespmem:$0x1FD40] =	vst v5;
	v5 =	vld [tilespmem:$0x1FD50];
	_ =	sdelay $0x4  }
0x373: {  	v5 =	vmul.f32 v5, v50;
	_ =	sdelay $0x1  }
0x374: {  	[tilespmem:$0x1FD60] =	vst v5;
	v5 =	vld [tilespmem:$0x1FD70];
	_ =	sdelay $0x4  }
0x375: {  	v5 =	vmul.f32 v5, v31  }
0x376: {  	v42 =	vld.idx.msk [tilespmem:v48+s16+$0x0], $0xffff  }
0x377: {  	[tilespmem:$0x1FD80] =	vst v5;
	v5 =	vld [tilespmem:$0x1FD90];
	_ =	sdelay $0x4  }
0x378: {  	v5 =	vmul.f32 v5, v31;
	_ =	sdelay $0x1  }
0x379: {  	[tilespmem:$0x1FDA0] =	vst v5;
	v5 =	vadd.f32 v3, v2;
	v2 =	vld [tilespmem:$0x1FDB0];
	_ =	sdelay $0x4  }
0x37a: {  	v2 =	vmul.f32 v2, v25  }
0x37b: {  	v8 =	vadd.f32 v54, v8;
	v54 =	vld.idx.msk [tilespmem:v48+s17+$0x0], $0xffff  }
0x37c: {  	[tilespmem:$0x1FDC0] =	vst v2;
	v2 =	vld [tilespmem:$0x1FDD0];
	_ =	sdelay $0x4  }
0x37d: {  	v2 =	vmul.f32 v2, v25;
	_ =	sdelay $0x1  }
0x37e: {  	[tilespmem:$0x1FDE0] =	vst v2;
	v2 =	vld [tilespmem:$0x1FDF0];
	_ =	sdelay $0x1  }
0x37f: {  	v1 =	vadd.f32 v11, v1;
	_ =	sdelay $0x1  }
0x380: {  	v4 =	vadd.f32 v1, v4;
	v1 =	vld [tilespmem:$0x1FE20]  }
0x381: {  	v55 =	vmul.f32 v2, v12;
	v2 =	vld [tilespmem:$0x1FE00]  }
0x382: {  	v45 =	vor.u32 $0xF, v57;
	_ =	sdelay $0x3  }
0x383: {  	v25 =	vmul.f32 v1, v21;
	v1 =	vld [tilespmem:$0x1FE30];
	v2 =	vmul.f32 v2, v12  }
0x384: {  	v13 =	vld.idx.msk [tilespmem:v45+s15+$0x0], $0xffff  }
0x385: {  	[tilespmem:$0x1FE10] =	vst v2;
	v2 =	vadd.f32 v0, v6;
	v0 =	vld [tilespmem:$0x1FE40];
	_ =	sdelay $0x4  }
0x386: {  	v21 =	vmul.f32 v1, v21;
	v1 =	vmul.f32 v0, v15;
	v0 =	vld [tilespmem:$0x1FE50]  }
0x387: {  	v11 =	vor.u32 $0x12, v57  }
0x388: {  	v6 =	vld [tilespmem:$0x1FE60]  }
0x389: {  	v4 =	vadd.f32 v4, v5;
	v5 =	vld [tilespmem:$0x1FEB0]  }
0x38a: {  	v34 =	vld.idx.msk [tilespmem:v45+s16+$0x0], $0xffff  }
0x38b: {  	v61 =	vld.idx.msk [tilespmem:v45+s17+$0x0], $0xffff;
	v0 =	vmul.f32 v0, v26  }
0x38c: {  	v3 =	vor.u32 $0x13, v57;
	v12 =	vmul.f32 v44, v15;
	v15 =	vld.idx.msk [tilespmem:v11+s15+$0x0], $0xffff  }
0x38d: {  	v9 =	vadd.f32 v49, v9;
	v22 =	vmul.f32 v6, v53;
	v6 =	vld [tilespmem:$0x1FE70];
	[tilespmem:$0x1FFC0] =	vst v0  }
0x38e: {  	v44 =	vld.idx.msk [tilespmem:v11+s16+$0x0], $0xffff  }
0x38f: {  	v8 =	vadd.f32 v8, v9;
	v30 =	vld.idx.msk [tilespmem:v11+s17+$0x0], $0xffff  }
0x390: {  	[tilespmem:$0x1FFD0] =	vst v4;
	v4 =	vld [tilespmem:$0x1FE80]  }
0x391: {  	v45 =	vmul.f32 v32, v26;
	v2 =	vadd.f32 v8, v2;
	v0 =	vor.u32 $0x16, v57;
	v26 =	vld.idx.msk [tilespmem:v3+s15+$0x0], $0xffff  }
0x392: {  	v32 =	vld.idx.msk [tilespmem:v3+s16+$0x0], $0xffff  }
0x393: {  	[tilespmem:$0x1FFE0] =	vst v2;
	v2 =	vld [tilespmem:$0x1FEC0];
	_ =	sdelay $0x2  }
0x394: {  	v11 =	vmul.f32 v5, v40;
	v5 =	vld.idx.msk [tilespmem:v0+s15+$0x0], $0xffff  }
0x395: {  	v9 =	vmul.f32 v4, v59;
	v4 =	vld [tilespmem:$0x1FE90]  }
0x396: {  	v53 =	vmul.f32 v6, v53;
	v6 =	vmul.f32 v2, v56;
	v2 =	vld [tilespmem:$0x1FED0]  }
0x397: {  	v27 =	vld.idx.msk [tilespmem:v3+s17+$0x0], $0xffff  }
0x398: {  	v3 =	vld [tilespmem:$0x1FEF0]  }
0x399: {  	[tilespmem:$0x1FF00] =	vst v5;
	v5 =	vld [tilespmem:$0x1FF10]  }
0x39a: {  	v59 =	vmul.f32 v4, v59;
	v4 =	vld [tilespmem:$0x1FEA0]  }
0x39b: {  	v8 =	vmul.f32 v2, v56;
	v2 =	vld [tilespmem:$0x1FEE0];
	_ =	sdelay $0x2  }
0x39c: {  	v35 =	vmul.f32 v5, v19;
	v5 =	vld.idx.msk [tilespmem:v0+s16+$0x0], $0xffff  }
0x39d: {  	v49 =	vor.u32 $0x1A, v57;
	v3 =	vmul.f32 v3, v20  }
0x39e: {  	v4 =	vmul.f32 v4, v40;
	v2 =	vmul.f32 v2, v20;
	v20 =	vadd.f32 $0.0e+00, v51  }
0x39f: {  	v56 =	vadd.f32 $0.0e+00, v3;
	v40 =	vor.u32 $0x17, v57  }
0x3a0: {  	v17 =	vld [tilespmem:$0x1FF70];
	v20 =	vadd.f32 v4, v20;
	v4 =	vadd.f32 $0.0e+00, v41  }
0x3a1: {  	v52 =	vmul.f32 v52, v16;
	v16 =	vmul.f32 v38, v16;
	v38 =	vadd.f32 v8, v56;
	v8 =	vld [tilespmem:$0x1FF60];
	[tilespmem:$0x1FF20] =	vst v5  }
0x3a2: {  	v7 =	vadd.f32 v11, v4;
	v4 =	vld.idx.msk [tilespmem:v49+s15+$0x0], $0xffff  }
0x3a3: {  	v0 =	vld.idx.msk [tilespmem:v0+s17+$0x0], $0xffff  }
0x3a4: {  	v3 =	vld.idx.msk [tilespmem:v40+s15+$0x0], $0xffff  }
0x3a5: {  	v19 =	vmul.f32 v63, v19;
	v50 =	vadd.f32 $0.0e+00, v2;
	v2 =	vld.idx.msk [tilespmem:v40+s16+$0x0], $0xffff  }
0x3a6: {  	v5 =	vmul.f32 v47, v43;
	v11 =	vld.idx.msk [tilespmem:v40+s17+$0x0], $0xffff  }
0x3a7: {  	v19 =	vadd.f32 $0.0e+00, v19;
	[tilespmem:$0x1FF30] =	vst v4;
	v4 =	vld [tilespmem:$0x1FF40]  }
0x3a8: {  	v28 =	vmul.f32 v28, v10;
	v36 =	vor.u32 $0x3E, v57;
	v5 =	vadd.f32 $0.0e+00, v5  }
0x3a9: {  	v10 =	vmul.f32 v24, v10;
	v35 =	vadd.f32 $0.0e+00, v35;
	v16 =	vadd.f32 v16, v19  }
0x3aa: {  	v5 =	vadd.f32 v28, v5;
	v28 =	vmul.f32 v29, v60;
	v29 =	vmul.f32 v17, v8;
	v17 =	vld [tilespmem:$0x1FF80]  }
0x3ab: {  	v19 =	vmul.f32 v37, v18;
	v18 =	vmul.f32 v58, v18;
	v6 =	vadd.f32 v6, v50  }
0x3ac: {  	v40 =	vadd.f32 v52, v35;
	v9 =	vadd.f32 v9, v20;
	v24 =	vmul.f32 v4, v23;
	v4 =	vld.idx.msk [tilespmem:v49+s16+$0x0], $0xffff  }
0x3ad: {  	v47 =	vor.u32 $0x3A, v57;
	v16 =	vadd.f32 v18, v16;
	v7 =	vadd.f32 v59, v7  }
0x3ae: {  	v18 =	vmul.f32 v42, v14;
	v19 =	vadd.f32 v19, v40;
	v9 =	vadd.f32 v22, v9  }
0x3af: {  	v63 =	vmul.f32 v17, v8;
	v17 =	vld [tilespmem:$0x1FF90];
	v6 =	vadd.f32 v24, v6;
	v24 =	vmul.f32 v33, v60  }
0x3b0: {  	v22 =	vmul.f32 v61, v13;
	v8 =	vadd.f32 v53, v7;
	v7 =	vmul.f32 v34, v13;
	v13 =	vld [tilespmem:$0x1FFA0]  }
0x3b1: {  	v5 =	vadd.f32 v24, v5;
	v24 =	vmul.f32 v54, v14;
	v14 =	vadd.f32 v18, v19;
	v19 =	vld [tilespmem:$0x1FFB0];
	[tilespmem:$0x1FF50] =	vst v4  }
0x3b2: {  	v48 =	vor.u32 $0x36, v57;
	v4 =	vld.idx.msk [tilespmem:v49+s17+$0x0], $0xffff  }
0x3b3: {  	v31 =	vld.idx.msk [tilespmem:v36+s15+$0x0], $0xffff  }
0x3b4: {  	v35 =	vld.idx.msk [tilespmem:v36+s16+$0x0], $0xffff  }
0x3b5: {  	v56 =	vmul.f32 v39, v23;
	v50 =	vor.u32 $0x2E, v57;
	v37 =	vld.idx.msk [tilespmem:v47+s15+$0x0], $0xffff  }
0x3b6: {  	v43 =	vmul.f32 v46, v43;
	v41 =	vld.idx.msk [tilespmem:v47+s16+$0x0], $0xffff  }
0x3b7: {  	v20 =	vadd.f32 v56, v38;
	v56 =	vor.u32 $0x2A, v57;
	v33 =	vld.idx.msk [tilespmem:v48+s15+$0x0], $0xffff  }
0x3b8: {  	v43 =	vadd.f32 $0.0e+00, v43;
	v7 =	vadd.f32 v7, v5;
	v5 =	vld [tilespmem:$0x1FFC0]  }
0x3b9: {  	v40 =	vld.idx.msk [tilespmem:v48+s16+$0x0], $0xffff  }
0x3ba: {  	v10 =	vadd.f32 v10, v43;
	v23 =	vor.u32 $0x26, v57;
	v46 =	vld.idx.msk [tilespmem:v50+s15+$0x0], $0xffff  }
0x3bb: {  	v38 =	vld.idx.msk [tilespmem:v50+s16+$0x0], $0xffff  }
0x3bc: {  	v59 =	vor.u32 $0x22, v57;
	v10 =	vadd.f32 v28, v10;
	v51 =	vld.idx.msk [tilespmem:v56+s15+$0x0], $0xffff  }
0x3bd: {  	v28 =	vadd.f32 v45, v9;
	v9 =	vadd.f32 v5, v8;
	v5 =	vld [tilespmem:$0x1FFD0]  }
0x3be: {  	v52 =	vld.idx.msk [tilespmem:v56+s16+$0x0], $0xffff  }
0x3bf: {  	v49 =	vor.u32 $0x32, v57;
	v53 =	vld.idx.msk [tilespmem:v23+s15+$0x0], $0xffff  }
0x3c0: {  	v45 =	vld.idx.msk [tilespmem:v23+s16+$0x0], $0xffff  }
0x3c1: {  	v18 =	vadd.f32 v24, v16;
	v16 =	vmul.f32 v13, v17;
	v13 =	vor.u32 $0x1E, v57;
	v54 =	vld.idx.msk [tilespmem:v59+s15+$0x0], $0xffff  }
0x3c2: {  	v30 =	vmul.f32 v30, v15;
	v39 =	vor.u32 $0x3B, v57;
	v58 =	vld.idx.msk [tilespmem:v59+s16+$0x0], $0xffff;
	[tilespmem:s21+$0x0] =	vst v5  }
0x3c3: {  	v34 =	vmul.f32 v32, v26;
	v24 =	vadd.f32 v22, v10;
	v22 =	vor.u32 $0x1B, v57;
	v5 =	vld [tilespmem:$0x1FFE0]  }
0x3c4: {  	v26 =	vmul.f32 v27, v26;
	v27 =	vor.u32 $0x27, v57;
	v32 =	vor.u32 $0x23, v57;
	v43 =	vld.idx.msk [tilespmem:v49+s15+$0x0], $0xffff  }
0x3c5: {  	v20 =	vadd.f32 v63, v20;
	v60 =	vor.u32 $0x37, v57;
	v6 =	vadd.f32 v29, v6;
	v42 =	vld.idx.msk [tilespmem:v49+s16+$0x0], $0xffff  }
0x3c6: {  	v29 =	vmul.f32 v44, v15;
	v44 =	vor.u32 $0x3F, v57;
	v19 =	vmul.f32 v19, v17;
	v61 =	vld.idx.msk [tilespmem:v13+s15+$0x0], $0xffff  }
0x3c7: {  	v10 =	vor.u32 $0x33, v57;
	v15 =	vadd.f32 v16, v6;
	v6 =	vor.u32 $0x1F, v57;
	v63 =	vld.idx.msk [tilespmem:v13+s16+$0x0], $0xffff  }
0x3c8: {  	s24 =	simm.s32 $0x18800;
	s25 =	simm.s32 $0x18600;
	s26 =	simm.s32 $0x20;
	v16 =	vadd.f32 v19, v20;
	v19 =	vor.u32 $0x2F, v57;
	v20 =	vor.u32 $0x2B, v57;
	[tilespmem:s22+$0x0] =	vst v5;
	v5 =	vld.idx.msk [tilespmem:v22+s15+$0x0], $0xffff  }
.LBB2_2:
0x3c9: {  	v15 =	vadd.f32 v12, v15;
	v12 =	vld [tilespmem:$0x1FF30]  }
0x3ca: {  	v1 =	vadd.f32 v1, v16;
	v16 =	vld [tilespmem:$0x1FF50]  }
0x3cb: {  	v8 =	vld [tilespmem:$0x1FF00]  }
0x3cc: {  	v17 =	vld [tilespmem:$0x1FF20];
	_ =	sdelay $0x2  }
0x3cd: {  	v16 =	vmul.f32 v16, v12;
	v4 =	vmul.f32 v4, v12;
	v12 =	vld [tilespmem:$0x1FDE0];
	_ =	sdelay $0x1  }
0x3ce: {  	v14 =	vadd.f32 v29, v14;
	v29 =	vmul.f32 v17, v8;
	v17 =	vld [tilespmem:$0x1FD80]  }
0x3cf: {  	v9 =	vadd.f32 v21, v9;
	_ =	sdelay $0x1  }
0x3d0: {  	v15 =	vadd.f32 v55, v15;
	v9 =	vadd.f32 v12, v9;
	v12 =	vld [tilespmem:$0x1FE10]  }
0x3d1: {  	v7 =	vadd.f32 v34, v7;
	v2 =	vmul.f32 v2, v3  }
0x3d2: {  	v15 =	vadd.f32 v17, v15;
	v17 =	vld [tilespmem:$0x1FDA0]  }
0x3d3: {  	v2 =	vadd.f32 v2, v7;
	v7 =	vld [tilespmem:$0x1FDC0];
	v14 =	vadd.f32 v29, v14  }
0x3d4: {  	v18 =	vadd.f32 v30, v18;
	v30 =	vld.idx.msk [tilespmem:v22+s16+$0x0], $0xffff  }
0x3d5: {  	v1 =	vadd.f32 v12, v1;
	v12 =	vadd.f32 v16, v14;
	v16 =	vld [tilespmem:$0x1FD40]  }
0x3d6: {  	v0 =	vmul.f32 v0, v8;
	v8 =	vld.idx.msk [tilespmem:v22+s17+$0x0], $0xffff;
	v22 =	vadd.f32 v25, v28  }
0x3d7: {  	v1 =	vadd.f32 v17, v1;
	v17 =	vld [tilespmem:$0x1FCC0]  }
0x3d8: {  	v7 =	vadd.f32 v7, v22;
	_ =	sdelay $0x1  }
0x3d9: {  	v7 =	vadd.f32 v16, v7;
	v16 =	vld [tilespmem:$0x1FD60];
	_ =	sdelay $0x1  }
0x3da: {  	v7 =	vadd.f32 v17, v7;
	v17 =	vld [tilespmem:$0x1FCE0];
	_ =	sdelay $0x2  }
0x3db: {  	v13 =	vld.idx.msk [tilespmem:v13+s17+$0x0], $0xffff;
	v9 =	vadd.f32 v16, v9  }
0x3dc: {  	v3 =	vmul.f32 v11, v3;
	v11 =	vld.idx.msk [tilespmem:v6+s15+$0x0], $0xffff  }
0x3dd: {  	v9 =	vadd.f32 v17, v9;
	v17 =	vld [tilespmem:$0x1FD00]  }
0x3de: {  	v0 =	vadd.f32 v0, v18;
	v18 =	vld.idx.msk [tilespmem:v6+s16+$0x0], $0xffff  }
0x3df: {  	v24 =	vadd.f32 v26, v24;
	v6 =	vld.idx.msk [tilespmem:v6+s17+$0x0], $0xffff;
	_ =	sdelay $0x1  }
0x3e0: {  	v3 =	vadd.f32 v3, v24;
	v21 =	vmul.f32 v30, v5;
	v5 =	vmul.f32 v8, v5;
	v22 =	vld.idx.msk [tilespmem:v59+s17+$0x0], $0xffff  }
0x3e1: {  	v15 =	vadd.f32 v17, v15;
	v17 =	vld [tilespmem:$0x1FD20]  }
0x3e2: {  	v0 =	vadd.f32 v4, v0;
	v8 =	vld.idx.msk [tilespmem:v32+s15+$0x0], $0xffff;
	v3 =	vadd.f32 v5, v3;
	v5 =	vmul.f32 v13, v61  }
0x3e3: {  	v4 =	vmul.f32 v63, v61;
	v13 =	vld.idx.msk [tilespmem:v32+s17+$0x0], $0xffff;
	v6 =	vmul.f32 v6, v11  }
0x3e4: {  	v0 =	vadd.f32 v5, v0;
	v14 =	vld.idx.msk [tilespmem:v32+s16+$0x0], $0xffff  }
0x3e5: {  	v3 =	vadd.f32 v6, v3;
	v6 =	vmul.f32 v22, v54;
	v4 =	vadd.f32 v4, v12;
	v12 =	vld.idx.msk [tilespmem:v27+s16+$0x0], $0xffff  }
0x3e6: {  	v1 =	vadd.f32 v17, v1;
	v17 =	vld [tilespmem:$0x1FC40]  }
0x3e7: {  	v0 =	vadd.f32 v6, v0;
	v6 =	vld.idx.msk [tilespmem:v20+s16+$0x0], $0xffff  }
0x3e8: {  	v2 =	vadd.f32 v21, v2;
	v16 =	vmul.f32 v18, v11;
	v18 =	vld.idx.msk [tilespmem:v23+s17+$0x0], $0xffff  }
0x3e9: {  	v11 =	vld.idx.msk [tilespmem:v27+s15+$0x0], $0xffff  }
0x3ea: {  	v2 =	vadd.f32 v16, v2;
	v16 =	vld.idx.msk [tilespmem:v27+s17+$0x0], $0xffff  }
0x3eb: {  	v14 =	vmul.f32 v14, v8;
	v7 =	vadd.f32 v17, v7;
	v17 =	vld [tilespmem:$0x1FC60]  }
0x3ec: {  	v8 =	vmul.f32 v13, v8;
	v13 =	vld.idx.msk [tilespmem:v20+s15+$0x0], $0xffff  }
0x3ed: {  	v2 =	vadd.f32 v14, v2;
	v14 =	vld.idx.msk [tilespmem:v20+s17+$0x0], $0xffff  }
0x3ee: {  	v3 =	vadd.f32 v8, v3;
	v8 =	vmul.f32 v18, v53;
	v18 =	vld [tilespmem:$0x1FC80]  }
0x3ef: {  	v12 =	vmul.f32 v12, v11;
	v11 =	vmul.f32 v16, v11;
	v16 =	vld.idx.msk [tilespmem:v19+s15+$0x0], $0xffff  }
0x3f0: {  	v9 =	vadd.f32 v17, v9;
	v17 =	vld.idx.msk [tilespmem:v50+s17+$0x0], $0xffff  }
0x3f1: {  	v0 =	vadd.f32 v8, v0;
	v8 =	vld.idx.msk [tilespmem:v19+s16+$0x0], $0xffff  }
0x3f2: {  	v2 =	vadd.f32 v12, v2;
	v12 =	vld.idx.msk [tilespmem:v19+s17+$0x0], $0xffff  }
0x3f3: {  	v6 =	vmul.f32 v6, v13;
	v19 =	vld [tilespmem:$0x1FC10]  }
0x3f4: {  	v15 =	vadd.f32 v18, v15;
	v18 =	vld [tilespmem:$0x1FCA0]  }
0x3f5: {  	v2 =	vadd.f32 v6, v2;
	v6 =	vmul.f32 v17, v46;
	v17 =	vld [tilespmem:$0x1FB70];
	_ =	sdelay $0x1  }
0x3f6: {  	v21 =	vld.idx.msk [tilespmem:v56+s17+$0x0], $0xffff  }
0x3f7: {  	v15 =	vadd.f32 v19, v15;
	v19 =	vld [tilespmem:$0x1FC30]  }
0x3f8: {  	v1 =	vadd.f32 v18, v1;
	v18 =	vld [tilespmem:$0x1FBC0]  }
0x3f9: {  	v3 =	vadd.f32 v11, v3;
	v13 =	vmul.f32 v14, v13;
	v15 =	vadd.f32 v17, v15;
	v17 =	vld [tilespmem:$0x1FB90];
	_ =	sdelay $0x1  }
0x3fa: {  	v3 =	vadd.f32 v13, v3;
	v13 =	vld [tilespmem:$0x1FB10]  }
0x3fb: {  	v14 =	vld.idx.msk [tilespmem:v10+s15+$0x0], $0xffff;
	v1 =	vadd.f32 v19, v1  }
0x3fc: {  	v11 =	vmul.f32 v21, v51;
	v7 =	vadd.f32 v18, v7;
	v18 =	vld [tilespmem:$0x1FBE0]  }
0x3fd: {  	v1 =	vadd.f32 v17, v1;
	v17 =	vld [tilespmem:$0x1FA60]  }
0x3fe: {  	v0 =	vadd.f32 v11, v0;
	v11 =	vld.idx.msk [tilespmem:v10+s16+$0x0], $0xffff  }
0x3ff: {  	v7 =	vadd.f32 v13, v7;
	v13 =	vld [tilespmem:$0x1FB30]  }
0x400: {  	v10 =	vld.idx.msk [tilespmem:v10+s17+$0x0], $0xffff  }
0x401: {  	v8 =	vmul.f32 v8, v16;
	v12 =	vmul.f32 v12, v16;
	v16 =	vld.idx.msk [tilespmem:v60+s15+$0x0], $0xffff  }
0x402: {  	v9 =	vadd.f32 v18, v9;
	v7 =	vadd.f32 v17, v7;
	v17 =	vld [tilespmem:$0x1FA80]  }
0x403: {  	v18 =	vld.idx.msk [tilespmem:v49+s17+$0x0], $0xffff  }
0x404: {  	v9 =	vadd.f32 v13, v9;
	v13 =	vld.idx.msk [tilespmem:v48+s17+$0x0], $0xffff  }
0x405: {  	v0 =	vadd.f32 v6, v0;
	v6 =	vld.idx.msk [tilespmem:v60+s16+$0x0], $0xffff;
	_ =	sdelay $0x1  }
0x406: {  	v2 =	vadd.f32 v8, v2;
	v11 =	vmul.f32 v11, v14;
	v9 =	vadd.f32 v17, v9;
	v17 =	vld.idx.msk [tilespmem:v47+s17+$0x0], $0xffff  }
0x407: {  	v3 =	vadd.f32 v12, v3;
	v10 =	vmul.f32 v10, v14  }
0x408: {  	v2 =	vadd.f32 v11, v2;
	v8 =	vmul.f32 v18, v43;
	v18 =	vld [tilespmem:$0x1FAB0]  }
0x409: {  	v3 =	vadd.f32 v10, v3;
	v10 =	vmul.f32 v13, v33;
	v13 =	vld [tilespmem:$0x1F9B0];
	v6 =	vmul.f32 v6, v16  }
0x40a: {  	v12 =	vld.idx.msk [tilespmem:v60+s17+$0x0], $0xffff  }
0x40b: {  	v2 =	vadd.f32 v6, v2;
	v6 =	vmul.f32 v17, v37;
	v17 =	vld [tilespmem:$0x1F920]  }
0x40c: {  	v5 =	vmul.f32 v58, v54;
	v14 =	vld.idx.msk [tilespmem:v39+s15+$0x0], $0xffff  }
0x40d: {  	v15 =	vadd.f32 v18, v15;
	v18 =	vld [tilespmem:$0x1FAD0]  }
0x40e: {  	v4 =	vadd.f32 v5, v4;
	v5 =	vmul.f32 v45, v53;
	v7 =	vadd.f32 v13, v7;
	v13 =	vld [tilespmem:$0x1F9D0]  }
0x40f: {  	v0 =	vadd.f32 v8, v0;
	v8 =	vld.idx.msk [tilespmem:v39+s16+$0x0], $0xffff  }
0x410: {  	v4 =	vadd.f32 v5, v4;
	v5 =	vmul.f32 v52, v51;
	v7 =	vadd.f32 v17, v7;
	v17 =	vld [tilespmem:$0x1F940]  }
0x411: {  	v11 =	vld.idx.msk [tilespmem:v39+s17+$0x0], $0xffff  }
0x412: {  	v4 =	vadd.f32 v5, v4;
	v12 =	vmul.f32 v12, v16;
	v16 =	vld.idx.msk [tilespmem:v44+s15+$0x0], $0xffff  }
0x413: {  	v5 =	vmul.f32 v38, v46;
	v1 =	vadd.f32 v18, v1;
	v18 =	vld [tilespmem:$0x1FA00];
	v9 =	vadd.f32 v13, v9  }
0x414: {  	v0 =	vadd.f32 v10, v0;
	v10 =	vld.idx.msk [tilespmem:v44+s16+$0x0], $0xffff;
	v8 =	vmul.f32 v8, v14  }
0x415: {  	v4 =	vadd.f32 v5, v4;
	v9 =	vadd.f32 v17, v9;
	v17 =	vld [tilespmem:$0x1F960]  }
0x416: {  	v5 =	vmul.f32 v42, v43;
	v2 =	vadd.f32 v8, v2;
	v8 =	vadd.f32 v62, v7;
	v7 =	vld [tilespmem:$0x1F8A0]  }
0x417: {  	v13 =	vld.idx.msk [tilespmem:v36+s17+$0x0], $0xffff  }
0x418: {  	v4 =	vadd.f32 v5, v4;
	v5 =	vmul.f32 v40, v33;
	v15 =	vadd.f32 v18, v15;
	v18 =	vld [tilespmem:$0x1FA20]  }
0x419: {  	v3 =	vadd.f32 v12, v3;
	v12 =	vld.idx.msk [tilespmem:v44+s17+$0x0], $0xffff  }
0x41a: {  	v4 =	vadd.f32 v5, v4;
	v11 =	vmul.f32 v11, v14;
	v15 =	vadd.f32 v17, v15;
	v17 =	vld [tilespmem:$0x1F980]  }
0x41b: {  	v5 =	vmul.f32 v41, v37;
	v9 =	vadd.f32 v7, v9;
	v7 =	vmul.f32 v10, v16;
	v10 =	vld [tilespmem:$0x1F8D0]  }
0x41c: {  	v3 =	vadd.f32 v11, v3;
	v11 =	vld [tilespmem:$0x1F8F0];
	v0 =	vadd.f32 v6, v0;
	v6 =	vmul.f32 v13, v31  }
0x41d: {  	v4 =	vadd.f32 v5, v4;
	v5 =	vmul.f32 v35, v31;
	v1 =	vadd.f32 v18, v1  }
0x41e: {  	v0 =	vadd.f32 v6, v0;
	v6 =	vld [tilespmem:$0x1FFF0]  }
0x41f: {  	v4 =	vadd.f32 v5, v4;
	v1 =	vadd.f32 v17, v1  }
0x420: {  	v2 =	vadd.f32 v7, v2;
	v10 =	vadd.f32 v10, v15  }
0x421: {  	v1 =	vadd.f32 v11, v1;
	v11 =	vmul.f32 v12, v16;
	v12 =	vmov s26  }
0x422: {  	v5 =	vshll.u32 v12, $0x6  }
0x423: {  	v2 =	vadd.f32 v2, v4;
	v7 =	vor.u32 v6, v5;
	v5 =	vadd.f32 v10, v8;
	_ =	sdelay $0x1  }
0x424: {  	v3 =	vadd.f32 v11, v3;
	v2 =	vadd.f32 v2, v5  }
0x425: {  	s25 =	sadd.s32 $0x10, s25  }
0x426: {  	v1 =	vadd.f32 v1, v9;
	v0 =	vadd.f32 v3, v0;
	[tilespmem:s25+$0x0] =	vst v2;
	v2 =	vor.u32 $0x3D, v7;
	_ =	sdelay $0x1  }
0x427: {  	v3 =	vor.u32 $0x3C, v7;
	v1 =	vadd.f32 v0, v1  }
0x428: {  	s24 =	sadd.s32 $0x10, s24  }
0x429: {  	v6 =	vld.idx.msk [tilespmem:v7+s15+$0x0], $0xffff;
	[tilespmem:s24+$0x0] =	vst v1  }
0x42a: {  	v0 =	vor.u32 $0x3E, v7;
	v4 =	vld.idx.msk [tilespmem:v2+s16+$0x0], $0xffff;
	_ =	sdelay $0x1  }
0x42b: {  	v1 =	vld.idx.msk [tilespmem:v3+s15+$0x0], $0xffff  }
0x42c: {  	v63 =	vld.idx.msk [tilespmem:v3+s16+$0x0], $0xffff  }
0x42d: {  	v38 =	vld.idx.msk [tilespmem:v3+s17+$0x0], $0xffff  }
0x42e: {  	[tilespmem:$0x1EB70] =	vst v4;
	v4 =	vld.idx.msk [tilespmem:v0+s15+$0x0], $0xffff  }
0x42f: {  	[tilespmem:$0x1EED0] =	vst v0;
	v3 =	vor.u32 $0x38, v7;
	v0 =	vld.idx.msk [tilespmem:v0+s16+$0x0], $0xffff;
	_ =	sdelay $0x2  }
0x430: {  	v14 =	vld.idx.msk [tilespmem:v2+s15+$0x0], $0xffff  }
0x431: {  	v2 =	vld.idx.msk [tilespmem:v2+s17+$0x0], $0xffff  }
0x432: {  	[tilespmem:$0x1EEB0] =	vst v0;
	v0 =	vld.idx.msk [tilespmem:v3+s16+$0x0], $0xffff;
	_ =	sdelay $0x3  }
0x433: {  	[tilespmem:$0x1EB80] =	vst v2  }
0x434: {  	v2 =	vor.u32 $0x39, v7;
	[tilespmem:$0x1EB90] =	vst v0;
	v0 =	vld.idx.msk [tilespmem:v3+s17+$0x0], $0xffff;
	_ =	sdelay $0x4  }
0x435: {  	[tilespmem:$0x1EBA0] =	vst v0;
	v0 =	vld.idx.msk [tilespmem:v2+s16+$0x0], $0xffff;
	_ =	sdelay $0x3  }
0x436: {  	[tilespmem:$0x1EEC0] =	vst v4  }
0x437: {  	v4 =	vor.u32 $0x3A, v7;
	[tilespmem:$0x1EBB0] =	vst v0;
	v0 =	vld.idx.msk [tilespmem:v2+s17+$0x0], $0xffff;
	_ =	sdelay $0x4  }
0x438: {  	[tilespmem:$0x1EBC0] =	vst v0;
	v0 =	vld.idx.msk [tilespmem:v4+s15+$0x0], $0xffff;
	_ =	sdelay $0x3  }
0x439: {  	v19 =	vld.idx.msk [tilespmem:v3+s15+$0x0], $0xffff  }
0x43a: {  	v3 =	vor.u32 $0x34, v7;
	[tilespmem:$0x1EEF0] =	vst v0;
	v0 =	vld.idx.msk [tilespmem:v4+s16+$0x0], $0xffff;
	_ =	sdelay $0x4  }
0x43b: {  	[tilespmem:$0x1EDF0] =	vst v0;
	v0 =	vld.idx.msk [tilespmem:v3+s16+$0x0], $0xffff;
	_ =	sdelay $0x3  }
0x43c: {  	v21 =	vld.idx.msk [tilespmem:v2+s15+$0x0], $0xffff  }
0x43d: {  	v2 =	vor.u32 $0x35, v7;
	[tilespmem:$0x1EBD0] =	vst v0;
	v0 =	vld.idx.msk [tilespmem:v3+s17+$0x0], $0xffff;
	_ =	sdelay $0x4  }
0x43e: {  	[tilespmem:$0x1EBE0] =	vst v0;
	v0 =	vld.idx.msk [tilespmem:v2+s16+$0x0], $0xffff;
	_ =	sdelay $0x3  }
0x43f: {  	[tilespmem:$0x1EE50] =	vst v4  }
0x440: {  	v4 =	vor.u32 $0x36, v7;
	[tilespmem:$0x1EBF0] =	vst v0;
	v0 =	vld.idx.msk [tilespmem:v2+s17+$0x0], $0xffff;
	_ =	sdelay $0x4  }
0x441: {  	[tilespmem:$0x1EC00] =	vst v0;
	v0 =	vld.idx.msk [tilespmem:v4+s15+$0x0], $0xffff;
	_ =	sdelay $0x3  }
0x442: {  	v32 =	vld.idx.msk [tilespmem:v3+s15+$0x0], $0xffff  }
0x443: {  	v3 =	vor.u32 $0x30, v7;
	[tilespmem:$0x1EE60] =	vst v0;
	v0 =	vld.idx.msk [tilespmem:v4+s16+$0x0], $0xffff;
	_ =	sdelay $0x4  }
0x444: {  	[tilespmem:$0x1EEA0] =	vst v0;
	v0 =	vld.idx.msk [tilespmem:v3+s16+$0x0], $0xffff;
	_ =	sdelay $0x2  }
0x445: {  	v8 =	vor.u32 $0x15, v7  }
0x446: {  	v34 =	vld.idx.msk [tilespmem:v2+s15+$0x0], $0xffff  }
0x447: {  	v2 =	vor.u32 $0x31, v7;
	[tilespmem:$0x1EC10] =	vst v0;
	v0 =	vld.idx.msk [tilespmem:v3+s17+$0x0], $0xffff;
	_ =	sdelay $0x2  }
0x448: {  	v61 =	vld.idx.msk [tilespmem:v8+s15+$0x0], $0xffff  }
0x449: {  	v58 =	vld.idx.msk [tilespmem:v8+s16+$0x0], $0xffff  }
0x44a: {  	[tilespmem:$0x1EC20] =	vst v0;
	v0 =	vld.idx.msk [tilespmem:v2+s16+$0x0], $0xffff  }
0x44b: {  	v24 =	vld.idx.msk [tilespmem:v8+s17+$0x0], $0xffff;
	v8 =	vmul.f32 v63, v1;
	_ =	sdelay $0x1  }
0x44c: {  	[tilespmem:$0x1ED50] =	vst v8  }
0x44d: {  	v29 =	vor.u32 $0x11, v7;
	v8 =	vld [tilespmem:$0x1EB70];
	[tilespmem:$0x1EDA0] =	vst v4  }
0x44e: {  	v4 =	vor.u32 $0x32, v7;
	[tilespmem:$0x1EC30] =	vst v0;
	v0 =	vld.idx.msk [tilespmem:v2+s17+$0x0], $0xffff;
	_ =	sdelay $0x3  }
0x44f: {  	v18 =	vld.idx.msk [tilespmem:v29+s15+$0x0], $0xffff;
	v8 =	vmul.f32 v8, v14  }
0x450: {  	[tilespmem:$0x1EC40] =	vst v0;
	v0 =	vld.idx.msk [tilespmem:v4+s15+$0x0], $0xffff  }
0x451: {  	[tilespmem:$0x1F8D0] =	vst v8;
	v8 =	vld [tilespmem:$0x1EB80]  }
0x452: {  	v40 =	vld.idx.msk [tilespmem:v29+s16+$0x0], $0xffff  }
0x453: {  	v42 =	vld.idx.msk [tilespmem:v29+s17+$0x0], $0xffff;
	v29 =	vor.u32 $0xE, v7  }
0x454: {  	v41 =	vld.idx.msk [tilespmem:v3+s15+$0x0], $0xffff  }
0x455: {  	v3 =	vor.u32 $0x2C, v7;
	[tilespmem:$0x1EDB0] =	vst v0;
	v0 =	vld.idx.msk [tilespmem:v4+s16+$0x0], $0xffff  }
0x456: {  	v8 =	vmul.f32 v8, v14;
	_ =	sdelay $0x1  }
0x457: {  	[tilespmem:$0x1F8F0] =	vst v8;
	v8 =	vld.idx.msk [tilespmem:v29+s16+$0x0], $0xffff;
	_ =	sdelay $0x1  }
0x458: {  	[tilespmem:$0x1EE30] =	vst v0;
	v0 =	vld.idx.msk [tilespmem:v3+s16+$0x0], $0xffff;
	_ =	sdelay $0x2  }
0x459: {  	[tilespmem:$0x1EE20] =	vst v8;
	v8 =	vld [tilespmem:$0x1EB90]  }
0x45a: {  	v43 =	vld.idx.msk [tilespmem:v2+s15+$0x0], $0xffff  }
0x45b: {  	v2 =	vor.u32 $0x2D, v7;
	[tilespmem:$0x1EC50] =	vst v0;
	v0 =	vld.idx.msk [tilespmem:v3+s17+$0x0], $0xffff;
	_ =	sdelay $0x4  }
0x45c: {  	v8 =	vmul.f32 v8, v19;
	[tilespmem:$0x1EC60] =	vst v0;
	v0 =	vld.idx.msk [tilespmem:v2+s16+$0x0], $0xffff;
	_ =	sdelay $0x1  }
0x45d: {  	[tilespmem:$0x1F920] =	vst v8;
	v8 =	vld [tilespmem:$0x1EBA0];
	_ =	sdelay $0x1  }
0x45e: {  	[tilespmem:$0x1ED70] =	vst v4  }
0x45f: {  	v4 =	vor.u32 $0x2E, v7;
	[tilespmem:$0x1EC70] =	vst v0;
	v0 =	vld.idx.msk [tilespmem:v2+s17+$0x0], $0xffff;
	_ =	sdelay $0x1  }
0x460: {  	v8 =	vmul.f32 v8, v19;
	_ =	sdelay $0x1  }
0x461: {  	[tilespmem:$0x1F940] =	vst v8;
	v8 =	vld [tilespmem:$0x1EBB0]  }
0x462: {  	[tilespmem:$0x1EC80] =	vst v0;
	v0 =	vld.idx.msk [tilespmem:v4+s15+$0x0], $0xffff;
	_ =	sdelay $0x3  }
0x463: {  	v8 =	vmul.f32 v8, v21;
	v49 =	vld.idx.msk [tilespmem:v3+s15+$0x0], $0xffff  }
0x464: {  	v3 =	vor.u32 $0x28, v7;
	[tilespmem:$0x1EE10] =	vst v0;
	v0 =	vld.idx.msk [tilespmem:v4+s16+$0x0], $0xffff  }
0x465: {  	[tilespmem:$0x1F960] =	vst v8;
	v8 =	vld [tilespmem:$0x1EBC0];
	_ =	sdelay $0x2  }
0x466: {  	v52 =	vld.idx.msk [tilespmem:v2+s15+$0x0], $0xffff;
	v2 =	vor.u32 $0x29, v7  }
0x467: {  	[tilespmem:$0x1EEE0] =	vst v0;
	v0 =	vld.idx.msk [tilespmem:v3+s16+$0x0], $0xffff  }
0x468: {  	v8 =	vmul.f32 v8, v21;
	v21 =	vld [tilespmem:$0x1EC10];
	_ =	sdelay $0x1  }
0x469: {  	v57 =	vld.idx.msk [tilespmem:v3+s15+$0x0], $0xffff  }
0x46a: {  	[tilespmem:$0x1EDD0] =	vst v4;
	v4 =	vld.idx.msk [tilespmem:v2+s16+$0x0], $0xffff  }
0x46b: {  	v3 =	vld.idx.msk [tilespmem:v3+s17+$0x0], $0xffff;
	[tilespmem:$0x1EC90] =	vst v0;
	v0 =	vor.u32 $0x2A, v7  }
0x46c: {  	v21 =	vmul.f32 v21, v41;
	_ =	sdelay $0x1  }
0x46d: {  	[tilespmem:$0x1FA60] =	vst v21  }
0x46e: {  	v21 =	vld [tilespmem:$0x1EC20];
	[tilespmem:$0x1ECB0] =	vst v4  }
0x46f: {  	[tilespmem:$0x1ECA0] =	vst v3;
	v4 =	vld.idx.msk [tilespmem:v0+s15+$0x0], $0xffff  }
0x470: {  	v3 =	vor.u32 $0x24, v7;
	[tilespmem:$0x1EE90] =	vst v0;
	v0 =	vld.idx.msk [tilespmem:v0+s16+$0x0], $0xffff;
	_ =	sdelay $0x2  }
0x471: {  	v22 =	vld.idx.msk [tilespmem:v2+s15+$0x0], $0xffff  }
0x472: {  	v2 =	vld.idx.msk [tilespmem:v2+s17+$0x0], $0xffff  }
0x473: {  	v21 =	vmul.f32 v21, v41;
	[tilespmem:$0x1EE00] =	vst v0;
	v0 =	vld.idx.msk [tilespmem:v3+s16+$0x0], $0xffff;
	_ =	sdelay $0x1  }
0x474: {  	[tilespmem:$0x1FA80] =	vst v21;
	v21 =	vld [tilespmem:$0x1EC30];
	_ =	sdelay $0x1  }
0x475: {  	[tilespmem:$0x1ECC0] =	vst v2  }
0x476: {  	v2 =	vor.u32 $0x25, v7;
	[tilespmem:$0x1ECD0] =	vst v0;
	v0 =	vld.idx.msk [tilespmem:v3+s17+$0x0], $0xffff;
	_ =	sdelay $0x1  }
0x477: {  	v21 =	vmul.f32 v21, v43;
	_ =	sdelay $0x1  }
0x478: {  	[tilespmem:$0x1FAB0] =	vst v21;
	v21 =	vld [tilespmem:$0x1EC40]  }
0x479: {  	[tilespmem:$0x1ECE0] =	vst v0;
	v0 =	vld.idx.msk [tilespmem:v2+s16+$0x0], $0xffff;
	_ =	sdelay $0x3  }
0x47a: {  	[tilespmem:$0x1F980] =	vst v8;
	v8 =	vld [tilespmem:$0x1EBD0];
	v21 =	vmul.f32 v21, v43  }
0x47b: {  	v23 =	vor.u32 $0x26, v7;
	[tilespmem:$0x1ECF0] =	vst v0;
	v0 =	vld.idx.msk [tilespmem:v2+s17+$0x0], $0xffff  }
0x47c: {  	[tilespmem:$0x1FAD0] =	vst v21;
	v21 =	vld [tilespmem:$0x1EC70];
	_ =	sdelay $0x3  }
0x47d: {  	v8 =	vmul.f32 v8, v32;
	[tilespmem:$0x1ED00] =	vst v0;
	v0 =	vld.idx.msk [tilespmem:v23+s15+$0x0], $0xffff  }
0x47e: {  	v21 =	vmul.f32 v21, v52  }
0x47f: {  	v54 =	vor.u32 $0xC, v7;
	[tilespmem:$0x1F9B0] =	vst v8;
	v8 =	vld [tilespmem:$0x1EBE0]  }
0x480: {  	[tilespmem:$0x1FB70] =	vst v21;
	v21 =	vld [tilespmem:$0x1EC80]  }
0x481: {  	v17 =	vld.idx.msk [tilespmem:v3+s15+$0x0], $0xffff  }
0x482: {  	v3 =	vor.u32 $0x20, v7;
	[tilespmem:$0x1ED60] =	vst v0;
	v0 =	vld.idx.msk [tilespmem:v23+s16+$0x0], $0xffff  }
0x483: {  	v37 =	vld.idx.msk [tilespmem:v7+s16+$0x0], $0xffff  }
0x484: {  	v45 =	vld.idx.msk [tilespmem:v54+s15+$0x0], $0xffff;
	v8 =	vmul.f32 v8, v32  }
0x485: {  	v51 =	vld.idx.msk [tilespmem:v54+s16+$0x0], $0xffff  }
0x486: {  	[tilespmem:$0x1F9D0] =	vst v8;
	v8 =	vld [tilespmem:$0x1EBF0]  }
0x487: {  	v59 =	vor.u32 $0x22, v7;
	v21 =	vmul.f32 v21, v52;
	[tilespmem:$0x1EDC0] =	vst v0;
	v0 =	vld.idx.msk [tilespmem:v3+s16+$0x0], $0xffff  }
0x488: {  	v31 =	vld.idx.msk [tilespmem:v54+s17+$0x0], $0xffff;
	v54 =	vor.u32 $0x8, v7  }
0x489: {  	[tilespmem:$0x1FB90] =	vst v21;
	v21 =	vld [tilespmem:$0x1EC90]  }
0x48a: {  	v56 =	vld.idx.msk [tilespmem:v7+s17+$0x0], $0xffff  }
0x48b: {  	v1 =	vmul.f32 v38, v1;
	v38 =	vld.idx.msk [tilespmem:v29+s15+$0x0], $0xffff  }
0x48c: {  	v8 =	vmul.f32 v8, v34;
	[tilespmem:$0x1ED10] =	vst v0;
	v0 =	vld.idx.msk [tilespmem:v59+s15+$0x0], $0xffff  }
0x48d: {  	v63 =	vld.idx.msk [tilespmem:v54+s15+$0x0], $0xffff  }
0x48e: {  	v14 =	vor.u32 $0xA, v7;
	[tilespmem:$0x1FA00] =	vst v8;
	v8 =	vld [tilespmem:$0x1EC00];
	v21 =	vmul.f32 v21, v57  }
0x48f: {  	v50 =	vld.idx.msk [tilespmem:v54+s17+$0x0], $0xffff;
	[tilespmem:$0x1EE40] =	vst v4;
	v4 =	vor.u32 $0x1C, v7  }
0x490: {  	[tilespmem:$0x1FBC0] =	vst v21;
	v21 =	vld [tilespmem:$0x1ECA0]  }
0x491: {  	[tilespmem:$0x1ED90] =	vst v0;
	v0 =	vld.idx.msk [tilespmem:v59+s16+$0x0], $0xffff  }
0x492: {  	v29 =	vld.idx.msk [tilespmem:v29+s17+$0x0], $0xffff  }
0x493: {  	[tilespmem:$0x1F8A0] =	vst v1;
	v1 =	vor.u32 $0x9, v7;
	v8 =	vmul.f32 v8, v34;
	v34 =	vld.idx.msk [tilespmem:v14+s15+$0x0], $0xffff  }
0x494: {  	v48 =	vld.idx.msk [tilespmem:v4+s15+$0x0], $0xffff  }
0x495: {  	v21 =	vmul.f32 v21, v57;
	v20 =	vld.idx.msk [tilespmem:v4+s16+$0x0], $0xffff  }
0x496: {  	[tilespmem:$0x1ED80] =	vst v0;
	v0 =	vld.idx.msk [tilespmem:v4+s17+$0x0], $0xffff;
	v4 =	vor.u32 $0x18, v7  }
0x497: {  	[tilespmem:$0x1FBE0] =	vst v21;
	v21 =	vld [tilespmem:$0x1ECB0]  }
0x498: {  	[tilespmem:$0x1FA20] =	vst v8;
	v8 =	vld.idx.msk [tilespmem:v1+s15+$0x0], $0xffff  }
0x499: {  	v33 =	vld.idx.msk [tilespmem:v3+s15+$0x0], $0xffff  }
0x49a: {  	v39 =	vld.idx.msk [tilespmem:v3+s17+$0x0], $0xffff  }
0x49b: {  	v55 =	vld.idx.msk [tilespmem:v4+s15+$0x0], $0xffff  }
0x49c: {  	v13 =	vor.u32 $0x1E, v7;
	v21 =	vmul.f32 v21, v22;
	v3 =	vld.idx.msk [tilespmem:v4+s16+$0x0], $0xffff  }
0x49d: {  	v60 =	vld.idx.msk [tilespmem:v4+s17+$0x0], $0xffff;
	v4 =	vor.u32 $0x14, v7  }
0x49e: {  	[tilespmem:$0x1FC10] =	vst v21;
	v21 =	vld [tilespmem:$0x1ECC0]  }
0x49f: {  	v41 =	vld.idx.msk [tilespmem:v1+s16+$0x0], $0xffff  }
0x4a0: {  	v36 =	vld.idx.msk [tilespmem:v2+s15+$0x0], $0xffff  }
0x4a1: {  	v2 =	vor.u32 $0x21, v7;
	[tilespmem:$0x1ED20] =	vst v0;
	v0 =	vld.idx.msk [tilespmem:v13+s15+$0x0], $0xffff  }
0x4a2: {  	v5 =	vld.idx.msk [tilespmem:v4+s15+$0x0], $0xffff  }
0x4a3: {  	v21 =	vmul.f32 v21, v22;
	v53 =	vld.idx.msk [tilespmem:v4+s16+$0x0], $0xffff  }
0x4a4: {  	v30 =	vld.idx.msk [tilespmem:v4+s17+$0x0], $0xffff;
	v4 =	vor.u32 $0x10, v7  }
0x4a5: {  	[tilespmem:$0x1FC30] =	vst v21;
	v21 =	vld [tilespmem:$0x1ECD0]  }
0x4a6: {  	v35 =	vld.idx.msk [tilespmem:v2+s15+$0x0], $0xffff  }
0x4a7: {  	v27 =	vld.idx.msk [tilespmem:v2+s16+$0x0], $0xffff  }
0x4a8: {  	[tilespmem:$0x1EDE0] =	vst v0;
	v0 =	vld.idx.msk [tilespmem:v13+s16+$0x0], $0xffff  }
0x4a9: {  	v15 =	vld.idx.msk [tilespmem:v4+s15+$0x0], $0xffff  }
0x4aa: {  	v26 =	vor.u32 $0x1A, v7;
	v16 =	vld.idx.msk [tilespmem:v4+s16+$0x0], $0xffff  }
0x4ab: {  	v44 =	vld.idx.msk [tilespmem:v4+s17+$0x0], $0xffff;
	v4 =	vmul.f32 v37, v6  }
0x4ac: {  	v19 =	vor.u32 $0x4, v7;
	v25 =	vld.idx.msk [tilespmem:v2+s17+$0x0], $0xffff  }
0x4ad: {  	v2 =	vor.u32 $0x1D, v7;
	[tilespmem:$0x1ED40] =	vst v4;
	v4 =	vmul.f32 v56, v6;
	v56 =	vld.idx.msk [tilespmem:v1+s17+$0x0], $0xffff  }
0x4ae: {  	v21 =	vmul.f32 v21, v17;
	v1 =	vld [tilespmem:$0x1EC50]  }
0x4af: {  	[tilespmem:$0x1ED30] =	vst v0;
	v0 =	vld.idx.msk [tilespmem:v26+s15+$0x0], $0xffff  }
0x4b0: {  	[tilespmem:$0x1FC40] =	vst v21;
	v21 =	vld [tilespmem:$0x1ECE0]  }
0x4b1: {  	v57 =	vld.idx.msk [tilespmem:v19+s15+$0x0], $0xffff  }
0x4b2: {  	v62 =	vld.idx.msk [tilespmem:v2+s15+$0x0], $0xffff  }
0x4b3: {  	v10 =	vld.idx.msk [tilespmem:v2+s16+$0x0], $0xffff;
	v1 =	vmul.f32 v1, v49  }
0x4b4: {  	v28 =	vor.u32 $0x16, v7;
	[tilespmem:$0x1FF30] =	vst v0;
	v0 =	vld.idx.msk [tilespmem:v26+s16+$0x0], $0xffff  }
0x4b5: {  	v17 =	vmul.f32 v21, v17;
	[tilespmem:$0x1FB10] =	vst v1;
	v1 =	vld [tilespmem:$0x1EC60]  }
0x4b6: {  	v9 =	vld.idx.msk [tilespmem:v2+s17+$0x0], $0xffff  }
0x4b7: {  	[tilespmem:$0x1FC60] =	vst v17;
	v17 =	vld.idx.msk [tilespmem:v19+s17+$0x0], $0xffff  }
0x4b8: {  	v21 =	vld [tilespmem:$0x1ED10]  }
0x4b9: {  	[tilespmem:$0x1FF50] =	vst v0;
	v0 =	vld.idx.msk [tilespmem:v28+s15+$0x0], $0xffff  }
0x4ba: {  	v2 =	vor.u32 $0x19, v7;
	v1 =	vmul.f32 v1, v49;
	v49 =	vld.idx.msk [tilespmem:v19+s16+$0x0], $0xffff  }
0x4bb: {  	v19 =	vld [tilespmem:$0x1ECF0]  }
0x4bc: {  	v43 =	vld.idx.msk [tilespmem:v14+s16+$0x0], $0xffff  }
0x4bd: {  	v14 =	vld.idx.msk [tilespmem:v14+s17+$0x0], $0xffff  }
0x4be: {  	v11 =	vor.u32 $0x12, v7;
	[tilespmem:$0x1FF00] =	vst v0;
	v0 =	vld.idx.msk [tilespmem:v28+s16+$0x0], $0xffff  }
0x4bf: {  	v12 =	vld.idx.msk [tilespmem:v2+s15+$0x0], $0xffff;
	v21 =	vmul.f32 v21, v33  }
0x4c0: {  	v46 =	vld.idx.msk [tilespmem:v2+s16+$0x0], $0xffff;
	[tilespmem:$0x1FB30] =	vst v1;
	v1 =	vor.u32 $0x5, v7;
	v19 =	vmul.f32 v19, v36  }
0x4c1: {  	v2 =	vld.idx.msk [tilespmem:v2+s17+$0x0], $0xffff;
	[tilespmem:$0x1FCC0] =	vst v21  }
0x4c2: {  	v21 =	vmul.f32 v39, v33;
	[tilespmem:$0x1FC80] =	vst v19;
	v19 =	vld [tilespmem:$0x1ED00]  }
0x4c3: {  	[tilespmem:$0x1FF20] =	vst v0;
	v0 =	vld.idx.msk [tilespmem:v11+s15+$0x0], $0xffff  }
0x4c4: {  	[tilespmem:$0x1FCE0] =	vst v21;
	v21 =	vmul.f32 v27, v35;
	v37 =	vld.idx.msk [tilespmem:v54+s16+$0x0], $0xffff  }
0x4c5: {  	v47 =	vor.u32 $0xD, v7;
	v33 =	vld.idx.msk [tilespmem:v1+s16+$0x0], $0xffff  }
0x4c6: {  	[tilespmem:$0x1FD00] =	vst v21;
	v21 =	vmul.f32 v25, v35;
	v35 =	vld.idx.msk [tilespmem:v1+s17+$0x0], $0xffff  }
0x4c7: {  	v19 =	vmul.f32 v19, v36;
	v36 =	vld.idx.msk [tilespmem:v1+s15+$0x0], $0xffff;
	v1 =	vmul.f32 v20, v48  }
0x4c8: {  	v17 =	vmul.f32 v17, v57;
	v4 =	vadd.f32 $0.0e+00, v4;
	[tilespmem:$0x1EE70] =	vst v0;
	v0 =	vld.idx.msk [tilespmem:v11+s16+$0x0], $0xffff  }
0x4c9: {  	[tilespmem:$0x1FD40] =	vst v1;
	v1 =	vld [tilespmem:$0x1ED20]  }
0x4ca: {  	v50 =	vmul.f32 v50, v63;
	v6 =	vld.idx.msk [tilespmem:v47+s16+$0x0], $0xffff;
	v4 =	vadd.f32 v17, v4  }
0x4cb: {  	v52 =	vor.u32 $0x6, v7;
	v37 =	vmul.f32 v37, v63;
	v63 =	vld [tilespmem:$0x1ED30]  }
0x4cc: {  	v4 =	vadd.f32 v50, v4;
	v50 =	vld [tilespmem:$0x1EDD0];
	[tilespmem:$0x1FCA0] =	vst v19;
	v19 =	vor.u32 $0x1, v7  }
0x4cd: {  	v11 =	vld.idx.msk [tilespmem:v11+s17+$0x0], $0xffff  }
0x4ce: {  	v22 =	vor.u32 $0x2, v7;
	[tilespmem:$0x1EE80] =	vst v0;
	v0 =	vld.idx.msk [tilespmem:v47+s15+$0x0], $0xffff;
	v1 =	vmul.f32 v1, v48  }
0x4cf: {  	v47 =	vld.idx.msk [tilespmem:v47+s17+$0x0], $0xffff  }
0x4d0: {  	v31 =	vmul.f32 v31, v45;
	v48 =	vld.idx.msk [tilespmem:v52+s15+$0x0], $0xffff;
	[tilespmem:$0x1FD60] =	vst v1;
	v1 =	vmul.f32 v10, v62  }
0x4d1: {  	[tilespmem:$0x1FD20] =	vst v21;
	v25 =	vmul.f32 v53, v5;
	v21 =	vmul.f32 v30, v5;
	v30 =	vld.idx.msk [tilespmem:v19+s17+$0x0], $0xffff  }
0x4d2: {  	v5 =	vmul.f32 v16, v15;
	[tilespmem:$0x1FD80] =	vst v1;
	v1 =	vmul.f32 v9, v62;
	v62 =	vld.idx.msk [tilespmem:v52+s16+$0x0], $0xffff  }
0x4d3: {  	v9 =	vmul.f32 v44, v15;
	v44 =	vld.idx.msk [tilespmem:v22+s16+$0x0], $0xffff;
	v15 =	vmul.f32 v40, v18;
	v40 =	vor.u32 $0x7, v7  }
0x4d4: {  	v16 =	vmul.f32 v42, v18;
	v18 =	vld.idx.msk [tilespmem:v22+s17+$0x0], $0xffff  }
0x4d5: {  	v4 =	vadd.f32 v31, v4;
	v52 =	vld.idx.msk [tilespmem:v52+s17+$0x0], $0xffff;
	[tilespmem:$0x1FDA0] =	vst v1;
	v1 =	vmul.f32 v3, v55  }
0x4d6: {  	v33 =	vmul.f32 v33, v36;
	v3 =	vld.idx.msk [tilespmem:v19+s15+$0x0], $0xffff  }
0x4d7: {  	v9 =	vadd.f32 v9, v4;
	v4 =	vld.idx.msk [tilespmem:v26+s17+$0x0], $0xffff;
	[tilespmem:$0x1FDC0] =	vst v1;
	v1 =	vmul.f32 v60, v55  }
0x4d8: {  	v35 =	vmul.f32 v35, v36;
	v55 =	vmul.f32 v46, v12;
	v46 =	vor.u32 $0x3, v7;
	v36 =	vld.idx.msk [tilespmem:v40+s15+$0x0], $0xffff  }
0x4d9: {  	[tilespmem:$0x1FDE0] =	vst v1;
	v1 =	vmul.f32 v2, v12;
	v2 =	vld.idx.msk [tilespmem:v19+s16+$0x0], $0xffff  }
0x4da: {  	v12 =	vmul.f32 v58, v61;
	v58 =	vmul.f32 v62, v48;
	v62 =	vld [tilespmem:$0x1ED50]  }
0x4db: {  	v32 =	vor.u32 $0x23, v7;
	v53 =	vor.u32 $0xB, v7;
	[tilespmem:$0x1FE10] =	vst v1;
	v1 =	vmul.f32 v24, v61;
	v24 =	vld.idx.msk [tilespmem:v22+s15+$0x0], $0xffff  }
0x4dc: {  	v41 =	vmul.f32 v41, v8;
	v39 =	vor.u32 $0x3B, v7;
	v27 =	vor.u32 $0x27, v7;
	v61 =	vld [tilespmem:$0x1ED40]  }
0x4dd: {  	v54 =	vor.u32 $0x3F, v7;
	v42 =	vmul.f32 v51, v45;
	v8 =	vmul.f32 v56, v8;
	v45 =	vld.idx.msk [tilespmem:v46+s15+$0x0], $0xffff  }
0x4de: {  	v56 =	vor.u32 $0x17, v7;
	v51 =	vmul.f32 v6, v0;
	v47 =	vmul.f32 v47, v0;
	v0 =	vld.idx.msk [tilespmem:v46+s16+$0x0], $0xffff  }
0x4df: {  	v49 =	vmul.f32 v49, v57;
	v57 =	vor.u32 $0x13, v7;
	v20 =	vor.u32 $0x2B, v7;
	v46 =	vld.idx.msk [tilespmem:v46+s17+$0x0], $0xffff  }
0x4e0: {  	v10 =	vor.u32 $0x33, v7;
	v6 =	vor.u32 $0x1F, v7;
	v48 =	vmul.f32 v52, v48;
	v52 =	vld.idx.msk [tilespmem:v53+s17+$0x0], $0xffff  }
0x4e1: {  	v60 =	vor.u32 $0x37, v7;
	v2 =	vmul.f32 v2, v3;
	v3 =	vmul.f32 v30, v3;
	v30 =	vld.idx.msk [tilespmem:v40+s16+$0x0], $0xffff  }
0x4e2: {  	v19 =	vor.u32 $0x2F, v7;
	v44 =	vmul.f32 v44, v24;
	v18 =	vmul.f32 v18, v24;
	v24 =	vld.idx.msk [tilespmem:v40+s17+$0x0], $0xffff  }
0x4e3: {  	v22 =	vor.u32 $0x1B, v7;
	v7 =	vor.u32 $0xF, v7;
	v40 =	vadd.f32 $0.0e+00, v61;
	v61 =	vld.idx.msk [tilespmem:v53+s16+$0x0], $0xffff  }
0x4e4: {  	v0 =	vmul.f32 v0, v45;
	v45 =	vmul.f32 v46, v45;
	v46 =	vld.idx.msk [tilespmem:v53+s15+$0x0], $0xffff  }
0x4e5: {  	v3 =	vadd.f32 $0.0e+00, v3;
	v53 =	vld [tilespmem:$0x1ED60]  }
0x4e6: {  	v2 =	vadd.f32 $0.0e+00, v2;
	v40 =	vadd.f32 v49, v40;
	v49 =	vld [tilespmem:$0x1ED70]  }
0x4e7: {  	v44 =	vadd.f32 $0.0e+00, v44;
	v3 =	vadd.f32 v35, v3;
	v35 =	vmul.f32 v43, v34;
	v43 =	vld [tilespmem:$0x1EDB0]  }
0x4e8: {  	v18 =	vadd.f32 $0.0e+00, v18;
	v17 =	vmul.f32 v30, v36;
	v30 =	vld.idx.msk [tilespmem:v7+s15+$0x0], $0xffff  }
0x4e9: {  	v2 =	vadd.f32 v33, v2;
	v33 =	vadd.f32 v58, v44;
	v58 =	vld [tilespmem:$0x1ED80]  }
0x4ea: {  	v18 =	vadd.f32 v48, v18;
	v48 =	vld [tilespmem:$0x1EDA0]  }
0x4eb: {  	v2 =	vadd.f32 v41, v2;
	v41 =	vld [tilespmem:$0x1EDF0]  }
0x4ec: {  	v24 =	vmul.f32 v24, v36;
	v36 =	vld.idx.msk [tilespmem:v7+s16+$0x0], $0xffff  }
0x4ed: {  	v7 =	vld.idx.msk [tilespmem:v7+s17+$0x0], $0xffff  }
0x4ee: {  	v44 =	vmov v54;
	v54 =	vld [tilespmem:$0x1ED90]  }
0x4ef: {  	v14 =	vmul.f32 v14, v34;
	v34 =	vmul.f32 v61, v46;
	v61 =	vld [tilespmem:$0x1EDE0]  }
0x4f0: {  	v3 =	vadd.f32 v8, v3;
	v8 =	vmul.f32 v52, v46;
	v52 =	vld [tilespmem:$0x1EE00]  }
0x4f1: {  	v46 =	vld [tilespmem:$0x1EE10]  }
0x4f2: {  	v18 =	vadd.f32 v14, v18;
	v14 =	vld [tilespmem:$0x1EE20]  }
0x4f3: {  	v0 =	vadd.f32 $0.0e+00, v0;
	v33 =	vadd.f32 v35, v33;
	v35 =	vld.idx.msk [tilespmem:v57+s16+$0x0], $0xffff  }
0x4f4: {  	v45 =	vadd.f32 $0.0e+00, v45;
	v31 =	vadd.f32 v51, v2;
	v51 =	vld [tilespmem:$0x1EE40]  }
0x4f5: {  	v2 =	vld [tilespmem:$0x1EE80]  }
0x4f6: {  	v0 =	vadd.f32 v17, v0;
	v17 =	vadd.f32 v24, v45;
	v45 =	vld [tilespmem:$0x1EDC0]  }
0x4f7: {  	v24 =	vadd.f32 v37, v40;
	v37 =	vld.idx.msk [tilespmem:v57+s15+$0x0], $0xffff  }
0x4f8: {  	v34 =	vadd.f32 v34, v0;
	v0 =	vld.idx.msk [tilespmem:v28+s17+$0x0], $0xffff  }
0x4f9: {  	v15 =	vadd.f32 v15, v31;
	v31 =	vld [tilespmem:$0x1EEC0]  }
0x4fa: {  	v40 =	vadd.f32 v42, v24;
	v42 =	vld [tilespmem:$0x1EE30]  }
0x4fb: {  	v24 =	vmul.f32 v36, v30;
	v36 =	vadd.f32 v47, v3;
	v47 =	vld [tilespmem:$0x1EE50]  }
0x4fc: {  	v8 =	vadd.f32 v8, v17;
	v17 =	vmul.f32 v29, v38;
	v3 =	vld.idx.msk [tilespmem:v56+s15+$0x0], $0xffff  }
0x4fd: {  	v28 =	vmul.f32 v7, v30;
	v14 =	vmul.f32 v14, v38;
	v38 =	vld.idx.msk [tilespmem:v57+s17+$0x0], $0xffff  }
0x4fe: {  	v18 =	vadd.f32 v17, v18;
	v17 =	vld [tilespmem:$0x1EE70];
	v7 =	vadd.f32 v24, v34  }
0x4ff: {  	v24 =	vadd.f32 v28, v8;
	v28 =	vadd.f32 v5, v40;
	v40 =	vld [tilespmem:$0x1EEA0]  }
0x500: {  	v34 =	vmul.f32 v35, v37;
	v35 =	vld [tilespmem:$0x1EEB0]  }
0x501: {  	v16 =	vadd.f32 v16, v36;
	v36 =	vld [tilespmem:$0x1EED0]  }
0x502: {  	v5 =	vld.idx.msk [tilespmem:v22+s15+$0x0], $0xffff  }
0x503: {  	p0 =	sne.s32 s26, $0x1F0;
	v14 =	vadd.f32 v14, v33;
	v33 =	vld [tilespmem:$0x1EE60]  }
.Ltmp0:
0x504: {  	v29 =	vmul.f32 v2, v17;
	v2 =	vld.idx.msk [tilespmem:v56+s16+$0x0], $0xffff;
	(pc) =	sbr.rel @p0 .LBB2_2-.Ltmp0, $4  }
0x505: {  	v30 =	vmul.f32 v11, v17;
	v11 =	vld.idx.msk [tilespmem:v56+s17+$0x0], $0xffff  }
0x506: {  	v56 =	vld [tilespmem:$0x1EE90]  }
0x507: {  	v26 =	vmul.f32 v38, v37;
	v38 =	vld [tilespmem:$0x1EEE0]  }
0x508: {  	s26 =	sadd.s32 $0x10, s26;
	v37 =	vld [tilespmem:$0x1EEF0]  }
0x509: {  	_ = 	snop  }
0x50a: {  	v8 =	vadd.f32 v29, v14  }
0x50b: {  	v14 =	vadd.f32 v30, v18;
	v18 =	vadd.f32 v25, v28;
	v28 =	vld [tilespmem:$0x1FF00]  }
0x50c: {  	v29 =	vld [tilespmem:$0x1FF20]  }
0x50d: {  	v30 =	vld.idx.msk [tilespmem:v22+s16+$0x0], $0xffff  }
0x50e: {  	v57 =	vld.idx.msk [tilespmem:v22+s17+$0x0], $0xffff  }
0x50f: {  	v13 =	vld.idx.msk [tilespmem:v13+s17+$0x0], $0xffff  }
0x510: {  	v1 =	vadd.f32 v1, v16;
	v16 =	vld [tilespmem:$0x1FF30]  }
0x511: {  	v22 =	vld [tilespmem:$0x1FDC0]  }
0x512: {  	v25 =	vld.idx.msk [tilespmem:v6+s16+$0x0], $0xffff  }
0x513: {  	v17 =	vadd.f32 v26, v24;
	v26 =	vld [tilespmem:$0x1FDE0]  }
0x514: {  	v7 =	vadd.f32 v34, v7;
	v9 =	vadd.f32 v21, v9;
	v2 =	vmul.f32 v2, v3;
	v21 =	vld.idx.msk [tilespmem:v23+s17+$0x0], $0xffff  }
0x515: {  	v23 =	vld [tilespmem:$0x1FCC0]  }
0x516: {  	v15 =	vadd.f32 v12, v15;
	v2 =	vadd.f32 v2, v7;
	v7 =	vld.idx.msk [tilespmem:v6+s15+$0x0], $0xffff  }
0x517: {  	v34 =	vmul.f32 v11, v3;
	v6 =	vld.idx.msk [tilespmem:v6+s17+$0x0], $0xffff  }
0x518: {  	v15 =	vadd.f32 v55, v15;
	v55 =	vld [tilespmem:$0x1FD60]  }
0x519: {  	v3 =	vadd.f32 v34, v17;
	v17 =	vld [tilespmem:$0x1FF50]  }
0x51a: {  	v34 =	vld.idx.msk [tilespmem:v32+s15+$0x0], $0xffff  }
0x51b: {  	v24 =	vmul.f32 v29, v28;
	v0 =	vmul.f32 v0, v28;
	v29 =	vld [tilespmem:$0x1FE10]  }
0x51c: {  	v28 =	vmul.f32 v30, v5;
	v5 =	vmul.f32 v57, v5;
	v57 =	vld [tilespmem:$0x1FD80]  }
0x51d: {  	v30 =	vmul.f32 v63, v61;
	v13 =	vmul.f32 v13, v61;
	v61 =	vld [tilespmem:$0x1FDA0]  }
0x51e: {  	v9 =	vadd.f32 v26, v9;
	v26 =	vld [tilespmem:$0x1FD00]  }
0x51f: {  	v11 =	vmul.f32 v21, v53;
	v21 =	vld.idx.msk [tilespmem:v10+s15+$0x0], $0xffff  }
0x520: {  	v3 =	vadd.f32 v5, v3;
	v5 =	vld [tilespmem:$0x1FD40]  }
0x521: {  	v63 =	vmul.f32 v25, v7;
	v6 =	vmul.f32 v6, v7;
	v7 =	vld.idx.msk [tilespmem:v32+s17+$0x0], $0xffff  }
0x522: {  	v25 =	vld [tilespmem:$0x1FCE0]  }
0x523: {  	v4 =	vmul.f32 v4, v16;
	v8 =	vadd.f32 v24, v8;
	v2 =	vadd.f32 v28, v2;
	v28 =	vld [tilespmem:$0x1FD20]  }
0x524: {  	v0 =	vadd.f32 v0, v14;
	v24 =	vadd.f32 v22, v18;
	v22 =	vmul.f32 v58, v54;
	v58 =	vld [tilespmem:$0x1FBE0]  }
0x525: {  	v9 =	vadd.f32 v55, v9;
	v55 =	vmul.f32 v52, v51;
	v52 =	vld.idx.msk [tilespmem:v39+s17+$0x0], $0xffff  }
0x526: {  	v0 =	vadd.f32 v4, v0;
	v4 =	vld.idx.msk [tilespmem:v59+s17+$0x0], $0xffff  }
0x527: {  	v59 =	vld.idx.msk [tilespmem:v32+s16+$0x0], $0xffff  }
0x528: {  	v3 =	vadd.f32 v6, v3;
	v6 =	vld.idx.msk [tilespmem:v27+s15+$0x0], $0xffff  }
0x529: {  	v32 =	vld [tilespmem:$0x1FC80]  }
0x52a: {  	v14 =	vmul.f32 v17, v16;
	v2 =	vadd.f32 v63, v2;
	v63 =	vld [tilespmem:$0x1FC30]  }
0x52b: {  	v1 =	vadd.f32 v29, v1;
	v29 =	vld.idx.msk [tilespmem:v20+s15+$0x0], $0xffff  }
0x52c: {  	v8 =	vadd.f32 v14, v8;
	v14 =	vadd.f32 v57, v15;
	v57 =	vld.idx.msk [tilespmem:v19+s16+$0x0], $0xffff  }
0x52d: {  	v5 =	vadd.f32 v5, v24;
	v24 =	vld.idx.msk [tilespmem:v27+s16+$0x0], $0xffff  }
0x52e: {  	v27 =	vld.idx.msk [tilespmem:v27+s17+$0x0], $0xffff  }
0x52f: {  	v8 =	vadd.f32 v30, v8;
	v30 =	vld [tilespmem:$0x1FC60]  }
0x530: {  	v1 =	vadd.f32 v61, v1;
	v61 =	vld.idx.msk [tilespmem:v19+s17+$0x0], $0xffff  }
0x531: {  	v9 =	vadd.f32 v25, v9;
	v7 =	vmul.f32 v7, v34;
	v25 =	vld.idx.msk [tilespmem:v10+s16+$0x0], $0xffff  }
0x532: {  	v14 =	vadd.f32 v26, v14;
	v26 =	vld [tilespmem:$0x1FB90]  }
0x533: {  	v3 =	vadd.f32 v7, v3;
	v7 =	vld [tilespmem:$0x1FC40]  }
0x534: {  	v15 =	vmul.f32 v59, v34;
	v34 =	vld.idx.msk [tilespmem:v20+s16+$0x0], $0xffff  }
0x535: {  	v4 =	vmul.f32 v4, v54;
	v54 =	vld.idx.msk [tilespmem:v20+s17+$0x0], $0xffff  }
0x536: {  	v59 =	vld [tilespmem:$0x1FC10]  }
0x537: {  	v20 =	vld [tilespmem:$0x1FB10]  }
0x538: {  	v5 =	vadd.f32 v23, v5;
	v23 =	vld [tilespmem:$0x1FB30]  }
0x539: {  	v0 =	vadd.f32 v13, v0;
	v13 =	vadd.f32 v32, v14;
	v32 =	vld [tilespmem:$0x1FA80]  }
0x53a: {  	v8 =	vadd.f32 v22, v8;
	v22 =	vmul.f32 v38, v46;
	v38 =	vld.idx.msk [tilespmem:v60+s17+$0x0], $0xffff  }
0x53b: {  	v1 =	vadd.f32 v28, v1;
	v28 =	vmul.f32 v42, v43;
	v42 =	vld [tilespmem:$0x1FAD0]  }
0x53c: {  	v0 =	vadd.f32 v4, v0;
	v4 =	vld.idx.msk [tilespmem:v56+s17+$0x0], $0xffff  }
0x53d: {  	v56 =	vld [tilespmem:$0x1FBC0]  }
0x53e: {  	v9 =	vadd.f32 v30, v9;
	v30 =	vld.idx.msk [tilespmem:v60+s16+$0x0], $0xffff  }
0x53f: {  	v5 =	vadd.f32 v7, v5;
	v7 =	vmul.f32 v45, v53;
	v45 =	vld [tilespmem:$0x1FCA0]  }
0x540: {  	v53 =	vmul.f32 v24, v6;
	v24 =	vld [tilespmem:$0x1FB70]  }
0x541: {  	v6 =	vmul.f32 v27, v6;
	v27 =	vld.idx.msk [tilespmem:v10+s17+$0x0], $0xffff  }
0x542: {  	v14 =	vmul.f32 v34, v29;
	v12 =	vmul.f32 v54, v29;
	v29 =	vld [tilespmem:$0x1FA60]  }
0x543: {  	v34 =	vld [tilespmem:$0x1FAB0]  }
0x544: {  	v2 =	vadd.f32 v15, v2;
	v54 =	vld [tilespmem:$0x1F920]  }
0x545: {  	v0 =	vadd.f32 v11, v0;
	v9 =	vadd.f32 v58, v9;
	v58 =	vld.idx.msk [tilespmem:v44+s17+$0x0], $0xffff  }
0x546: {  	v13 =	vadd.f32 v59, v13;
	v7 =	vadd.f32 v7, v8;
	v8 =	vld.idx.msk [tilespmem:v50+s17+$0x0], $0xffff  }
0x547: {  	v2 =	vadd.f32 v53, v2;
	v3 =	vadd.f32 v6, v3;
	v6 =	vld.idx.msk [tilespmem:v19+s15+$0x0], $0xffff;
	v4 =	vmul.f32 v4, v51  }
0x548: {  	v59 =	vld [tilespmem:$0x1F980];
	v5 =	vadd.f32 v56, v5;
	v9 =	vadd.f32 v23, v9  }
0x549: {  	v50 =	vld [tilespmem:$0x1FA20];
	v7 =	vadd.f32 v55, v7;
	v0 =	vadd.f32 v4, v0  }
0x54a: {  	v2 =	vadd.f32 v14, v2;
	v4 =	vld.idx.msk [tilespmem:v49+s17+$0x0], $0xffff;
	v3 =	vadd.f32 v12, v3  }
0x54b: {  	v56 =	vld [tilespmem:$0x1F940];
	v5 =	vadd.f32 v20, v5;
	v9 =	vadd.f32 v32, v9;
	v8 =	vmul.f32 v8, v46  }
0x54c: {  	v49 =	vld.idx.msk [tilespmem:v39+s16+$0x0], $0xffff;
	v1 =	vadd.f32 v45, v1;
	v15 =	vmul.f32 v57, v6;
	v6 =	vmul.f32 v61, v6  }
0x54d: {  	v7 =	vadd.f32 v22, v7;
	v0 =	vadd.f32 v8, v0;
	v8 =	vld.idx.msk [tilespmem:v48+s17+$0x0], $0xffff  }
0x54e: {  	v53 =	vmul.f32 v41, v37;
	v1 =	vadd.f32 v63, v1;
	v3 =	vadd.f32 v6, v3;
	v6 =	vld.idx.msk [tilespmem:v60+s15+$0x0], $0xffff  }
0x54f: {  	v13 =	vadd.f32 v24, v13;
	v5 =	vadd.f32 v29, v5;
	v4 =	vmul.f32 v4, v43;
	v43 =	vld [tilespmem:$0x1F9B0]  }
0x550: {  	v46 =	vmul.f32 v40, v33;
	v7 =	vadd.f32 v28, v7;
	v1 =	vadd.f32 v26, v1;
	v48 =	vld [tilespmem:$0x1FA00]  }
0x551: {  	v14 =	vmul.f32 v25, v21;
	v2 =	vadd.f32 v15, v2;
	v0 =	vadd.f32 v4, v0;
	v4 =	vld.idx.msk [tilespmem:v47+s17+$0x0], $0xffff  }
0x552: {  	v10 =	vmul.f32 v27, v21;
	v13 =	vadd.f32 v34, v13;
	v7 =	vadd.f32 v46, v7;
	v47 =	vld [tilespmem:$0x1F9D0]  }
0x553: {  	v55 =	vld.idx.msk [tilespmem:v44+s16+$0x0], $0xffff;
	v1 =	vadd.f32 v42, v1;
	v2 =	vadd.f32 v14, v2  }
0x554: {  	v45 =	vld.idx.msk [tilespmem:v39+s15+$0x0], $0xffff;
	v3 =	vadd.f32 v10, v3;
	v7 =	vadd.f32 v53, v7  }
0x555: {  	v57 =	vld [tilespmem:$0x1F960];
	v1 =	vadd.f32 v50, v1;
	v5 =	vadd.f32 v43, v5  }
0x556: {  	v63 =	vld [tilespmem:$0x1F8F0];
	v12 =	vadd.f32 v48, v13;
	v51 =	vmul.f32 v30, v6;
	v6 =	vmul.f32 v38, v6  }
0x557: {  	v60 =	vld [tilespmem:$0x1F8A0];
	v8 =	vmul.f32 v8, v33;
	v1 =	vadd.f32 v59, v1;
	v9 =	vadd.f32 v47, v9  }
0x558: {  	v3 =	vadd.f32 v6, v3;
	v6 =	vld.idx.msk [tilespmem:v44+s15+$0x0], $0xffff;
	v5 =	vadd.f32 v54, v5  }
0x559: {  	v13 =	vmul.f32 v49, v45;
	v0 =	vadd.f32 v8, v0;
	v8 =	vld.idx.msk [tilespmem:v36+s17+$0x0], $0xffff;
	v2 =	vadd.f32 v51, v2  }
0x55a: {  	v4 =	vmul.f32 v4, v37;
	v12 =	vadd.f32 v57, v12;
	v5 =	vadd.f32 v62, v5;
	v62 =	vld [tilespmem:$0x1F8D0]  }
0x55b: {  	v10 =	vmul.f32 v52, v45;
	v1 =	vadd.f32 v63, v1;
	v9 =	vadd.f32 v56, v9  }
0x55c: {  	v0 =	vadd.f32 v4, v0;
	v2 =	vadd.f32 v13, v2;
	v4 =	vmul.f32 v35, v31  }
0x55d: {  	v3 =	vadd.f32 v10, v3;
	v9 =	vadd.f32 v60, v9;
	v61 =	vmul.f32 v55, v6  }
0x55e: {  	v4 =	vadd.f32 v4, v7;
	v8 =	vmul.f32 v8, v31;
	v6 =	vmul.f32 v58, v6  }
0x55f: {  	v11 =	vadd.f32 v62, v12;
	v2 =	vadd.f32 v61, v2  }
0x560: {  	v0 =	vadd.f32 v8, v0;
	v3 =	vadd.f32 v6, v3  }
0x561: {  	v5 =	vadd.f32 v11, v5;
	v2 =	vadd.f32 v2, v4  }
0x562: {  	v1 =	vadd.f32 v1, v9;
	v0 =	vadd.f32 v3, v0  }
0x563: {  	v2 =	vadd.f32 v2, v5  }
0x564: {  	s25 =	sadd.s32 $0x10, s25;
	v0 =	vadd.f32 v0, v1  }
0x565: {  	s24 =	sadd.s32 $0x10, s24;
	[tilespmem:s25+$0x0] =	vst v2  }
0x566: {  	[tilespmem:s24+$0x0] =	vst v0  }
0x567: {  	[hbm4b:s8+s2] =	stream.linear.scatter [tilespmem:s21], [sflag:$0x2], $0x200, $0x38;
	[tilespmem:$0x18A00] =	vst v63  }
0x568: {  	s23 =	sadd.s32 $0x1, s23;
	_ =	swait.ge [sflag:s11], $0x200  }
0x569: {  	p0 =	sne.s32 s23, s10;
	[sflag:s11] =	ssyncset.done $0x0  }
.Ltmp1:
0x56a: {  	[sflag:s11] =	ssyncadd.s32 $0xFFFFFE00;
	(pc) =	sbr.rel @p0 .LBB2_1-.Ltmp1, $4  }
0x56b: {  	[hbm4b:s9+s2] =	stream.linear.scatter [tilespmem:s22], [sflag:$0x2], $0x200, $0x38;
	[tilespmem:$0x18A00] =	vst v63  }
0x56c: {  	_ =	swait.ge [sflag:s11], $0x200  }
0x56d: {  	[sflag:s11] =	ssyncset.done $0x0  }
0x56e: {  	v6 =	vld [tilespmem:$0x1FFF0];
	[sflag:s11] =	ssyncadd.s32 $0xFFFFFE00  }
0x56f: {  	_ =	sfence.sel $0x180000  }
0x570: {  	[bflag:$0x0] =	sbarrier.arrive $0xFFFF  }
0x571: {  	_ =	strace $0x90000047  }
0x572: {  	s0 =	stileid.u32;
	[bflag:$0x2] =	sbarrier.arrive $0xFFFF  }
0x573: {  	p0 =	sne.s32 s0, $0x0;
	s0 =	rddreg [dreg:$0x6]  }
0x574: {  	s0 =	sadd.s32 @!p0 $0x100000, s0  }
0x575: {  	[sflag:s0] =	ssyncadd.tile.s32 @!p0 $0x1;
	_ =	shalt  }
.Lfunc_end2:
_tile_overlayer_lowered:
.L_overlay_start_2:
0x576: {  	(tag) =	ssettag $0x2  }
0x577: {  	s0 =	rddreg [dreg:$0x0];
	s2 =	stileid.u32  }
0x578: {  	s1 =	rddreg [dreg:$0x1];
	p0 =	sne.s32 s2, $0x0  }
0x579: {  	s3 =	rddreg [dreg:$0x2];
	[bflag:$0x3] =	sbarrier.arrive $0xFFFF;
	s2 =	simm.s32 @!p0 $0x1C02  }
0x57a: {  	[timem:s3], [sflag:s2] =	dma.local @!p0 [hbm:s0], s1  }
0x57b: {  	s0 =	simm.s32 @!p0 $0x2  }
0x57c: {  	_ =	swait.ge @!p0 [sflag:s0], s1  }
0x57d: {  	s1 =	ssub.s32 @!p0 $0x0, s1;
	[sflag:s0] =	ssyncset.done @!p0 $0x0  }
0x57e: {  	[sflag:s0] =	ssyncadd.s32 @!p0 s1  }
0x57f: {  	[bflag:$0x3] =	sbarrier.arrive $0xFFFF  }
0x580: {  	_ =	shalt  }

</sc_bundles>
